<compile_context>
chip_gen: v7x
topology: tpu7x:2x2x1
jax: 0.10.2.dev20260603
libtpu: 0.0.44.dev20260713+nightly
codegen_flags: <defaults>
</compile_context>

<pallas_src>
import functools

import jax
import jax.numpy as jnp
from jax import lax
from jax.experimental import pallas as pl
from jax.experimental.pallas import tpu as pltpu
from jax.experimental.pallas import tpu_sc as plsc

_N = 10000
_E = 320000
_D = 128
_G = 128
_OUT = 4

_NC = 2
_NS = 16
_NW = _NC * _NS
_EPW = _E // _NW
_CH = 80
_NCH = _EPW // _CH
_NP = 10240
_RPS = _NP // _NS
_NSB = 5
_SBC = _NCH // _NSB

_BLK = 1000
_NB = _N // _BLK


def _mesh():
  return plsc.VectorSubcoreMesh(core_axis_name="c", subcore_axis_name="s",
                                num_cores=_NC, num_subcores=_NS)


def _make_sc_agg():
  out_type = [jax.ShapeDtypeStruct((_NC, _NP, _D), jnp.float32)]
  scratch = [
      pltpu.VMEM((_SBC, _CH), jnp.int32),
      pltpu.VMEM((_SBC, _CH), jnp.int32),
      pltpu.VMEM((_CH, _D), jnp.float32),
      pltpu.VMEM((_CH, _D), jnp.float32),
      pltpu.VMEM((_CH, _D), jnp.float32),
      pltpu.VMEM_SHARED((_NP, _D), jnp.float32),
      pltpu.SemaphoreType.DMA,
      pltpu.SemaphoreType.DMA,
      pltpu.SemaphoreType.DMA,
  ]

  def body(x_hbm, src_hbm, dst_hbm, zeros_hbm, agg_out,
           srcv, dstv, rows0, rows1, rows2, aggsh, sem0, sem1, sem2):
    c = lax.axis_index("c")
    s = lax.axis_index("s")
    wid = c * _NS + s
    pltpu.sync_copy(src_hbm.at[wid, 0], srcv)
    pltpu.sync_copy(dst_hbm.at[wid, 0], dstv)
    pltpu.async_copy(x_hbm.at[srcv.at[0]], rows0, sem0)
    pltpu.async_copy(x_hbm.at[srcv.at[1]], rows1, sem1)
    pltpu.sync_copy(zeros_hbm.at[pl.ds(s * _RPS, _RPS)],
                    aggsh.at[pl.ds(s * _RPS, _RPS)])
    plsc.subcore_barrier()

    def superblock(b, carry):
      @pl.when(b > 0)
      def _():
        pltpu.sync_copy(src_hbm.at[wid, b], srcv)
        pltpu.sync_copy(dst_hbm.at[wid, b], dstv)
        pltpu.async_copy(x_hbm.at[srcv.at[0]], rows0, sem0)
        pltpu.async_copy(x_hbm.at[srcv.at[1]], rows1, sem1)

      def triple(t, carry2):
        base = 3 * t
        pltpu.async_copy(x_hbm.at[srcv.at[base + 2]], rows2, sem2)
        pltpu.make_async_copy(x_hbm.at[srcv.at[0]], rows0, sem0).wait()
        pltpu.sync_copy(rows0, aggsh.at[dstv.at[base]], add=True)

        pltpu.async_copy(x_hbm.at[srcv.at[base + 3]], rows0, sem0)
        pltpu.make_async_copy(x_hbm.at[srcv.at[0]], rows1, sem1).wait()
        pltpu.sync_copy(rows1, aggsh.at[dstv.at[base + 1]], add=True)

        @pl.when(base + 4 < _SBC)
        def _():
          pltpu.async_copy(x_hbm.at[srcv.at[base + 4]], rows1, sem1)

        pltpu.make_async_copy(x_hbm.at[srcv.at[0]], rows2, sem2).wait()
        pltpu.sync_copy(rows2, aggsh.at[dstv.at[base + 2]], add=True)
        return carry2

      lax.fori_loop(0, _SBC // 3, triple, 0)
      pltpu.make_async_copy(x_hbm.at[srcv.at[0]], rows0, sem0).wait()
      pltpu.sync_copy(rows0, aggsh.at[dstv.at[_SBC - 1]], add=True)
      return carry

    lax.fori_loop(0, _NSB, superblock, 0)

    plsc.subcore_barrier()
    pltpu.sync_copy(aggsh.at[pl.ds(s * _RPS, _RPS)],
                    agg_out.at[c, pl.ds(s * _RPS, _RPS)])

  return pl.kernel(body, out_type=out_type, mesh=_mesh(),
                   scratch_types=scratch, name="sc_agg")


_EBLK = 8000
_NEB = _E // _EBLK
_HB = _NP // _G


def _hist_body(dst_ref, out_ref):
  i = pl.program_id(0)

  @pl.when(i == 0)
  def _():
    out_ref[...] = jnp.zeros_like(out_ref)

  d = dst_ref[0, 0, :]
  hi = lax.shift_right_logical(d, 7)
  lo = jnp.bitwise_and(d, 127)
  oh_hi = (lax.broadcasted_iota(jnp.int32, (_HB, _EBLK), 0)
           == hi[None, :]).astype(jnp.bfloat16)
  oh_lo = (lax.broadcasted_iota(jnp.int32, (_EBLK, _G), 1)
           == lo[:, None]).astype(jnp.bfloat16)
  out_ref[...] += jnp.dot(oh_hi, oh_lo, preferred_element_type=jnp.float32)


def _hist_tc(dst3):
  return pl.pallas_call(
      _hist_body,
      grid=(_NEB,),
      in_specs=[pl.BlockSpec((1, 1, _EBLK), lambda i: (i, 0, 0))],
      out_specs=pl.BlockSpec((_HB, _G), lambda i: (0, 0)),
      out_shape=jax.ShapeDtypeStruct((_HB, _G), jnp.float32),
  )(dst3)


_sc_cache = {}


def _get_sc(name):
  if name not in _sc_cache:
    _sc_cache[name] = _make_sc_agg()
  return _sc_cache[name]


def _layer_body(aggp_ref, cnt_ref, x_ref, wlt_ref, bl_ref, wrt_ref, h_ref):
  agg = aggp_ref[0] + aggp_ref[1]
  cnt = cnt_ref[...]
  mm = jnp.dot(agg, wlt_ref[...], preferred_element_type=jnp.float32)
  self_mm = jnp.dot(x_ref[...], wrt_ref[...], preferred_element_type=jnp.float32)
  h = mm / jnp.maximum(cnt, 1.0) + bl_ref[...] + self_mm
  h_ref[...] = jnp.maximum(h, 0.0)


def _layer_tc(aggp, cnt, x, wlt, bl, wrt):
  return pl.pallas_call(
      _layer_body,
      grid=(_NB,),
      in_specs=[
          pl.BlockSpec((_NC, _BLK, _D), lambda i: (0, i, 0)),
          pl.BlockSpec((_BLK, 1), lambda i: (i, 0)),
          pl.BlockSpec((_BLK, _D), lambda i: (i, 0)),
          pl.BlockSpec((_D, _D), lambda i: (0, 0)),
          pl.BlockSpec((1, _D), lambda i: (0, 0)),
          pl.BlockSpec((_D, _D), lambda i: (0, 0)),
      ],
      out_specs=pl.BlockSpec((_BLK, _D), lambda i: (i, 0)),
      out_shape=jax.ShapeDtypeStruct((_N, _D), jnp.float32),
  )(aggp, cnt, x, wlt, bl, wrt)


def _final_body(aggp_ref, cnt_ref, h_ref, batch_ref, wlt_ref, bl_ref, wrt_ref,
                wlint_ref, blin_ref, out_ref, pooled_acc, gcnt_acc):
  i = pl.program_id(0)

  @pl.when(i == 0)
  def _():
    pooled_acc[...] = jnp.zeros_like(pooled_acc)
    gcnt_acc[...] = jnp.zeros_like(gcnt_acc)

  agg = aggp_ref[0] + aggp_ref[1]
  cnt = cnt_ref[...]
  mm = jnp.dot(agg, wlt_ref[...], preferred_element_type=jnp.float32)
  self_mm = jnp.dot(h_ref[...], wrt_ref[...], preferred_element_type=jnp.float32)
  h2 = jnp.maximum(mm / jnp.maximum(cnt, 1.0) + bl_ref[...] + self_mm, 0.0)

  b = batch_ref[0, 0, :]
  onehot = (lax.broadcasted_iota(jnp.int32, (_G, _BLK), 0)
            == b[None, :]).astype(jnp.float32)
  pooled_acc[...] += jnp.dot(onehot, h2, preferred_element_type=jnp.float32)
  gcnt_acc[...] += jnp.sum(onehot, axis=1, keepdims=True)

  @pl.when(i == _NB - 1)
  def _():
    pooled = pooled_acc[...] / jnp.maximum(gcnt_acc[...], 1.0)
    out_ref[...] = (jnp.dot(pooled, wlint_ref[...],
                            preferred_element_type=jnp.float32)
                    + blin_ref[...])


def _final_tc(aggp, cnt, h, batch3, wlt, bl, wrt, wlint_pad, blin_pad):
  return pl.pallas_call(
      _final_body,
      grid=(_NB,),
      in_specs=[
          pl.BlockSpec((_NC, _BLK, _D), lambda i: (0, i, 0)),
          pl.BlockSpec((_BLK, 1), lambda i: (i, 0)),
          pl.BlockSpec((_BLK, _D), lambda i: (i, 0)),
          pl.BlockSpec((1, 1, _BLK), lambda i: (i, 0, 0)),
          pl.BlockSpec((_D, _D), lambda i: (0, 0)),
          pl.BlockSpec((1, _D), lambda i: (0, 0)),
          pl.BlockSpec((_D, _D), lambda i: (0, 0)),
          pl.BlockSpec((_D, _D), lambda i: (0, 0)),
          pl.BlockSpec((1, _D), lambda i: (0, 0)),
      ],
      out_specs=pl.BlockSpec((_G, _D), lambda i: (0, 0)),
      out_shape=jax.ShapeDtypeStruct((_G, _D), jnp.float32),
      scratch_shapes=[
          pltpu.VMEM((_G, _D), jnp.float32),
          pltpu.VMEM((_G, 1), jnp.float32),
      ],
  )(aggp, cnt, h, batch3, wlt, bl, wrt, wlint_pad, blin_pad)


def kernel(x, edge_index, batch, Wl1, bl1, Wr1, Wl2, bl2, Wr2, Wlin, blin):
  src = edge_index[0].reshape(_NW, _NSB, _SBC, _CH)
  dst = edge_index[1].reshape(_NW, _NSB, _SBC, _CH)
  zeros = jnp.zeros((_NP, _D), jnp.float32)

  hist = _hist_tc(edge_index[1].reshape(_NEB, 1, _EBLK))
  (agg1p,) = _get_sc("agg")(x, src, dst, zeros)
  cnt = hist.reshape(_HB * _G, 1)[:_N]
  h1 = _layer_tc(agg1p, cnt, x, Wl1.T, bl1.reshape(1, _D), Wr1.T)
  (agg2p,) = _get_sc("agg")(h1, src, dst, zeros)

  batch3 = batch.reshape(_NB, 1, _BLK)
  wlint_pad = jnp.pad(Wlin, ((0, _D - _OUT), (0, 0))).T
  blin_pad = jnp.pad(blin, (0, _D - _OUT)).reshape(1, _D)
  out_pad = _final_tc(agg2p, cnt, h1, batch3, Wl2.T, bl2.reshape(1, _D),
                      Wr2.T, wlint_pad, blin_pad)
  return out_pad[:, :_OUT]

# --- scband reference (transcript-rebuilt; emitter-appended) ---
"""Pipeline reference for scband-gcn-6502580486349 (READ-ONLY COPY).

The authoritative reference and input builder live on the scoring server;
editing this copy changes nothing except your own understanding.
"""

import jax, jax.numpy as jnp
import numpy as np

N = 10000
E = 320000
D = 128
H = 128
G = 128
OUT = 4


def setup_inputs(seed: int = 0) -> dict:
    key = jax.random.key(seed)
    ks = jax.random.split(key, 12)
    x = jax.random.normal(ks[0], (N, D), dtype=jnp.float32)
    edge_index = jax.random.randint(ks[1], (2, E), 0, N, dtype=jnp.int32)
    batch = jnp.sort(jax.random.randint(ks[2], (N,), 0, G, dtype=jnp.int32))
    # SAGEConv params: lin_l (applied to aggregated neighbors, with bias), lin_r (applied to self, no bias)
    Wl1 = jax.random.normal(ks[3], (H, D), dtype=jnp.float32) / np.sqrt(D)
    bl1 = jnp.zeros((H,), dtype=jnp.float32)
    Wr1 = jax.random.normal(ks[4], (H, D), dtype=jnp.float32) / np.sqrt(D)
    Wl2 = jax.random.normal(ks[5], (H, H), dtype=jnp.float32) / np.sqrt(H)
    bl2 = jnp.zeros((H,), dtype=jnp.float32)
    Wr2 = jax.random.normal(ks[6], (H, H), dtype=jnp.float32) / np.sqrt(H)
    Wlin = jax.random.normal(ks[7], (OUT, H), dtype=jnp.float32) / np.sqrt(H)
    blin = jnp.zeros((OUT,), dtype=jnp.float32)
    return {"x": x, "edge_index": edge_index, "batch": batch,
            "Wl1": Wl1, "bl1": bl1, "Wr1": Wr1,
            "Wl2": Wl2, "bl2": bl2, "Wr2": Wr2,
            "Wlin": Wlin, "blin": blin}


def _sage_conv(x, edge_index, Wl, bl, Wr):
    src = edge_index[0]
    dst = edge_index[1]
    msg = jnp.take(x, src, axis=0)
    agg = jax.ops.segment_sum(msg, dst, num_segments=x.shape[0])
    cnt = jax.ops.segment_sum(jnp.ones((msg.shape[0],), dtype=msg.dtype), dst, num_segments=x.shape[0])
    mean = agg / jnp.clip(cnt, 1.0)[:, None]
    return mean @ Wl.T + bl + x @ Wr.T


def _global_mean_pool(x, batch, num_graphs):
    summed = jax.ops.segment_sum(x, batch, num_segments=num_graphs)
    cnt = jax.ops.segment_sum(jnp.ones((x.shape[0],), dtype=x.dtype), batch, num_segments=num_graphs)
    return summed / jnp.clip(cnt, 1.0)[:, None]


def reference(x, edge_index, batch, Wl1, bl1, Wr1, Wl2, bl2, Wr2, Wlin, blin):
    h = _sage_conv(x, edge_index, Wl1, bl1, Wr1)
    h = jax.nn.relu(h)
    h = _sage_conv(h, edge_index, Wl2, bl2, Wr2)
    h = jax.nn.relu(h)
    pooled = _global_mean_pool(h, batch, G)
    # dropout p=0.07 is identity at inference
    out = pooled @ Wlin.T + blin
    return out

if __name__ == "__main__":
    import jax
    _d = setup_inputs()
    print(jax.jit(kernel)(*tuple(_d.values())))

</pallas_src>

<mosaic_0001>
#map = affine_map<(d0, d1) -> (0, 0)>
#map1 = affine_map<(d0, d1) -> (0, 0, 0, 0)>
#map2 = affine_map<(d0, d1) -> (0, 0, 0)>
module attributes {stable_mosaic.version = 14 : i64} {
  func.func @sc_agg(%arg0: i32, %arg1: i32, %arg2: memref<10000x128xf32, #tpu.memory_space<hbm>>, %arg3: memref<32x5x25x80xi32, #tpu.memory_space<hbm>>, %arg4: memref<32x5x25x80xi32, #tpu.memory_space<hbm>>, %arg5: memref<10240x128xf32, #tpu.memory_space<hbm>>, %arg6: memref<2x10240x128xf32, #tpu.memory_space<hbm>>, %arg7: memref<25x80xi32, #tpu.memory_space<vmem>>, %arg8: memref<25x80xi32, #tpu.memory_space<vmem>>, %arg9: memref<80x128xf32, #tpu.memory_space<vmem>>, %arg10: memref<80x128xf32, #tpu.memory_space<vmem>>, %arg11: memref<80x128xf32, #tpu.memory_space<vmem>>, %arg12: memref<10240x128xf32, #tpu.memory_space<vmem_shared>>, %arg13: memref<!tpu.dma_semaphore, #tpu.memory_space<semaphore_mem>>, %arg14: memref<!tpu.dma_semaphore, #tpu.memory_space<semaphore_mem>>, %arg15: memref<!tpu.dma_semaphore, #tpu.memory_space<semaphore_mem>>) attributes {dimension_semantics = [#tpu.dimension_semantics<core_parallel>, #tpu.dimension_semantics<subcore_parallel>], iteration_bounds = array<i64: 2, 16>, scalar_prefetch = 0 : i64, scratch_operands = 9 : i64, tpu.core_type = #tpu.core_type<sc_vector_subcore>, window_params = [{transform_indices = #map}, {transform_indices = #map1}, {transform_indices = #map1}, {transform_indices = #map}, {transform_indices = #map2}]} {
    %mul3A = arith.constant 16 : i32
    %mul3A_0 = arith.muli %arg0, %mul3A : i32
    %add3A = arith.addi %mul3A_0, %arg1 : i32
    %run_scoped3A = arith.constant 0 : i32
    "tpu.region"() ({
      %run_scoped3A_29 = tpu.sem_alloc : memref<!tpu.dma_semaphore, #tpu.memory_space<semaphore_mem>>
      %dma_start3A_30 = arith.constant 0 : i32
      %dma_start3A_31 = arith.constant 0 : i32
      %dma_start3A_32 = tpu.memref_slice %arg3[%add3A, %run_scoped3A, %dma_start3A_30, %dma_start3A_31] : memref<32x5x25x80xi32, #tpu.memory_space<hbm>> -> memref<1x1x25x80xi32, #tpu.memory_space<hbm>>
      %dma_start3A_33 = tpu.memref_squeeze %dma_start3A_32 : memref<1x1x25x80xi32, #tpu.memory_space<hbm>> -> memref<25x80xi32, #tpu.memory_space<hbm>>
      %dma_start3A_34 = arith.constant 0 : i32
      %dma_start3A_35 = arith.constant 0 : i32
      %dma_start3A_36 = tpu.memref_slice %arg3[%add3A, %run_scoped3A, %dma_start3A_34, %dma_start3A_35] : memref<32x5x25x80xi32, #tpu.memory_space<hbm>> -> memref<1x1x25x80xi32, #tpu.memory_space<hbm>>
      %dma_start3A_37 = tpu.memref_squeeze %dma_start3A_36 : memref<1x1x25x80xi32, #tpu.memory_space<hbm>> -> memref<25x80xi32, #tpu.memory_space<hbm>>
      tpu.enqueue_dma source(%dma_start3A_37 : memref<25x80xi32, #tpu.memory_space<hbm>>) target(%arg7 : memref<25x80xi32, #tpu.memory_space<vmem>>) target_semaphore(%run_scoped3A_29 : memref<!tpu.dma_semaphore, #tpu.memory_space<semaphore_mem>>)
      %dma_wait3A = arith.constant 0 : i32
      %dma_wait3A_38 = arith.constant 0 : i32
      %dma_wait3A_39 = tpu.memref_slice %arg3[%add3A, %run_scoped3A, %dma_wait3A, %dma_wait3A_38] : memref<32x5x25x80xi32, #tpu.memory_space<hbm>> -> memref<1x1x25x80xi32, #tpu.memory_space<hbm>>
      %dma_wait3A_40 = tpu.memref_squeeze %dma_wait3A_39 : memref<1x1x25x80xi32, #tpu.memory_space<hbm>> -> memref<25x80xi32, #tpu.memory_space<hbm>>
      %dma_wait3A_41 = arith.constant 0 : i32
      %dma_wait3A_42 = arith.constant 0 : i32
      %dma_wait3A_43 = tpu.memref_slice %arg3[%add3A, %run_scoped3A, %dma_wait3A_41, %dma_wait3A_42] : memref<32x5x25x80xi32, #tpu.memory_space<hbm>> -> memref<1x1x25x80xi32, #tpu.memory_space<hbm>>
      %dma_wait3A_44 = tpu.memref_squeeze %dma_wait3A_43 : memref<1x1x25x80xi32, #tpu.memory_space<hbm>> -> memref<25x80xi32, #tpu.memory_space<hbm>>
      tpu.wait_dma2 semaphore(%run_scoped3A_29 : memref<!tpu.dma_semaphore, #tpu.memory_space<semaphore_mem>>) src(%dma_wait3A_44 : memref<25x80xi32, #tpu.memory_space<hbm>>) dst(%arg7 : memref<25x80xi32, #tpu.memory_space<vmem>>)
      tpu.yield
    }) : () -> ()
    %run_scoped3A_1 = arith.constant 0 : i32
    "tpu.region"() ({
      %run_scoped3A_29 = tpu.sem_alloc : memref<!tpu.dma_semaphore, #tpu.memory_space<semaphore_mem>>
      %dma_start3A_30 = arith.constant 0 : i32
      %dma_start3A_31 = arith.constant 0 : i32
      %dma_start3A_32 = tpu.memref_slice %arg4[%add3A, %run_scoped3A_1, %dma_start3A_30, %dma_start3A_31] : memref<32x5x25x80xi32, #tpu.memory_space<hbm>> -> memref<1x1x25x80xi32, #tpu.memory_space<hbm>>
      %dma_start3A_33 = tpu.memref_squeeze %dma_start3A_32 : memref<1x1x25x80xi32, #tpu.memory_space<hbm>> -> memref<25x80xi32, #tpu.memory_space<hbm>>
      %dma_start3A_34 = arith.constant 0 : i32
      %dma_start3A_35 = arith.constant 0 : i32
      %dma_start3A_36 = tpu.memref_slice %arg4[%add3A, %run_scoped3A_1, %dma_start3A_34, %dma_start3A_35] : memref<32x5x25x80xi32, #tpu.memory_space<hbm>> -> memref<1x1x25x80xi32, #tpu.memory_space<hbm>>
      %dma_start3A_37 = tpu.memref_squeeze %dma_start3A_36 : memref<1x1x25x80xi32, #tpu.memory_space<hbm>> -> memref<25x80xi32, #tpu.memory_space<hbm>>
      tpu.enqueue_dma source(%dma_start3A_37 : memref<25x80xi32, #tpu.memory_space<hbm>>) target(%arg8 : memref<25x80xi32, #tpu.memory_space<vmem>>) target_semaphore(%run_scoped3A_29 : memref<!tpu.dma_semaphore, #tpu.memory_space<semaphore_mem>>)
      %dma_wait3A = arith.constant 0 : i32
      %dma_wait3A_38 = arith.constant 0 : i32
      %dma_wait3A_39 = tpu.memref_slice %arg4[%add3A, %run_scoped3A_1, %dma_wait3A, %dma_wait3A_38] : memref<32x5x25x80xi32, #tpu.memory_space<hbm>> -> memref<1x1x25x80xi32, #tpu.memory_space<hbm>>
      %dma_wait3A_40 = tpu.memref_squeeze %dma_wait3A_39 : memref<1x1x25x80xi32, #tpu.memory_space<hbm>> -> memref<25x80xi32, #tpu.memory_space<hbm>>
      %dma_wait3A_41 = arith.constant 0 : i32
      %dma_wait3A_42 = arith.constant 0 : i32
      %dma_wait3A_43 = tpu.memref_slice %arg4[%add3A, %run_scoped3A_1, %dma_wait3A_41, %dma_wait3A_42] : memref<32x5x25x80xi32, #tpu.memory_space<hbm>> -> memref<1x1x25x80xi32, #tpu.memory_space<hbm>>
      %dma_wait3A_44 = tpu.memref_squeeze %dma_wait3A_43 : memref<1x1x25x80xi32, #tpu.memory_space<hbm>> -> memref<25x80xi32, #tpu.memory_space<hbm>>
      tpu.wait_dma2 semaphore(%run_scoped3A_29 : memref<!tpu.dma_semaphore, #tpu.memory_space<semaphore_mem>>) src(%dma_wait3A_44 : memref<25x80xi32, #tpu.memory_space<hbm>>) dst(%arg8 : memref<25x80xi32, #tpu.memory_space<vmem>>)
      tpu.yield
    }) : () -> ()
    %dma_start3A = arith.constant 0 : i32
    %dma_start3A_2 = arith.constant 0 : i32
    %dma_start3A_3 = tpu.memref_slice %arg7[%dma_start3A, %dma_start3A_2] : memref<25x80xi32, #tpu.memory_space<vmem>> -> memref<1x80xi32, #tpu.memory_space<vmem>>
    %dma_start3A_4 = tpu.memref_squeeze %dma_start3A_3 : memref<1x80xi32, #tpu.memory_space<vmem>> -> memref<80xi32, #tpu.memory_space<vmem>>
    %dma_start3A_5 = arith.constant 0 : i32
    %dma_start3A_6 = arith.constant 0 : i32
    %dma_start3A_7 = tpu.memref_slice %arg2[%dma_start3A_5, %dma_start3A_6] : memref<10000x128xf32, #tpu.memory_space<hbm>> -> memref<10000x128xf32, #tpu.memory_space<hbm>>
    tpu.enqueue_indirect_dma source(%dma_start3A_7 : memref<10000x128xf32, #tpu.memory_space<hbm>>) target(%arg9 : memref<80x128xf32, #tpu.memory_space<vmem>>) offsets(%dma_start3A_4 : memref<80xi32, #tpu.memory_space<vmem>>) semaphore(%arg13 : memref<!tpu.dma_semaphore, #tpu.memory_space<semaphore_mem>>)
    %dma_start3A_8 = arith.constant 1 : i32
    %dma_start3A_9 = arith.constant 0 : i32
    %dma_start3A_10 = tpu.memref_slice %arg7[%dma_start3A_8, %dma_start3A_9] : memref<25x80xi32, #tpu.memory_space<vmem>> -> memref<1x80xi32, #tpu.memory_space<vmem>>
    %dma_start3A_11 = tpu.memref_squeeze %dma_start3A_10 : memref<1x80xi32, #tpu.memory_space<vmem>> -> memref<80xi32, #tpu.memory_space<vmem>>
    %dma_start3A_12 = arith.constant 0 : i32
    %dma_start3A_13 = arith.constant 0 : i32
    %dma_start3A_14 = tpu.memref_slice %arg2[%dma_start3A_12, %dma_start3A_13] : memref<10000x128xf32, #tpu.memory_space<hbm>> -> memref<10000x128xf32, #tpu.memory_space<hbm>>
    tpu.enqueue_indirect_dma source(%dma_start3A_14 : memref<10000x128xf32, #tpu.memory_space<hbm>>) target(%arg10 : memref<80x128xf32, #tpu.memory_space<vmem>>) offsets(%dma_start3A_11 : memref<80xi32, #tpu.memory_space<vmem>>) semaphore(%arg14 : memref<!tpu.dma_semaphore, #tpu.memory_space<semaphore_mem>>)
    %mul3A_15 = arith.constant 640 : i32
    %mul3A_16 = arith.muli %arg1, %mul3A_15 : i32
    %mul3A_17 = arith.constant 640 : i32
    %mul3A_18 = arith.muli %arg1, %mul3A_17 : i32
    "tpu.region"() ({
      %run_scoped3A_29 = tpu.sem_alloc : memref<!tpu.dma_semaphore, #tpu.memory_space<semaphore_mem>>
      %dma_start3A_30 = arith.constant 0 : i32
      %dma_start3A_31 = tpu.memref_slice %arg12[%mul3A_18, %dma_start3A_30] : memref<10240x128xf32, #tpu.memory_space<vmem_shared>> -> memref<640x128xf32, #tpu.memory_space<vmem_shared>>
      %dma_start3A_32 = arith.constant 0 : i32
      %dma_start3A_33 = tpu.memref_slice %arg5[%mul3A_16, %dma_start3A_32] : memref<10240x128xf32, #tpu.memory_space<hbm>> -> memref<640x128xf32, #tpu.memory_space<hbm>>
      tpu.enqueue_dma source(%dma_start3A_33 : memref<640x128xf32, #tpu.memory_space<hbm>>) target(%dma_start3A_31 : memref<640x128xf32, #tpu.memory_space<vmem_shared>>) target_semaphore(%run_scoped3A_29 : memref<!tpu.dma_semaphore, #tpu.memory_space<semaphore_mem>>)
      %dma_wait3A = arith.constant 0 : i32
      %dma_wait3A_34 = tpu.memref_slice %arg12[%mul3A_18, %dma_wait3A] : memref<10240x128xf32, #tpu.memory_space<vmem_shared>> -> memref<640x128xf32, #tpu.memory_space<vmem_shared>>
      %dma_wait3A_35 = arith.constant 0 : i32
      %dma_wait3A_36 = tpu.memref_slice %arg5[%mul3A_16, %dma_wait3A_35] : memref<10240x128xf32, #tpu.memory_space<hbm>> -> memref<640x128xf32, #tpu.memory_space<hbm>>
      tpu.wait_dma2 semaphore(%run_scoped3A_29 : memref<!tpu.dma_semaphore, #tpu.memory_space<semaphore_mem>>) src(%dma_wait3A_36 : memref<640x128xf32, #tpu.memory_space<hbm>>) dst(%dma_wait3A_34 : memref<640x128xf32, #tpu.memory_space<vmem_shared>>)
      tpu.yield
    }) : () -> ()
    %barrier3A = arith.constant 0 : index
    tpu.barrier barrier_id(%barrier3A)
    %scan3A = arith.constant 0 : i32
    %scan3A_19 = arith.constant 0 : i32
    %scan3A_20 = arith.constant 5 : i32
    %scan3A_21 = arith.addi %scan3A_19, %scan3A_20 : i32
    %scan3A_22 = arith.constant 1 : i32
    scf.for %scan3A_29 = %scan3A_19 to %scan3A_21 step %scan3A_22  : i32 {
      %gt3A = arith.constant 0 : i32
      %gt3A_30 = arith.cmpi sgt, %scan3A_29, %gt3A : i32
      %convert_element_type3A = arith.extui %gt3A_30 : i1 to i32
      %cond3A = arith.constant 0 : i32
      %cond3A_31 = arith.cmpi ne, %convert_element_type3A, %cond3A : i32
      scf.if %cond3A_31 {
        "tpu.region"() ({
          %run_scoped3A_59 = tpu.sem_alloc : memref<!tpu.dma_semaphore, #tpu.memory_space<semaphore_mem>>
          %dma_start3A_60 = arith.constant 0 : i32
          %dma_start3A_61 = arith.constant 0 : i32
          %dma_start3A_62 = tpu.memref_slice %arg3[%add3A, %scan3A_29, %dma_start3A_60, %dma_start3A_61] : memref<32x5x25x80xi32, #tpu.memory_space<hbm>> -> memref<1x1x25x80xi32, #tpu.memory_space<hbm>>
          %dma_start3A_63 = tpu.memref_squeeze %dma_start3A_62 : memref<1x1x25x80xi32, #tpu.memory_space<hbm>> -> memref<25x80xi32, #tpu.memory_space<hbm>>
          %dma_start3A_64 = arith.constant 0 : i32
          %dma_start3A_65 = arith.constant 0 : i32
          %dma_start3A_66 = tpu.memref_slice %arg3[%add3A, %scan3A_29, %dma_start3A_64, %dma_start3A_65] : memref<32x5x25x80xi32, #tpu.memory_space<hbm>> -> memref<1x1x25x80xi32, #tpu.memory_space<hbm>>
          %dma_start3A_67 = tpu.memref_squeeze %dma_start3A_66 : memref<1x1x25x80xi32, #tpu.memory_space<hbm>> -> memref<25x80xi32, #tpu.memory_space<hbm>>
          tpu.enqueue_dma source(%dma_start3A_67 : memref<25x80xi32, #tpu.memory_space<hbm>>) target(%arg7 : memref<25x80xi32, #tpu.memory_space<vmem>>) target_semaphore(%run_scoped3A_59 : memref<!tpu.dma_semaphore, #tpu.memory_space<semaphore_mem>>)
          %dma_wait3A_68 = arith.constant 0 : i32
          %dma_wait3A_69 = arith.constant 0 : i32
          %dma_wait3A_70 = tpu.memref_slice %arg3[%add3A, %scan3A_29, %dma_wait3A_68, %dma_wait3A_69] : memref<32x5x25x80xi32, #tpu.memory_space<hbm>> -> memref<1x1x25x80xi32, #tpu.memory_space<hbm>>
          %dma_wait3A_71 = tpu.memref_squeeze %dma_wait3A_70 : memref<1x1x25x80xi32, #tpu.memory_space<hbm>> -> memref<25x80xi32, #tpu.memory_space<hbm>>
          %dma_wait3A_72 = arith.constant 0 : i32
          %dma_wait3A_73 = arith.constant 0 : i32
          %dma_wait3A_74 = tpu.memref_slice %arg3[%add3A, %scan3A_29, %dma_wait3A_72, %dma_wait3A_73] : memref<32x5x25x80xi32, #tpu.memory_space<hbm>> -> memref<1x1x25x80xi32, #tpu.memory_space<hbm>>
          %dma_wait3A_75 = tpu.memref_squeeze %dma_wait3A_74 : memref<1x1x25x80xi32, #tpu.memory_space<hbm>> -> memref<25x80xi32, #tpu.memory_space<hbm>>
          tpu.wait_dma2 semaphore(%run_scoped3A_59 : memref<!tpu.dma_semaphore, #tpu.memory_space<semaphore_mem>>) src(%dma_wait3A_75 : memref<25x80xi32, #tpu.memory_space<hbm>>) dst(%arg7 : memref<25x80xi32, #tpu.memory_space<vmem>>)
          tpu.yield
        }) : () -> ()
        "tpu.region"() ({
          %run_scoped3A_59 = tpu.sem_alloc : memref<!tpu.dma_semaphore, #tpu.memory_space<semaphore_mem>>
          %dma_start3A_60 = arith.constant 0 : i32
          %dma_start3A_61 = arith.constant 0 : i32
          %dma_start3A_62 = tpu.memref_slice %arg4[%add3A, %scan3A_29, %dma_start3A_60, %dma_start3A_61] : memref<32x5x25x80xi32, #tpu.memory_space<hbm>> -> memref<1x1x25x80xi32, #tpu.memory_space<hbm>>
          %dma_start3A_63 = tpu.memref_squeeze %dma_start3A_62 : memref<1x1x25x80xi32, #tpu.memory_space<hbm>> -> memref<25x80xi32, #tpu.memory_space<hbm>>
          %dma_start3A_64 = arith.constant 0 : i32
          %dma_start3A_65 = arith.constant 0 : i32
          %dma_start3A_66 = tpu.memref_slice %arg4[%add3A, %scan3A_29, %dma_start3A_64, %dma_start3A_65] : memref<32x5x25x80xi32, #tpu.memory_space<hbm>> -> memref<1x1x25x80xi32, #tpu.memory_space<hbm>>
          %dma_start3A_67 = tpu.memref_squeeze %dma_start3A_66 : memref<1x1x25x80xi32, #tpu.memory_space<hbm>> -> memref<25x80xi32, #tpu.memory_space<hbm>>
          tpu.enqueue_dma source(%dma_start3A_67 : memref<25x80xi32, #tpu.memory_space<hbm>>) target(%arg8 : memref<25x80xi32, #tpu.memory_space<vmem>>) target_semaphore(%run_scoped3A_59 : memref<!tpu.dma_semaphore, #tpu.memory_space<semaphore_mem>>)
          %dma_wait3A_68 = arith.constant 0 : i32
          %dma_wait3A_69 = arith.constant 0 : i32
          %dma_wait3A_70 = tpu.memref_slice %arg4[%add3A, %scan3A_29, %dma_wait3A_68, %dma_wait3A_69] : memref<32x5x25x80xi32, #tpu.memory_space<hbm>> -> memref<1x1x25x80xi32, #tpu.memory_space<hbm>>
          %dma_wait3A_71 = tpu.memref_squeeze %dma_wait3A_70 : memref<1x1x25x80xi32, #tpu.memory_space<hbm>> -> memref<25x80xi32, #tpu.memory_space<hbm>>
          %dma_wait3A_72 = arith.constant 0 : i32
          %dma_wait3A_73 = arith.constant 0 : i32
          %dma_wait3A_74 = tpu.memref_slice %arg4[%add3A, %scan3A_29, %dma_wait3A_72, %dma_wait3A_73] : memref<32x5x25x80xi32, #tpu.memory_space<hbm>> -> memref<1x1x25x80xi32, #tpu.memory_space<hbm>>
          %dma_wait3A_75 = tpu.memref_squeeze %dma_wait3A_74 : memref<1x1x25x80xi32, #tpu.memory_space<hbm>> -> memref<25x80xi32, #tpu.memory_space<hbm>>
          tpu.wait_dma2 semaphore(%run_scoped3A_59 : memref<!tpu.dma_semaphore, #tpu.memory_space<semaphore_mem>>) src(%dma_wait3A_75 : memref<25x80xi32, #tpu.memory_space<hbm>>) dst(%arg8 : memref<25x80xi32, #tpu.memory_space<vmem>>)
          tpu.yield
        }) : () -> ()
        %dma_start3A_45 = arith.constant 0 : i32
        %dma_start3A_46 = arith.constant 0 : i32
        %dma_start3A_47 = tpu.memref_slice %arg7[%dma_start3A_45, %dma_start3A_46] : memref<25x80xi32, #tpu.memory_space<vmem>> -> memref<1x80xi32, #tpu.memory_space<vmem>>
        %dma_start3A_48 = tpu.memref_squeeze %dma_start3A_47 : memref<1x80xi32, #tpu.memory_space<vmem>> -> memref<80xi32, #tpu.memory_space<vmem>>
        %dma_start3A_49 = arith.constant 0 : i32
        %dma_start3A_50 = arith.constant 0 : i32
        %dma_start3A_51 = tpu.memref_slice %arg2[%dma_start3A_49, %dma_start3A_50] : memref<10000x128xf32, #tpu.memory_space<hbm>> -> memref<10000x128xf32, #tpu.memory_space<hbm>>
        tpu.enqueue_indirect_dma source(%dma_start3A_51 : memref<10000x128xf32, #tpu.memory_space<hbm>>) target(%arg9 : memref<80x128xf32, #tpu.memory_space<vmem>>) offsets(%dma_start3A_48 : memref<80xi32, #tpu.memory_space<vmem>>) semaphore(%arg13 : memref<!tpu.dma_semaphore, #tpu.memory_space<semaphore_mem>>)
        %dma_start3A_52 = arith.constant 1 : i32
        %dma_start3A_53 = arith.constant 0 : i32
        %dma_start3A_54 = tpu.memref_slice %arg7[%dma_start3A_52, %dma_start3A_53] : memref<25x80xi32, #tpu.memory_space<vmem>> -> memref<1x80xi32, #tpu.memory_space<vmem>>
        %dma_start3A_55 = tpu.memref_squeeze %dma_start3A_54 : memref<1x80xi32, #tpu.memory_space<vmem>> -> memref<80xi32, #tpu.memory_space<vmem>>
        %dma_start3A_56 = arith.constant 0 : i32
        %dma_start3A_57 = arith.constant 0 : i32
        %dma_start3A_58 = tpu.memref_slice %arg2[%dma_start3A_56, %dma_start3A_57] : memref<10000x128xf32, #tpu.memory_space<hbm>> -> memref<10000x128xf32, #tpu.memory_space<hbm>>
        tpu.enqueue_indirect_dma source(%dma_start3A_58 : memref<10000x128xf32, #tpu.memory_space<hbm>>) target(%arg10 : memref<80x128xf32, #tpu.memory_space<vmem>>) offsets(%dma_start3A_55 : memref<80xi32, #tpu.memory_space<vmem>>) semaphore(%arg14 : memref<!tpu.dma_semaphore, #tpu.memory_space<semaphore_mem>>)
      } else {
      }
      %scan3A_32 = arith.constant 0 : i32
      %scan3A_33 = arith.constant 0 : i32
      %scan3A_34 = arith.constant 8 : i32
      %scan3A_35 = arith.addi %scan3A_33, %scan3A_34 : i32
      %scan3A_36 = arith.constant 1 : i32
      scf.for %scan3A_45 = %scan3A_33 to %scan3A_35 step %scan3A_36  : i32 {
        %mul3A_46 = arith.constant 3 : i32
        %mul3A_47 = arith.muli %mul3A_46, %scan3A_45 : i32
        %add3A_48 = arith.constant 2 : i32
        %add3A_49 = arith.addi %mul3A_47, %add3A_48 : i32
        %dma_start3A_50 = arith.constant 0 : i32
        %dma_start3A_51 = tpu.memref_slice %arg7[%add3A_49, %dma_start3A_50] : memref<25x80xi32, #tpu.memory_space<vmem>> -> memref<1x80xi32, #tpu.memory_space<vmem>>
        %dma_start3A_52 = tpu.memref_squeeze %dma_start3A_51 : memref<1x80xi32, #tpu.memory_space<vmem>> -> memref<80xi32, #tpu.memory_space<vmem>>
        %dma_start3A_53 = arith.constant 0 : i32
        %dma_start3A_54 = arith.constant 0 : i32
        %dma_start3A_55 = tpu.memref_slice %arg2[%dma_start3A_53, %dma_start3A_54] : memref<10000x128xf32, #tpu.memory_space<hbm>> -> memref<10000x128xf32, #tpu.memory_space<hbm>>
        tpu.enqueue_indirect_dma source(%dma_start3A_55 : memref<10000x128xf32, #tpu.memory_space<hbm>>) target(%arg11 : memref<80x128xf32, #tpu.memory_space<vmem>>) offsets(%dma_start3A_52 : memref<80xi32, #tpu.memory_space<vmem>>) semaphore(%arg15 : memref<!tpu.dma_semaphore, #tpu.memory_space<semaphore_mem>>)
        %dma_wait3A_56 = arith.constant 0 : i32
        %dma_wait3A_57 = arith.constant 0 : i32
        %dma_wait3A_58 = tpu.memref_slice %arg7[%dma_wait3A_56, %dma_wait3A_57] : memref<25x80xi32, #tpu.memory_space<vmem>> -> memref<1x80xi32, #tpu.memory_space<vmem>>
        %dma_wait3A_59 = tpu.memref_squeeze %dma_wait3A_58 : memref<1x80xi32, #tpu.memory_space<vmem>> -> memref<80xi32, #tpu.memory_space<vmem>>
        %dma_wait3A_60 = arith.constant 0 : i32
        %dma_wait3A_61 = arith.constant 0 : i32
        %dma_wait3A_62 = tpu.memref_slice %arg2[%dma_wait3A_60, %dma_wait3A_61] : memref<10000x128xf32, #tpu.memory_space<hbm>> -> memref<10000x128xf32, #tpu.memory_space<hbm>>
        tpu.wait_indirect_dma semaphore(%arg13 : memref<!tpu.dma_semaphore, #tpu.memory_space<semaphore_mem>>) src(%dma_wait3A_62 : memref<10000x128xf32, #tpu.memory_space<hbm>>) dst(%arg9 : memref<80x128xf32, #tpu.memory_space<vmem>>)
        "tpu.region"() ({
          %run_scoped3A_95 = tpu.sem_alloc : memref<!tpu.dma_semaphore, #tpu.memory_space<semaphore_mem>>
          %dma_start3A_96 = arith.constant 0 : i32
          %dma_start3A_97 = tpu.memref_slice %arg8[%mul3A_47, %dma_start3A_96] : memref<25x80xi32, #tpu.memory_space<vmem>> -> memref<1x80xi32, #tpu.memory_space<vmem>>
          %dma_start3A_98 = tpu.memref_squeeze %dma_start3A_97 : memref<1x80xi32, #tpu.memory_space<vmem>> -> memref<80xi32, #tpu.memory_space<vmem>>
          %dma_start3A_99 = arith.constant 0 : i32
          %dma_start3A_100 = arith.constant 0 : i32
          %dma_start3A_101 = tpu.memref_slice %arg12[%dma_start3A_99, %dma_start3A_100] : memref<10240x128xf32, #tpu.memory_space<vmem_shared>> -> memref<10240x128xf32, #tpu.memory_space<vmem_shared>>
          tpu.enqueue_indirect_dma source(%arg9 : memref<80x128xf32, #tpu.memory_space<vmem>>) target(%dma_start3A_101 : memref<10240x128xf32, #tpu.memory_space<vmem_shared>>) offsets(%dma_start3A_98 : memref<80xi32, #tpu.memory_space<vmem>>) semaphore(%run_scoped3A_95 : memref<!tpu.dma_semaphore, #tpu.memory_space<semaphore_mem>>) {add = true}
          %dma_wait3A_102 = arith.constant 0 : i32
          %dma_wait3A_103 = tpu.memref_slice %arg8[%mul3A_47, %dma_wait3A_102] : memref<25x80xi32, #tpu.memory_space<vmem>> -> memref<1x80xi32, #tpu.memory_space<vmem>>
          %dma_wait3A_104 = tpu.memref_squeeze %dma_wait3A_103 : memref<1x80xi32, #tpu.memory_space<vmem>> -> memref<80xi32, #tpu.memory_space<vmem>>
          %dma_wait3A_105 = arith.constant 0 : i32
          %dma_wait3A_106 = arith.constant 0 : i32
          %dma_wait3A_107 = tpu.memref_slice %arg12[%dma_wait3A_105, %dma_wait3A_106] : memref<10240x128xf32, #tpu.memory_space<vmem_shared>> -> memref<10240x128xf32, #tpu.memory_space<vmem_shared>>
          tpu.wait_indirect_dma semaphore(%run_scoped3A_95 : memref<!tpu.dma_semaphore, #tpu.memory_space<semaphore_mem>>) src(%arg9 : memref<80x128xf32, #tpu.memory_space<vmem>>) dst(%dma_wait3A_107 : memref<10240x128xf32, #tpu.memory_space<vmem_shared>>)
          tpu.yield
        }) : () -> ()
        %add3A_63 = arith.constant 3 : i32
        %add3A_64 = arith.addi %mul3A_47, %add3A_63 : i32
        %dma_start3A_65 = arith.constant 0 : i32
        %dma_start3A_66 = tpu.memref_slice %arg7[%add3A_64, %dma_start3A_65] : memref<25x80xi32, #tpu.memory_space<vmem>> -> memref<1x80xi32, #tpu.memory_space<vmem>>
        %dma_start3A_67 = tpu.memref_squeeze %dma_start3A_66 : memref<1x80xi32, #tpu.memory_space<vmem>> -> memref<80xi32, #tpu.memory_space<vmem>>
        %dma_start3A_68 = arith.constant 0 : i32
        %dma_start3A_69 = arith.constant 0 : i32
        %dma_start3A_70 = tpu.memref_slice %arg2[%dma_start3A_68, %dma_start3A_69] : memref<10000x128xf32, #tpu.memory_space<hbm>> -> memref<10000x128xf32, #tpu.memory_space<hbm>>
        tpu.enqueue_indirect_dma source(%dma_start3A_70 : memref<10000x128xf32, #tpu.memory_space<hbm>>) target(%arg9 : memref<80x128xf32, #tpu.memory_space<vmem>>) offsets(%dma_start3A_67 : memref<80xi32, #tpu.memory_space<vmem>>) semaphore(%arg13 : memref<!tpu.dma_semaphore, #tpu.memory_space<semaphore_mem>>)
        %dma_wait3A_71 = arith.constant 0 : i32
        %dma_wait3A_72 = arith.constant 0 : i32
        %dma_wait3A_73 = tpu.memref_slice %arg7[%dma_wait3A_71, %dma_wait3A_72] : memref<25x80xi32, #tpu.memory_space<vmem>> -> memref<1x80xi32, #tpu.memory_space<vmem>>
        %dma_wait3A_74 = tpu.memref_squeeze %dma_wait3A_73 : memref<1x80xi32, #tpu.memory_space<vmem>> -> memref<80xi32, #tpu.memory_space<vmem>>
        %dma_wait3A_75 = arith.constant 0 : i32
        %dma_wait3A_76 = arith.constant 0 : i32
        %dma_wait3A_77 = tpu.memref_slice %arg2[%dma_wait3A_75, %dma_wait3A_76] : memref<10000x128xf32, #tpu.memory_space<hbm>> -> memref<10000x128xf32, #tpu.memory_space<hbm>>
        tpu.wait_indirect_dma semaphore(%arg14 : memref<!tpu.dma_semaphore, #tpu.memory_space<semaphore_mem>>) src(%dma_wait3A_77 : memref<10000x128xf32, #tpu.memory_space<hbm>>) dst(%arg10 : memref<80x128xf32, #tpu.memory_space<vmem>>)
        %add3A_78 = arith.constant 1 : i32
        %add3A_79 = arith.addi %mul3A_47, %add3A_78 : i32
        "tpu.region"() ({
          %run_scoped3A_95 = tpu.sem_alloc : memref<!tpu.dma_semaphore, #tpu.memory_space<semaphore_mem>>
          %dma_start3A_96 = arith.constant 0 : i32
          %dma_start3A_97 = tpu.memref_slice %arg8[%add3A_79, %dma_start3A_96] : memref<25x80xi32, #tpu.memory_space<vmem>> -> memref<1x80xi32, #tpu.memory_space<vmem>>
          %dma_start3A_98 = tpu.memref_squeeze %dma_start3A_97 : memref<1x80xi32, #tpu.memory_space<vmem>> -> memref<80xi32, #tpu.memory_space<vmem>>
          %dma_start3A_99 = arith.constant 0 : i32
          %dma_start3A_100 = arith.constant 0 : i32
          %dma_start3A_101 = tpu.memref_slice %arg12[%dma_start3A_99, %dma_start3A_100] : memref<10240x128xf32, #tpu.memory_space<vmem_shared>> -> memref<10240x128xf32, #tpu.memory_space<vmem_shared>>
          tpu.enqueue_indirect_dma source(%arg10 : memref<80x128xf32, #tpu.memory_space<vmem>>) target(%dma_start3A_101 : memref<10240x128xf32, #tpu.memory_space<vmem_shared>>) offsets(%dma_start3A_98 : memref<80xi32, #tpu.memory_space<vmem>>) semaphore(%run_scoped3A_95 : memref<!tpu.dma_semaphore, #tpu.memory_space<semaphore_mem>>) {add = true}
          %dma_wait3A_102 = arith.constant 0 : i32
          %dma_wait3A_103 = tpu.memref_slice %arg8[%add3A_79, %dma_wait3A_102] : memref<25x80xi32, #tpu.memory_space<vmem>> -> memref<1x80xi32, #tpu.memory_space<vmem>>
          %dma_wait3A_104 = tpu.memref_squeeze %dma_wait3A_103 : memref<1x80xi32, #tpu.memory_space<vmem>> -> memref<80xi32, #tpu.memory_space<vmem>>
          %dma_wait3A_105 = arith.constant 0 : i32
          %dma_wait3A_106 = arith.constant 0 : i32
          %dma_wait3A_107 = tpu.memref_slice %arg12[%dma_wait3A_105, %dma_wait3A_106] : memref<10240x128xf32, #tpu.memory_space<vmem_shared>> -> memref<10240x128xf32, #tpu.memory_space<vmem_shared>>
          tpu.wait_indirect_dma semaphore(%run_scoped3A_95 : memref<!tpu.dma_semaphore, #tpu.memory_space<semaphore_mem>>) src(%arg10 : memref<80x128xf32, #tpu.memory_space<vmem>>) dst(%dma_wait3A_107 : memref<10240x128xf32, #tpu.memory_space<vmem_shared>>)
          tpu.yield
        }) : () -> ()
        %add3A_80 = arith.constant 4 : i32
        %add3A_81 = arith.addi %mul3A_47, %add3A_80 : i32
        %lt3A = arith.constant 25 : i32
        %lt3A_82 = arith.cmpi slt, %add3A_81, %lt3A : i32
        %convert_element_type3A_83 = arith.extui %lt3A_82 : i1 to i32
        %cond3A_84 = arith.constant 0 : i32
        %cond3A_85 = arith.cmpi ne, %convert_element_type3A_83, %cond3A_84 : i32
        scf.if %cond3A_85 {
          %add3A_95 = arith.constant 4 : i32
          %add3A_96 = arith.addi %mul3A_47, %add3A_95 : i32
          %dma_start3A_97 = arith.constant 0 : i32
          %dma_start3A_98 = tpu.memref_slice %arg7[%add3A_96, %dma_start3A_97] : memref<25x80xi32, #tpu.memory_space<vmem>> -> memref<1x80xi32, #tpu.memory_space<vmem>>
          %dma_start3A_99 = tpu.memref_squeeze %dma_start3A_98 : memref<1x80xi32, #tpu.memory_space<vmem>> -> memref<80xi32, #tpu.memory_space<vmem>>
          %dma_start3A_100 = arith.constant 0 : i32
          %dma_start3A_101 = arith.constant 0 : i32
          %dma_start3A_102 = tpu.memref_slice %arg2[%dma_start3A_100, %dma_start3A_101] : memref<10000x128xf32, #tpu.memory_space<hbm>> -> memref<10000x128xf32, #tpu.memory_space<hbm>>
          tpu.enqueue_indirect_dma source(%dma_start3A_102 : memref<10000x128xf32, #tpu.memory_space<hbm>>) target(%arg10 : memref<80x128xf32, #tpu.memory_space<vmem>>) offsets(%dma_start3A_99 : memref<80xi32, #tpu.memory_space<vmem>>) semaphore(%arg14 : memref<!tpu.dma_semaphore, #tpu.memory_space<semaphore_mem>>)
        } else {
        }
        %dma_wait3A_86 = arith.constant 0 : i32
        %dma_wait3A_87 = arith.constant 0 : i32
        %dma_wait3A_88 = tpu.memref_slice %arg7[%dma_wait3A_86, %dma_wait3A_87] : memref<25x80xi32, #tpu.memory_space<vmem>> -> memref<1x80xi32, #tpu.memory_space<vmem>>
        %dma_wait3A_89 = tpu.memref_squeeze %dma_wait3A_88 : memref<1x80xi32, #tpu.memory_space<vmem>> -> memref<80xi32, #tpu.memory_space<vmem>>
        %dma_wait3A_90 = arith.constant 0 : i32
        %dma_wait3A_91 = arith.constant 0 : i32
        %dma_wait3A_92 = tpu.memref_slice %arg2[%dma_wait3A_90, %dma_wait3A_91] : memref<10000x128xf32, #tpu.memory_space<hbm>> -> memref<10000x128xf32, #tpu.memory_space<hbm>>
        tpu.wait_indirect_dma semaphore(%arg15 : memref<!tpu.dma_semaphore, #tpu.memory_space<semaphore_mem>>) src(%dma_wait3A_92 : memref<10000x128xf32, #tpu.memory_space<hbm>>) dst(%arg11 : memref<80x128xf32, #tpu.memory_space<vmem>>)
        %add3A_93 = arith.constant 2 : i32
        %add3A_94 = arith.addi %mul3A_47, %add3A_93 : i32
        "tpu.region"() ({
          %run_scoped3A_95 = tpu.sem_alloc : memref<!tpu.dma_semaphore, #tpu.memory_space<semaphore_mem>>
          %dma_start3A_96 = arith.constant 0 : i32
          %dma_start3A_97 = tpu.memref_slice %arg8[%add3A_94, %dma_start3A_96] : memref<25x80xi32, #tpu.memory_space<vmem>> -> memref<1x80xi32, #tpu.memory_space<vmem>>
          %dma_start3A_98 = tpu.memref_squeeze %dma_start3A_97 : memref<1x80xi32, #tpu.memory_space<vmem>> -> memref<80xi32, #tpu.memory_space<vmem>>
          %dma_start3A_99 = arith.constant 0 : i32
          %dma_start3A_100 = arith.constant 0 : i32
          %dma_start3A_101 = tpu.memref_slice %arg12[%dma_start3A_99, %dma_start3A_100] : memref<10240x128xf32, #tpu.memory_space<vmem_shared>> -> memref<10240x128xf32, #tpu.memory_space<vmem_shared>>
          tpu.enqueue_indirect_dma source(%arg11 : memref<80x128xf32, #tpu.memory_space<vmem>>) target(%dma_start3A_101 : memref<10240x128xf32, #tpu.memory_space<vmem_shared>>) offsets(%dma_start3A_98 : memref<80xi32, #tpu.memory_space<vmem>>) semaphore(%run_scoped3A_95 : memref<!tpu.dma_semaphore, #tpu.memory_space<semaphore_mem>>) {add = true}
          %dma_wait3A_102 = arith.constant 0 : i32
          %dma_wait3A_103 = tpu.memref_slice %arg8[%add3A_94, %dma_wait3A_102] : memref<25x80xi32, #tpu.memory_space<vmem>> -> memref<1x80xi32, #tpu.memory_space<vmem>>
          %dma_wait3A_104 = tpu.memref_squeeze %dma_wait3A_103 : memref<1x80xi32, #tpu.memory_space<vmem>> -> memref<80xi32, #tpu.memory_space<vmem>>
          %dma_wait3A_105 = arith.constant 0 : i32
          %dma_wait3A_106 = arith.constant 0 : i32
          %dma_wait3A_107 = tpu.memref_slice %arg12[%dma_wait3A_105, %dma_wait3A_106] : memref<10240x128xf32, #tpu.memory_space<vmem_shared>> -> memref<10240x128xf32, #tpu.memory_space<vmem_shared>>
          tpu.wait_indirect_dma semaphore(%run_scoped3A_95 : memref<!tpu.dma_semaphore, #tpu.memory_space<semaphore_mem>>) src(%arg11 : memref<80x128xf32, #tpu.memory_space<vmem>>) dst(%dma_wait3A_107 : memref<10240x128xf32, #tpu.memory_space<vmem_shared>>)
          tpu.yield
        }) : () -> ()
      }
      %scan3A_37 = arith.constant 8 : i32
      %dma_wait3A = arith.constant 0 : i32
      %dma_wait3A_38 = arith.constant 0 : i32
      %dma_wait3A_39 = tpu.memref_slice %arg7[%dma_wait3A, %dma_wait3A_38] : memref<25x80xi32, #tpu.memory_space<vmem>> -> memref<1x80xi32, #tpu.memory_space<vmem>>
      %dma_wait3A_40 = tpu.memref_squeeze %dma_wait3A_39 : memref<1x80xi32, #tpu.memory_space<vmem>> -> memref<80xi32, #tpu.memory_space<vmem>>
      %dma_wait3A_41 = arith.constant 0 : i32
      %dma_wait3A_42 = arith.constant 0 : i32
      %dma_wait3A_43 = tpu.memref_slice %arg2[%dma_wait3A_41, %dma_wait3A_42] : memref<10000x128xf32, #tpu.memory_space<hbm>> -> memref<10000x128xf32, #tpu.memory_space<hbm>>
      tpu.wait_indirect_dma semaphore(%arg13 : memref<!tpu.dma_semaphore, #tpu.memory_space<semaphore_mem>>) src(%dma_wait3A_43 : memref<10000x128xf32, #tpu.memory_space<hbm>>) dst(%arg9 : memref<80x128xf32, #tpu.memory_space<vmem>>)
      %run_scoped3A_44 = arith.constant 24 : i32
      "tpu.region"() ({
        %run_scoped3A_45 = tpu.sem_alloc : memref<!tpu.dma_semaphore, #tpu.memory_space<semaphore_mem>>
        %dma_start3A_46 = arith.constant 0 : i32
        %dma_start3A_47 = tpu.memref_slice %arg8[%run_scoped3A_44, %dma_start3A_46] : memref<25x80xi32, #tpu.memory_space<vmem>> -> memref<1x80xi32, #tpu.memory_space<vmem>>
        %dma_start3A_48 = tpu.memref_squeeze %dma_start3A_47 : memref<1x80xi32, #tpu.memory_space<vmem>> -> memref<80xi32, #tpu.memory_space<vmem>>
        %dma_start3A_49 = arith.constant 0 : i32
        %dma_start3A_50 = arith.constant 0 : i32
        %dma_start3A_51 = tpu.memref_slice %arg12[%dma_start3A_49, %dma_start3A_50] : memref<10240x128xf32, #tpu.memory_space<vmem_shared>> -> memref<10240x128xf32, #tpu.memory_space<vmem_shared>>
        tpu.enqueue_indirect_dma source(%arg9 : memref<80x128xf32, #tpu.memory_space<vmem>>) target(%dma_start3A_51 : memref<10240x128xf32, #tpu.memory_space<vmem_shared>>) offsets(%dma_start3A_48 : memref<80xi32, #tpu.memory_space<vmem>>) semaphore(%run_scoped3A_45 : memref<!tpu.dma_semaphore, #tpu.memory_space<semaphore_mem>>) {add = true}
        %dma_wait3A_52 = arith.constant 0 : i32
        %dma_wait3A_53 = tpu.memref_slice %arg8[%run_scoped3A_44, %dma_wait3A_52] : memref<25x80xi32, #tpu.memory_space<vmem>> -> memref<1x80xi32, #tpu.memory_space<vmem>>
        %dma_wait3A_54 = tpu.memref_squeeze %dma_wait3A_53 : memref<1x80xi32, #tpu.memory_space<vmem>> -> memref<80xi32, #tpu.memory_space<vmem>>
        %dma_wait3A_55 = arith.constant 0 : i32
        %dma_wait3A_56 = arith.constant 0 : i32
        %dma_wait3A_57 = tpu.memref_slice %arg12[%dma_wait3A_55, %dma_wait3A_56] : memref<10240x128xf32, #tpu.memory_space<vmem_shared>> -> memref<10240x128xf32, #tpu.memory_space<vmem_shared>>
        tpu.wait_indirect_dma semaphore(%run_scoped3A_45 : memref<!tpu.dma_semaphore, #tpu.memory_space<semaphore_mem>>) src(%arg9 : memref<80x128xf32, #tpu.memory_space<vmem>>) dst(%dma_wait3A_57 : memref<10240x128xf32, #tpu.memory_space<vmem_shared>>)
        tpu.yield
      }) : () -> ()
    }
    %scan3A_23 = arith.constant 5 : i32
    %barrier3A_24 = arith.constant 0 : index
    tpu.barrier barrier_id(%barrier3A_24)
    %mul3A_25 = arith.constant 640 : i32
    %mul3A_26 = arith.muli %arg1, %mul3A_25 : i32
    %mul3A_27 = arith.constant 640 : i32
    %mul3A_28 = arith.muli %arg1, %mul3A_27 : i32
    "tpu.region"() ({
      %run_scoped3A_29 = tpu.sem_alloc : memref<!tpu.dma_semaphore, #tpu.memory_space<semaphore_mem>>
      %dma_start3A_30 = arith.constant 0 : i32
      %dma_start3A_31 = tpu.memref_slice %arg6[%arg0, %mul3A_28, %dma_start3A_30] : memref<2x10240x128xf32, #tpu.memory_space<hbm>> -> memref<1x640x128xf32, #tpu.memory_space<hbm>>
      %dma_start3A_32 = tpu.memref_squeeze %dma_start3A_31 : memref<1x640x128xf32, #tpu.memory_space<hbm>> -> memref<640x128xf32, #tpu.memory_space<hbm>>
      %dma_start3A_33 = arith.constant 0 : i32
      %dma_start3A_34 = tpu.memref_slice %arg12[%mul3A_26, %dma_start3A_33] : memref<10240x128xf32, #tpu.memory_space<vmem_shared>> -> memref<640x128xf32, #tpu.memory_space<vmem_shared>>
      tpu.enqueue_dma source(%dma_start3A_34 : memref<640x128xf32, #tpu.memory_space<vmem_shared>>) target(%dma_start3A_32 : memref<640x128xf32, #tpu.memory_space<hbm>>) target_semaphore(%run_scoped3A_29 : memref<!tpu.dma_semaphore, #tpu.memory_space<semaphore_mem>>)
      %dma_wait3A = arith.constant 0 : i32
      %dma_wait3A_35 = tpu.memref_slice %arg6[%arg0, %mul3A_28, %dma_wait3A] : memref<2x10240x128xf32, #tpu.memory_space<hbm>> -> memref<1x640x128xf32, #tpu.memory_space<hbm>>
      %dma_wait3A_36 = tpu.memref_squeeze %dma_wait3A_35 : memref<1x640x128xf32, #tpu.memory_space<hbm>> -> memref<640x128xf32, #tpu.memory_space<hbm>>
      %dma_wait3A_37 = arith.constant 0 : i32
      %dma_wait3A_38 = tpu.memref_slice %arg12[%mul3A_26, %dma_wait3A_37] : memref<10240x128xf32, #tpu.memory_space<vmem_shared>> -> memref<640x128xf32, #tpu.memory_space<vmem_shared>>
      tpu.wait_dma2 semaphore(%run_scoped3A_29 : memref<!tpu.dma_semaphore, #tpu.memory_space<semaphore_mem>>) src(%dma_wait3A_38 : memref<640x128xf32, #tpu.memory_space<vmem_shared>>) dst(%dma_wait3A_36 : memref<640x128xf32, #tpu.memory_space<hbm>>)
      tpu.yield
    }) : () -> ()
    return
  }
}

#map = affine_map<(d0, d1) -> (0, 0)>
#map1 = affine_map<(d0, d1) -> (0, 0, 0, 0)>
#map2 = affine_map<(d0, d1) -> (0, 0, 0)>
module attributes {stable_mosaic.version = 14 : i64} {
  func.func @sc_agg(%arg0: i32, %arg1: i32, %arg2: memref<10000x128xf32, #tpu.memory_space<hbm>>, %arg3: memref<32x5x25x80xi32, #tpu.memory_space<hbm>>, %arg4: memref<32x5x25x80xi32, #tpu.memory_space<hbm>>, %arg5: memref<10240x128xf32, #tpu.memory_space<hbm>>, %arg6: memref<2x10240x128xf32, #tpu.memory_space<hbm>>, %arg7: memref<25x80xi32, #tpu.memory_space<vmem>>, %arg8: memref<25x80xi32, #tpu.memory_space<vmem>>, %arg9: memref<80x128xf32, #tpu.memory_space<vmem>>, %arg10: memref<80x128xf32, #tpu.memory_space<vmem>>, %arg11: memref<80x128xf32, #tpu.memory_space<vmem>>, %arg12: memref<10240x128xf32, #tpu.memory_space<vmem_shared>>, %arg13: memref<!tpu.dma_semaphore, #tpu.memory_space<semaphore_mem>>, %arg14: memref<!tpu.dma_semaphore, #tpu.memory_space<semaphore_mem>>, %arg15: memref<!tpu.dma_semaphore, #tpu.memory_space<semaphore_mem>>) attributes {dimension_semantics = [#tpu.dimension_semantics<core_parallel>, #tpu.dimension_semantics<subcore_parallel>], iteration_bounds = array<i64: 2, 16>, scalar_prefetch = 0 : i64, scratch_operands = 9 : i64, tpu.core_type = #tpu.core_type<sc_vector_subcore>, window_params = [{transform_indices = #map}, {transform_indices = #map1}, {transform_indices = #map1}, {transform_indices = #map}, {transform_indices = #map2}]} {
    %mul3A = arith.constant 16 : i32
    %mul3A_0 = arith.muli %arg0, %mul3A : i32
    %add3A = arith.addi %mul3A_0, %arg1 : i32
    %run_scoped3A = arith.constant 0 : i32
    "tpu.region"() ({
      %run_scoped3A_29 = tpu.sem_alloc : memref<!tpu.dma_semaphore, #tpu.memory_space<semaphore_mem>>
      %dma_start3A_30 = arith.constant 0 : i32
      %dma_start3A_31 = arith.constant 0 : i32
      %dma_start3A_32 = tpu.memref_slice %arg3[%add3A, %run_scoped3A, %dma_start3A_30, %dma_start3A_31] : memref<32x5x25x80xi32, #tpu.memory_space<hbm>> -> memref<1x1x25x80xi32, #tpu.memory_space<hbm>>
      %dma_start3A_33 = tpu.memref_squeeze %dma_start3A_32 : memref<1x1x25x80xi32, #tpu.memory_space<hbm>> -> memref<25x80xi32, #tpu.memory_space<hbm>>
      %dma_start3A_34 = arith.constant 0 : i32
      %dma_start3A_35 = arith.constant 0 : i32
      %dma_start3A_36 = tpu.memref_slice %arg3[%add3A, %run_scoped3A, %dma_start3A_34, %dma_start3A_35] : memref<32x5x25x80xi32, #tpu.memory_space<hbm>> -> memref<1x1x25x80xi32, #tpu.memory_space<hbm>>
      %dma_start3A_37 = tpu.memref_squeeze %dma_start3A_36 : memref<1x1x25x80xi32, #tpu.memory_space<hbm>> -> memref<25x80xi32, #tpu.memory_space<hbm>>
      tpu.enqueue_dma source(%dma_start3A_37 : memref<25x80xi32, #tpu.memory_space<hbm>>) target(%arg7 : memref<25x80xi32, #tpu.memory_space<vmem>>) target_semaphore(%run_scoped3A_29 : memref<!tpu.dma_semaphore, #tpu.memory_space<semaphore_mem>>)
      %dma_wait3A = arith.constant 0 : i32
      %dma_wait3A_38 = arith.constant 0 : i32
      %dma_wait3A_39 = tpu.memref_slice %arg3[%add3A, %run_scoped3A, %dma_wait3A, %dma_wait3A_38] : memref<32x5x25x80xi32, #tpu.memory_space<hbm>> -> memref<1x1x25x80xi32, #tpu.memory_space<hbm>>
      %dma_wait3A_40 = tpu.memref_squeeze %dma_wait3A_39 : memref<1x1x25x80xi32, #tpu.memory_space<hbm>> -> memref<25x80xi32, #tpu.memory_space<hbm>>
      %dma_wait3A_41 = arith.constant 0 : i32
      %dma_wait3A_42 = arith.constant 0 : i32
      %dma_wait3A_43 = tpu.memref_slice %arg3[%add3A, %run_scoped3A, %dma_wait3A_41, %dma_wait3A_42] : memref<32x5x25x80xi32, #tpu.memory_space<hbm>> -> memref<1x1x25x80xi32, #tpu.memory_space<hbm>>
      %dma_wait3A_44 = tpu.memref_squeeze %dma_wait3A_43 : memref<1x1x25x80xi32, #tpu.memory_space<hbm>> -> memref<25x80xi32, #tpu.memory_space<hbm>>
      tpu.wait_dma2 semaphore(%run_scoped3A_29 : memref<!tpu.dma_semaphore, #tpu.memory_space<semaphore_mem>>) src(%dma_wait3A_44 : memref<25x80xi32, #tpu.memory_space<hbm>>) dst(%arg7 : memref<25x80xi32, #tpu.memory_space<vmem>>)
      tpu.yield
    }) : () -> ()
    %run_scoped3A_1 = arith.constant 0 : i32
    "tpu.region"() ({
      %run_scoped3A_29 = tpu.sem_alloc : memref<!tpu.dma_semaphore, #tpu.memory_space<semaphore_mem>>
      %dma_start3A_30 = arith.constant 0 : i32
      %dma_start3A_31 = arith.constant 0 : i32
      %dma_start3A_32 = tpu.memref_slice %arg4[%add3A, %run_scoped3A_1, %dma_start3A_30, %dma_start3A_31] : memref<32x5x25x80xi32, #tpu.memory_space<hbm>> -> memref<1x1x25x80xi32, #tpu.memory_space<hbm>>
      %dma_start3A_33 = tpu.memref_squeeze %dma_start3A_32 : memref<1x1x25x80xi32, #tpu.memory_space<hbm>> -> memref<25x80xi32, #tpu.memory_space<hbm>>
      %dma_start3A_34 = arith.constant 0 : i32
      %dma_start3A_35 = arith.constant 0 : i32
      %dma_start3A_36 = tpu.memref_slice %arg4[%add3A, %run_scoped3A_1, %dma_start3A_34, %dma_start3A_35] : memref<32x5x25x80xi32, #tpu.memory_space<hbm>> -> memref<1x1x25x80xi32, #tpu.memory_space<hbm>>
      %dma_start3A_37 = tpu.memref_squeeze %dma_start3A_36 : memref<1x1x25x80xi32, #tpu.memory_space<hbm>> -> memref<25x80xi32, #tpu.memory_space<hbm>>
      tpu.enqueue_dma source(%dma_start3A_37 : memref<25x80xi32, #tpu.memory_space<hbm>>) target(%arg8 : memref<25x80xi32, #tpu.memory_space<vmem>>) target_semaphore(%run_scoped3A_29 : memref<!tpu.dma_semaphore, #tpu.memory_space<semaphore_mem>>)
      %dma_wait3A = arith.constant 0 : i32
      %dma_wait3A_38 = arith.constant 0 : i32
      %dma_wait3A_39 = tpu.memref_slice %arg4[%add3A, %run_scoped3A_1, %dma_wait3A, %dma_wait3A_38] : memref<32x5x25x80xi32, #tpu.memory_space<hbm>> -> memref<1x1x25x80xi32, #tpu.memory_space<hbm>>
      %dma_wait3A_40 = tpu.memref_squeeze %dma_wait3A_39 : memref<1x1x25x80xi32, #tpu.memory_space<hbm>> -> memref<25x80xi32, #tpu.memory_space<hbm>>
      %dma_wait3A_41 = arith.constant 0 : i32
      %dma_wait3A_42 = arith.constant 0 : i32
      %dma_wait3A_43 = tpu.memref_slice %arg4[%add3A, %run_scoped3A_1, %dma_wait3A_41, %dma_wait3A_42] : memref<32x5x25x80xi32, #tpu.memory_space<hbm>> -> memref<1x1x25x80xi32, #tpu.memory_space<hbm>>
      %dma_wait3A_44 = tpu.memref_squeeze %dma_wait3A_43 : memref<1x1x25x80xi32, #tpu.memory_space<hbm>> -> memref<25x80xi32, #tpu.memory_space<hbm>>
      tpu.wait_dma2 semaphore(%run_scoped3A_29 : memref<!tpu.dma_semaphore, #tpu.memory_space<semaphore_mem>>) src(%dma_wait3A_44 : memref<25x80xi32, #tpu.memory_space<hbm>>) dst(%arg8 : memref<25x80xi32, #tpu.memory_space<vmem>>)
      tpu.yield
    }) : () -> ()
    %dma_start3A = arith.constant 0 : i32
    %dma_start3A_2 = arith.constant 0 : i32
    %dma_start3A_3 = tpu.memref_slice %arg7[%dma_start3A, %dma_start3A_2] : memref<25x80xi32, #tpu.memory_space<vmem>> -> memref<1x80xi32, #tpu.memory_space<vmem>>
    %dma_start3A_4 = tpu.memref_squeeze %dma_start3A_3 : memref<1x80xi32, #tpu.memory_space<vmem>> -> memref<80xi32, #tpu.memory_space<vmem>>
    %dma_start3A_5 = arith.constant 0 : i32
    %dma_start3A_6 = arith.constant 0 : i32
    %dma_start3A_7 = tpu.memref_slice %arg2[%dma_start3A_5, %dma_start3A_6] : memref<10000x128xf32, #tpu.memory_space<hbm>> -> memref<10000x128xf32, #tpu.memory_space<hbm>>
    tpu.enqueue_indirect_dma source(%dma_start3A_7 : memref<10000x128xf32, #tpu.memory_space<hbm>>) target(%arg9 : memref<80x128xf32, #tpu.memory_space<vmem>>) offsets(%dma_start3A_4 : memref<80xi32, #tpu.memory_space<vmem>>) semaphore(%arg13 : memref<!tpu.dma_semaphore, #tpu.memory_space<semaphore_mem>>)
    %dma_start3A_8 = arith.constant 1 : i32
    %dma_start3A_9 = arith.constant 0 : i32
    %dma_start3A_10 = tpu.memref_slice %arg7[%dma_start3A_8, %dma_start3A_9] : memref<25x80xi32, #tpu.memory_space<vmem>> -> memref<1x80xi32, #tpu.memory_space<vmem>>
    %dma_start3A_11 = tpu.memref_squeeze %dma_start3A_10 : memref<1x80xi32, #tpu.memory_space<vmem>> -> memref<80xi32, #tpu.memory_space<vmem>>
    %dma_start3A_12 = arith.constant 0 : i32
    %dma_start3A_13 = arith.constant 0 : i32
    %dma_start3A_14 = tpu.memref_slice %arg2[%dma_start3A_12, %dma_start3A_13] : memref<10000x128xf32, #tpu.memory_space<hbm>> -> memref<10000x128xf32, #tpu.memory_space<hbm>>
    tpu.enqueue_indirect_dma source(%dma_start3A_14 : memref<10000x128xf32, #tpu.memory_space<hbm>>) target(%arg10 : memref<80x128xf32, #tpu.memory_space<vmem>>) offsets(%dma_start3A_11 : memref<80xi32, #tpu.memory_space<vmem>>) semaphore(%arg14 : memref<!tpu.dma_semaphore, #tpu.memory_space<semaphore_mem>>)
    %mul3A_15 = arith.constant 640 : i32
    %mul3A_16 = arith.muli %arg1, %mul3A_15 : i32
    %mul3A_17 = arith.constant 640 : i32
    %mul3A_18 = arith.muli %arg1, %mul3A_17 : i32
    "tpu.region"() ({
      %run_scoped3A_29 = tpu.sem_alloc : memref<!tpu.dma_semaphore, #tpu.memory_space<semaphore_mem>>
      %dma_start3A_30 = arith.constant 0 : i32
      %dma_start3A_31 = tpu.memref_slice %arg12[%mul3A_18, %dma_start3A_30] : memref<10240x128xf32, #tpu.memory_space<vmem_shared>> -> memref<640x128xf32, #tpu.memory_space<vmem_shared>>
      %dma_start3A_32 = arith.constant 0 : i32
      %dma_start3A_33 = tpu.memref_slice %arg5[%mul3A_16, %dma_start3A_32] : memref<10240x128xf32, #tpu.memory_space<hbm>> -> memref<640x128xf32, #tpu.memory_space<hbm>>
      tpu.enqueue_dma source(%dma_start3A_33 : memref<640x128xf32, #tpu.memory_space<hbm>>) target(%dma_start3A_31 : memref<640x128xf32, #tpu.memory_space<vmem_shared>>) target_semaphore(%run_scoped3A_29 : memref<!tpu.dma_semaphore, #tpu.memory_space<semaphore_mem>>)
      %dma_wait3A = arith.constant 0 : i32
      %dma_wait3A_34 = tpu.memref_slice %arg12[%mul3A_18, %dma_wait3A] : memref<10240x128xf32, #tpu.memory_space<vmem_shared>> -> memref<640x128xf32, #tpu.memory_space<vmem_shared>>
      %dma_wait3A_35 = arith.constant 0 : i32
      %dma_wait3A_36 = tpu.memref_slice %arg5[%mul3A_16, %dma_wait3A_35] : memref<10240x128xf32, #tpu.memory_space<hbm>> -> memref<640x128xf32, #tpu.memory_space<hbm>>
      tpu.wait_dma2 semaphore(%run_scoped3A_29 : memref<!tpu.dma_semaphore, #tpu.memory_space<semaphore_mem>>) src(%dma_wait3A_36 : memref<640x128xf32, #tpu.memory_space<hbm>>) dst(%dma_wait3A_34 : memref<640x128xf32, #tpu.memory_space<vmem_shared>>)
      tpu.yield
    }) : () -> ()
    %barrier3A = arith.constant 0 : index
    tpu.barrier barrier_id(%barrier3A)
    %scan3A = arith.constant 0 : i32
    %scan3A_19 = arith.constant 0 : i32
    %scan3A_20 = arith.constant 5 : i32
    %scan3A_21 = arith.addi %scan3A_19, %scan3A_20 : i32
    %scan3A_22 = arith.constant 1 : i32
    scf.for %scan3A_29 = %scan3A_19 to %scan3A_21 step %scan3A_22  : i32 {
      %gt3A = arith.constant 0 : i32
      %gt3A_30 = arith.cmpi sgt, %scan3A_29, %gt3A : i32
      %convert_element_type3A = arith.extui %gt3A_30 : i1 to i32
      %cond3A = arith.constant 0 : i32
      %cond3A_31 = arith.cmpi ne, %convert_element_type3A, %cond3A : i32
      scf.if %cond3A_31 {
        "tpu.region"() ({
          %run_scoped3A_59 = tpu.sem_alloc : memref<!tpu.dma_semaphore, #tpu.memory_space<semaphore_mem>>
          %dma_start3A_60 = arith.constant 0 : i32
          %dma_start3A_61 = arith.constant 0 : i32
          %dma_start3A_62 = tpu.memref_slice %arg3[%add3A, %scan3A_29, %dma_start3A_60, %dma_start3A_61] : memref<32x5x25x80xi32, #tpu.memory_space<hbm>> -> memref<1x1x25x80xi32, #tpu.memory_space<hbm>>
          %dma_start3A_63 = tpu.memref_squeeze %dma_start3A_62 : memref<1x1x25x80xi32, #tpu.memory_space<hbm>> -> memref<25x80xi32, #tpu.memory_space<hbm>>
          %dma_start3A_64 = arith.constant 0 : i32
          %dma_start3A_65 = arith.constant 0 : i32
          %dma_start3A_66 = tpu.memref_slice %arg3[%add3A, %scan3A_29, %dma_start3A_64, %dma_start3A_65] : memref<32x5x25x80xi32, #tpu.memory_space<hbm>> -> memref<1x1x25x80xi32, #tpu.memory_space<hbm>>
          %dma_start3A_67 = tpu.memref_squeeze %dma_start3A_66 : memref<1x1x25x80xi32, #tpu.memory_space<hbm>> -> memref<25x80xi32, #tpu.memory_space<hbm>>
          tpu.enqueue_dma source(%dma_start3A_67 : memref<25x80xi32, #tpu.memory_space<hbm>>) target(%arg7 : memref<25x80xi32, #tpu.memory_space<vmem>>) target_semaphore(%run_scoped3A_59 : memref<!tpu.dma_semaphore, #tpu.memory_space<semaphore_mem>>)
          %dma_wait3A_68 = arith.constant 0 : i32
          %dma_wait3A_69 = arith.constant 0 : i32
          %dma_wait3A_70 = tpu.memref_slice %arg3[%add3A, %scan3A_29, %dma_wait3A_68, %dma_wait3A_69] : memref<32x5x25x80xi32, #tpu.memory_space<hbm>> -> memref<1x1x25x80xi32, #tpu.memory_space<hbm>>
          %dma_wait3A_71 = tpu.memref_squeeze %dma_wait3A_70 : memref<1x1x25x80xi32, #tpu.memory_space<hbm>> -> memref<25x80xi32, #tpu.memory_space<hbm>>
          %dma_wait3A_72 = arith.constant 0 : i32
          %dma_wait3A_73 = arith.constant 0 : i32
          %dma_wait3A_74 = tpu.memref_slice %arg3[%add3A, %scan3A_29, %dma_wait3A_72, %dma_wait3A_73] : memref<32x5x25x80xi32, #tpu.memory_space<hbm>> -> memref<1x1x25x80xi32, #tpu.memory_space<hbm>>
          %dma_wait3A_75 = tpu.memref_squeeze %dma_wait3A_74 : memref<1x1x25x80xi32, #tpu.memory_space<hbm>> -> memref<25x80xi32, #tpu.memory_space<hbm>>
          tpu.wait_dma2 semaphore(%run_scoped3A_59 : memref<!tpu.dma_semaphore, #tpu.memory_space<semaphore_mem>>) src(%dma_wait3A_75 : memref<25x80xi32, #tpu.memory_space<hbm>>) dst(%arg7 : memref<25x80xi32, #tpu.memory_space<vmem>>)
          tpu.yield
        }) : () -> ()
        "tpu.region"() ({
          %run_scoped3A_59 = tpu.sem_alloc : memref<!tpu.dma_semaphore, #tpu.memory_space<semaphore_mem>>
          %dma_start3A_60 = arith.constant 0 : i32
          %dma_start3A_61 = arith.constant 0 : i32
          %dma_start3A_62 = tpu.memref_slice %arg4[%add3A, %scan3A_29, %dma_start3A_60, %dma_start3A_61] : memref<32x5x25x80xi32, #tpu.memory_space<hbm>> -> memref<1x1x25x80xi32, #tpu.memory_space<hbm>>
          %dma_start3A_63 = tpu.memref_squeeze %dma_start3A_62 : memref<1x1x25x80xi32, #tpu.memory_space<hbm>> -> memref<25x80xi32, #tpu.memory_space<hbm>>
          %dma_start3A_64 = arith.constant 0 : i32
          %dma_start3A_65 = arith.constant 0 : i32
          %dma_start3A_66 = tpu.memref_slice %arg4[%add3A, %scan3A_29, %dma_start3A_64, %dma_start3A_65] : memref<32x5x25x80xi32, #tpu.memory_space<hbm>> -> memref<1x1x25x80xi32, #tpu.memory_space<hbm>>
          %dma_start3A_67 = tpu.memref_squeeze %dma_start3A_66 : memref<1x1x25x80xi32, #tpu.memory_space<hbm>> -> memref<25x80xi32, #tpu.memory_space<hbm>>
          tpu.enqueue_dma source(%dma_start3A_67 : memref<25x80xi32, #tpu.memory_space<hbm>>) target(%arg8 : memref<25x80xi32, #tpu.memory_space<vmem>>) target_semaphore(%run_scoped3A_59 : memref<!tpu.dma_semaphore, #tpu.memory_space<semaphore_mem>>)
          %dma_wait3A_68 = arith.constant 0 : i32
          %dma_wait3A_69 = arith.constant 0 : i32
          %dma_wait3A_70 = tpu.memref_slice %arg4[%add3A, %scan3A_29, %dma_wait3A_68, %dma_wait3A_69] : memref<32x5x25x80xi32, #tpu.memory_space<hbm>> -> memref<1x1x25x80xi32, #tpu.memory_space<hbm>>
          %dma_wait3A_71 = tpu.memref_squeeze %dma_wait3A_70 : memref<1x1x25x80xi32, #tpu.memory_space<hbm>> -> memref<25x80xi32, #tpu.memory_space<hbm>>
          %dma_wait3A_72 = arith.constant 0 : i32
          %dma_wait3A_73 = arith.constant 0 : i32
          %dma_wait3A_74 = tpu.memref_slice %arg4[%add3A, %scan3A_29, %dma_wait3A_72, %dma_wait3A_73] : memref<32x5x25x80xi32, #tpu.memory_space<hbm>> -> memref<1x1x25x80xi32, #tpu.memory_space<hbm>>
          %dma_wait3A_75 = tpu.memref_squeeze %dma_wait3A_74 : memref<1x1x25x80xi32, #tpu.memory_space<hbm>> -> memref<25x80xi32, #tpu.memory_space<hbm>>
          tpu.wait_dma2 semaphore(%run_scoped3A_59 : memref<!tpu.dma_semaphore, #tpu.memory_space<semaphore_mem>>) src(%dma_wait3A_75 : memref<25x80xi32, #tpu.memory_space<hbm>>) dst(%arg8 : memref<25x80xi32, #tpu.memory_space<vmem>>)
          tpu.yield
        }) : () -> ()
        %dma_start3A_45 = arith.constant 0 : i32
        %dma_start3A_46 = arith.constant 0 : i32
        %dma_start3A_47 = tpu.memref_slice %arg7[%dma_start3A_45, %dma_start3A_46] : memref<25x80xi32, #tpu.memory_space<vmem>> -> memref<1x80xi32, #tpu.memory_space<vmem>>
        %dma_start3A_48 = tpu.memref_squeeze %dma_start3A_47 : memref<1x80xi32, #tpu.memory_space<vmem>> -> memref<80xi32, #tpu.memory_space<vmem>>
        %dma_start3A_49 = arith.constant 0 : i32
        %dma_start3A_50 = arith.constant 0 : i32
        %dma_start3A_51 = tpu.memref_slice %arg2[%dma_start3A_49, %dma_start3A_50] : memref<10000x128xf32, #tpu.memory_space<hbm>> -> memref<10000x128xf32, #tpu.memory_space<hbm>>
        tpu.enqueue_indirect_dma source(%dma_start3A_51 : memref<10000x128xf32, #tpu.memory_space<hbm>>) target(%arg9 : memref<80x128xf32, #tpu.memory_space<vmem>>) offsets(%dma_start3A_48 : memref<80xi32, #tpu.memory_space<vmem>>) semaphore(%arg13 : memref<!tpu.dma_semaphore, #tpu.memory_space<semaphore_mem>>)
        %dma_start3A_52 = arith.constant 1 : i32
        %dma_start3A_53 = arith.constant 0 : i32
        %dma_start3A_54 = tpu.memref_slice %arg7[%dma_start3A_52, %dma_start3A_53] : memref<25x80xi32, #tpu.memory_space<vmem>> -> memref<1x80xi32, #tpu.memory_space<vmem>>
        %dma_start3A_55 = tpu.memref_squeeze %dma_start3A_54 : memref<1x80xi32, #tpu.memory_space<vmem>> -> memref<80xi32, #tpu.memory_space<vmem>>
        %dma_start3A_56 = arith.constant 0 : i32
        %dma_start3A_57 = arith.constant 0 : i32
        %dma_start3A_58 = tpu.memref_slice %arg2[%dma_start3A_56, %dma_start3A_57] : memref<10000x128xf32, #tpu.memory_space<hbm>> -> memref<10000x128xf32, #tpu.memory_space<hbm>>
        tpu.enqueue_indirect_dma source(%dma_start3A_58 : memref<10000x128xf32, #tpu.memory_space<hbm>>) target(%arg10 : memref<80x128xf32, #tpu.memory_space<vmem>>) offsets(%dma_start3A_55 : memref<80xi32, #tpu.memory_space<vmem>>) semaphore(%arg14 : memref<!tpu.dma_semaphore, #tpu.memory_space<semaphore_mem>>)
      } else {
      }
      %scan3A_32 = arith.constant 0 : i32
      %scan3A_33 = arith.constant 0 : i32
      %scan3A_34 = arith.constant 8 : i32
      %scan3A_35 = arith.addi %scan3A_33, %scan3A_34 : i32
      %scan3A_36 = arith.constant 1 : i32
      scf.for %scan3A_45 = %scan3A_33 to %scan3A_35 step %scan3A_36  : i32 {
        %mul3A_46 = arith.constant 3 : i32
        %mul3A_47 = arith.muli %mul3A_46, %scan3A_45 : i32
        %add3A_48 = arith.constant 2 : i32
        %add3A_49 = arith.addi %mul3A_47, %add3A_48 : i32
        %dma_start3A_50 = arith.constant 0 : i32
        %dma_start3A_51 = tpu.memref_slice %arg7[%add3A_49, %dma_start3A_50] : memref<25x80xi32, #tpu.memory_space<vmem>> -> memref<1x80xi32, #tpu.memory_space<vmem>>
        %dma_start3A_52 = tpu.memref_squeeze %dma_start3A_51 : memref<1x80xi32, #tpu.memory_space<vmem>> -> memref<80xi32, #tpu.memory_space<vmem>>
        %dma_start3A_53 = arith.constant 0 : i32
        %dma_start3A_54 = arith.constant 0 : i32
        %dma_start3A_55 = tpu.memref_slice %arg2[%dma_start3A_53, %dma_start3A_54] : memref<10000x128xf32, #tpu.memory_space<hbm>> -> memref<10000x128xf32, #tpu.memory_space<hbm>>
        tpu.enqueue_indirect_dma source(%dma_start3A_55 : memref<10000x128xf32, #tpu.memory_space<hbm>>) target(%arg11 : memref<80x128xf32, #tpu.memory_space<vmem>>) offsets(%dma_start3A_52 : memref<80xi32, #tpu.memory_space<vmem>>) semaphore(%arg15 : memref<!tpu.dma_semaphore, #tpu.memory_space<semaphore_mem>>)
        %dma_wait3A_56 = arith.constant 0 : i32
        %dma_wait3A_57 = arith.constant 0 : i32
        %dma_wait3A_58 = tpu.memref_slice %arg7[%dma_wait3A_56, %dma_wait3A_57] : memref<25x80xi32, #tpu.memory_space<vmem>> -> memref<1x80xi32, #tpu.memory_space<vmem>>
        %dma_wait3A_59 = tpu.memref_squeeze %dma_wait3A_58 : memref<1x80xi32, #tpu.memory_space<vmem>> -> memref<80xi32, #tpu.memory_space<vmem>>
        %dma_wait3A_60 = arith.constant 0 : i32
        %dma_wait3A_61 = arith.constant 0 : i32
        %dma_wait3A_62 = tpu.memref_slice %arg2[%dma_wait3A_60, %dma_wait3A_61] : memref<10000x128xf32, #tpu.memory_space<hbm>> -> memref<10000x128xf32, #tpu.memory_space<hbm>>
        tpu.wait_indirect_dma semaphore(%arg13 : memref<!tpu.dma_semaphore, #tpu.memory_space<semaphore_mem>>) src(%dma_wait3A_62 : memref<10000x128xf32, #tpu.memory_space<hbm>>) dst(%arg9 : memref<80x128xf32, #tpu.memory_space<vmem>>)
        "tpu.region"() ({
          %run_scoped3A_95 = tpu.sem_alloc : memref<!tpu.dma_semaphore, #tpu.memory_space<semaphore_mem>>
          %dma_start3A_96 = arith.constant 0 : i32
          %dma_start3A_97 = tpu.memref_slice %arg8[%mul3A_47, %dma_start3A_96] : memref<25x80xi32, #tpu.memory_space<vmem>> -> memref<1x80xi32, #tpu.memory_space<vmem>>
          %dma_start3A_98 = tpu.memref_squeeze %dma_start3A_97 : memref<1x80xi32, #tpu.memory_space<vmem>> -> memref<80xi32, #tpu.memory_space<vmem>>
          %dma_start3A_99 = arith.constant 0 : i32
          %dma_start3A_100 = arith.constant 0 : i32
          %dma_start3A_101 = tpu.memref_slice %arg12[%dma_start3A_99, %dma_start3A_100] : memref<10240x128xf32, #tpu.memory_space<vmem_shared>> -> memref<10240x128xf32, #tpu.memory_space<vmem_shared>>
          tpu.enqueue_indirect_dma source(%arg9 : memref<80x128xf32, #tpu.memory_space<vmem>>) target(%dma_start3A_101 : memref<10240x128xf32, #tpu.memory_space<vmem_shared>>) offsets(%dma_start3A_98 : memref<80xi32, #tpu.memory_space<vmem>>) semaphore(%run_scoped3A_95 : memref<!tpu.dma_semaphore, #tpu.memory_space<semaphore_mem>>) {add = true}
          %dma_wait3A_102 = arith.constant 0 : i32
          %dma_wait3A_103 = tpu.memref_slice %arg8[%mul3A_47, %dma_wait3A_102] : memref<25x80xi32, #tpu.memory_space<vmem>> -> memref<1x80xi32, #tpu.memory_space<vmem>>
          %dma_wait3A_104 = tpu.memref_squeeze %dma_wait3A_103 : memref<1x80xi32, #tpu.memory_space<vmem>> -> memref<80xi32, #tpu.memory_space<vmem>>
          %dma_wait3A_105 = arith.constant 0 : i32
          %dma_wait3A_106 = arith.constant 0 : i32
          %dma_wait3A_107 = tpu.memref_slice %arg12[%dma_wait3A_105, %dma_wait3A_106] : memref<10240x128xf32, #tpu.memory_space<vmem_shared>> -> memref<10240x128xf32, #tpu.memory_space<vmem_shared>>
          tpu.wait_indirect_dma semaphore(%run_scoped3A_95 : memref<!tpu.dma_semaphore, #tpu.memory_space<semaphore_mem>>) src(%arg9 : memref<80x128xf32, #tpu.memory_space<vmem>>) dst(%dma_wait3A_107 : memref<10240x128xf32, #tpu.memory_space<vmem_shared>>)
          tpu.yield
        }) : () -> ()
        %add3A_63 = arith.constant 3 : i32
        %add3A_64 = arith.addi %mul3A_47, %add3A_63 : i32
        %dma_start3A_65 = arith.constant 0 : i32
        %dma_start3A_66 = tpu.memref_slice %arg7[%add3A_64, %dma_start3A_65] : memref<25x80xi32, #tpu.memory_space<vmem>> -> memref<1x80xi32, #tpu.memory_space<vmem>>
        %dma_start3A_67 = tpu.memref_squeeze %dma_start3A_66 : memref<1x80xi32, #tpu.memory_space<vmem>> -> memref<80xi32, #tpu.memory_space<vmem>>
        %dma_start3A_68 = arith.constant 0 : i32
        %dma_start3A_69 = arith.constant 0 : i32
        %dma_start3A_70 = tpu.memref_slice %arg2[%dma_start3A_68, %dma_start3A_69] : memref<10000x128xf32, #tpu.memory_space<hbm>> -> memref<10000x128xf32, #tpu.memory_space<hbm>>
        tpu.enqueue_indirect_dma source(%dma_start3A_70 : memref<10000x128xf32, #tpu.memory_space<hbm>>) target(%arg9 : memref<80x128xf32, #tpu.memory_space<vmem>>) offsets(%dma_start3A_67 : memref<80xi32, #tpu.memory_space<vmem>>) semaphore(%arg13 : memref<!tpu.dma_semaphore, #tpu.memory_space<semaphore_mem>>)
        %dma_wait3A_71 = arith.constant 0 : i32
        %dma_wait3A_72 = arith.constant 0 : i32
        %dma_wait3A_73 = tpu.memref_slice %arg7[%dma_wait3A_71, %dma_wait3A_72] : memref<25x80xi32, #tpu.memory_space<vmem>> -> memref<1x80xi32, #tpu.memory_space<vmem>>
        %dma_wait3A_74 = tpu.memref_squeeze %dma_wait3A_73 : memref<1x80xi32, #tpu.memory_space<vmem>> -> memref<80xi32, #tpu.memory_space<vmem>>
        %dma_wait3A_75 = arith.constant 0 : i32
        %dma_wait3A_76 = arith.constant 0 : i32
        %dma_wait3A_77 = tpu.memref_slice %arg2[%dma_wait3A_75, %dma_wait3A_76] : memref<10000x128xf32, #tpu.memory_space<hbm>> -> memref<10000x128xf32, #tpu.memory_space<hbm>>
        tpu.wait_indirect_dma semaphore(%arg14 : memref<!tpu.dma_semaphore, #tpu.memory_space<semaphore_mem>>) src(%dma_wait3A_77 : memref<10000x128xf32, #tpu.memory_space<hbm>>) dst(%arg10 : memref<80x128xf32, #tpu.memory_space<vmem>>)
        %add3A_78 = arith.constant 1 : i32
        %add3A_79 = arith.addi %mul3A_47, %add3A_78 : i32
        "tpu.region"() ({
          %run_scoped3A_95 = tpu.sem_alloc : memref<!tpu.dma_semaphore, #tpu.memory_space<semaphore_mem>>
          %dma_start3A_96 = arith.constant 0 : i32
          %dma_start3A_97 = tpu.memref_slice %arg8[%add3A_79, %dma_start3A_96] : memref<25x80xi32, #tpu.memory_space<vmem>> -> memref<1x80xi32, #tpu.memory_space<vmem>>
          %dma_start3A_98 = tpu.memref_squeeze %dma_start3A_97 : memref<1x80xi32, #tpu.memory_space<vmem>> -> memref<80xi32, #tpu.memory_space<vmem>>
          %dma_start3A_99 = arith.constant 0 : i32
          %dma_start3A_100 = arith.constant 0 : i32
          %dma_start3A_101 = tpu.memref_slice %arg12[%dma_start3A_99, %dma_start3A_100] : memref<10240x128xf32, #tpu.memory_space<vmem_shared>> -> memref<10240x128xf32, #tpu.memory_space<vmem_shared>>
          tpu.enqueue_indirect_dma source(%arg10 : memref<80x128xf32, #tpu.memory_space<vmem>>) target(%dma_start3A_101 : memref<10240x128xf32, #tpu.memory_space<vmem_shared>>) offsets(%dma_start3A_98 : memref<80xi32, #tpu.memory_space<vmem>>) semaphore(%run_scoped3A_95 : memref<!tpu.dma_semaphore, #tpu.memory_space<semaphore_mem>>) {add = true}
          %dma_wait3A_102 = arith.constant 0 : i32
          %dma_wait3A_103 = tpu.memref_slice %arg8[%add3A_79, %dma_wait3A_102] : memref<25x80xi32, #tpu.memory_space<vmem>> -> memref<1x80xi32, #tpu.memory_space<vmem>>
          %dma_wait3A_104 = tpu.memref_squeeze %dma_wait3A_103 : memref<1x80xi32, #tpu.memory_space<vmem>> -> memref<80xi32, #tpu.memory_space<vmem>>
          %dma_wait3A_105 = arith.constant 0 : i32
          %dma_wait3A_106 = arith.constant 0 : i32
          %dma_wait3A_107 = tpu.memref_slice %arg12[%dma_wait3A_105, %dma_wait3A_106] : memref<10240x128xf32, #tpu.memory_space<vmem_shared>> -> memref<10240x128xf32, #tpu.memory_space<vmem_shared>>
          tpu.wait_indirect_dma semaphore(%run_scoped3A_95 : memref<!tpu.dma_semaphore, #tpu.memory_space<semaphore_mem>>) src(%arg10 : memref<80x128xf32, #tpu.memory_space<vmem>>) dst(%dma_wait3A_107 : memref<10240x128xf32, #tpu.memory_space<vmem_shared>>)
          tpu.yield
        }) : () -> ()
        %add3A_80 = arith.constant 4 : i32
        %add3A_81 = arith.addi %mul3A_47, %add3A_80 : i32
        %lt3A = arith.constant 25 : i32
        %lt3A_82 = arith.cmpi slt, %add3A_81, %lt3A : i32
        %convert_element_type3A_83 = arith.extui %lt3A_82 : i1 to i32
        %cond3A_84 = arith.constant 0 : i32
        %cond3A_85 = arith.cmpi ne, %convert_element_type3A_83, %cond3A_84 : i32
        scf.if %cond3A_85 {
          %add3A_95 = arith.constant 4 : i32
          %add3A_96 = arith.addi %mul3A_47, %add3A_95 : i32
          %dma_start3A_97 = arith.constant 0 : i32
          %dma_start3A_98 = tpu.memref_slice %arg7[%add3A_96, %dma_start3A_97] : memref<25x80xi32, #tpu.memory_space<vmem>> -> memref<1x80xi32, #tpu.memory_space<vmem>>
          %dma_start3A_99 = tpu.memref_squeeze %dma_start3A_98 : memref<1x80xi32, #tpu.memory_space<vmem>> -> memref<80xi32, #tpu.memory_space<vmem>>
          %dma_start3A_100 = arith.constant 0 : i32
          %dma_start3A_101 = arith.constant 0 : i32
          %dma_start3A_102 = tpu.memref_slice %arg2[%dma_start3A_100, %dma_start3A_101] : memref<10000x128xf32, #tpu.memory_space<hbm>> -> memref<10000x128xf32, #tpu.memory_space<hbm>>
          tpu.enqueue_indirect_dma source(%dma_start3A_102 : memref<10000x128xf32, #tpu.memory_space<hbm>>) target(%arg10 : memref<80x128xf32, #tpu.memory_space<vmem>>) offsets(%dma_start3A_99 : memref<80xi32, #tpu.memory_space<vmem>>) semaphore(%arg14 : memref<!tpu.dma_semaphore, #tpu.memory_space<semaphore_mem>>)
        } else {
        }
        %dma_wait3A_86 = arith.constant 0 : i32
        %dma_wait3A_87 = arith.constant 0 : i32
        %dma_wait3A_88 = tpu.memref_slice %arg7[%dma_wait3A_86, %dma_wait3A_87] : memref<25x80xi32, #tpu.memory_space<vmem>> -> memref<1x80xi32, #tpu.memory_space<vmem>>
        %dma_wait3A_89 = tpu.memref_squeeze %dma_wait3A_88 : memref<1x80xi32, #tpu.memory_space<vmem>> -> memref<80xi32, #tpu.memory_space<vmem>>
        %dma_wait3A_90 = arith.constant 0 : i32
        %dma_wait3A_91 = arith.constant 0 : i32
        %dma_wait3A_92 = tpu.memref_slice %arg2[%dma_wait3A_90, %dma_wait3A_91] : memref<10000x128xf32, #tpu.memory_space<hbm>> -> memref<10000x128xf32, #tpu.memory_space<hbm>>
        tpu.wait_indirect_dma semaphore(%arg15 : memref<!tpu.dma_semaphore, #tpu.memory_space<semaphore_mem>>) src(%dma_wait3A_92 : memref<10000x128xf32, #tpu.memory_space<hbm>>) dst(%arg11 : memref<80x128xf32, #tpu.memory_space<vmem>>)
        %add3A_93 = arith.constant 2 : i32
        %add3A_94 = arith.addi %mul3A_47, %add3A_93 : i32
        "tpu.region"() ({
          %run_scoped3A_95 = tpu.sem_alloc : memref<!tpu.dma_semaphore, #tpu.memory_space<semaphore_mem>>
          %dma_start3A_96 = arith.constant 0 : i32
          %dma_start3A_97 = tpu.memref_slice %arg8[%add3A_94, %dma_start3A_96] : memref<25x80xi32, #tpu.memory_space<vmem>> -> memref<1x80xi32, #tpu.memory_space<vmem>>
          %dma_start3A_98 = tpu.memref_squeeze %dma_start3A_97 : memref<1x80xi32, #tpu.memory_space<vmem>> -> memref<80xi32, #tpu.memory_space<vmem>>
          %dma_start3A_99 = arith.constant 0 : i32
          %dma_start3A_100 = arith.constant 0 : i32
          %dma_start3A_101 = tpu.memref_slice %arg12[%dma_start3A_99, %dma_start3A_100] : memref<10240x128xf32, #tpu.memory_space<vmem_shared>> -> memref<10240x128xf32, #tpu.memory_space<vmem_shared>>
          tpu.enqueue_indirect_dma source(%arg11 : memref<80x128xf32, #tpu.memory_space<vmem>>) target(%dma_start3A_101 : memref<10240x128xf32, #tpu.memory_space<vmem_shared>>) offsets(%dma_start3A_98 : memref<80xi32, #tpu.memory_space<vmem>>) semaphore(%run_scoped3A_95 : memref<!tpu.dma_semaphore, #tpu.memory_space<semaphore_mem>>) {add = true}
          %dma_wait3A_102 = arith.constant 0 : i32
          %dma_wait3A_103 = tpu.memref_slice %arg8[%add3A_94, %dma_wait3A_102] : memref<25x80xi32, #tpu.memory_space<vmem>> -> memref<1x80xi32, #tpu.memory_space<vmem>>
          %dma_wait3A_104 = tpu.memref_squeeze %dma_wait3A_103 : memref<1x80xi32, #tpu.memory_space<vmem>> -> memref<80xi32, #tpu.memory_space<vmem>>
          %dma_wait3A_105 = arith.constant 0 : i32
          %dma_wait3A_106 = arith.constant 0 : i32
          %dma_wait3A_107 = tpu.memref_slice %arg12[%dma_wait3A_105, %dma_wait3A_106] : memref<10240x128xf32, #tpu.memory_space<vmem_shared>> -> memref<10240x128xf32, #tpu.memory_space<vmem_shared>>
          tpu.wait_indirect_dma semaphore(%run_scoped3A_95 : memref<!tpu.dma_semaphore, #tpu.memory_space<semaphore_mem>>) src(%arg11 : memref<80x128xf32, #tpu.memory_space<vmem>>) dst(%dma_wait3A_107 : memref<10240x128xf32, #tpu.memory_space<vmem_shared>>)
          tpu.yield
        }) : () -> ()
      }
      %scan3A_37 = arith.constant 8 : i32
      %dma_wait3A = arith.constant 0 : i32
      %dma_wait3A_38 = arith.constant 0 : i32
      %dma_wait3A_39 = tpu.memref_slice %arg7[%dma_wait3A, %dma_wait3A_38] : memref<25x80xi32, #tpu.memory_space<vmem>> -> memref<1x80xi32, #tpu.memory_space<vmem>>
      %dma_wait3A_40 = tpu.memref_squeeze %dma_wait3A_39 : memref<1x80xi32, #tpu.memory_space<vmem>> -> memref<80xi32, #tpu.memory_space<vmem>>
      %dma_wait3A_41 = arith.constant 0 : i32
      %dma_wait3A_42 = arith.constant 0 : i32
      %dma_wait3A_43 = tpu.memref_slice %arg2[%dma_wait3A_41, %dma_wait3A_42] : memref<10000x128xf32, #tpu.memory_space<hbm>> -> memref<10000x128xf32, #tpu.memory_space<hbm>>
      tpu.wait_indirect_dma semaphore(%arg13 : memref<!tpu.dma_semaphore, #tpu.memory_space<semaphore_mem>>) src(%dma_wait3A_43 : memref<10000x128xf32, #tpu.memory_space<hbm>>) dst(%arg9 : memref<80x128xf32, #tpu.memory_space<vmem>>)
      %run_scoped3A_44 = arith.constant 24 : i32
      "tpu.region"() ({
        %run_scoped3A_45 = tpu.sem_alloc : memref<!tpu.dma_semaphore, #tpu.memory_space<semaphore_mem>>
        %dma_start3A_46 = arith.constant 0 : i32
        %dma_start3A_47 = tpu.memref_slice %arg8[%run_scoped3A_44, %dma_start3A_46] : memref<25x80xi32, #tpu.memory_space<vmem>> -> memref<1x80xi32, #tpu.memory_space<vmem>>
        %dma_start3A_48 = tpu.memref_squeeze %dma_start3A_47 : memref<1x80xi32, #tpu.memory_space<vmem>> -> memref<80xi32, #tpu.memory_space<vmem>>
        %dma_start3A_49 = arith.constant 0 : i32
        %dma_start3A_50 = arith.constant 0 : i32
        %dma_start3A_51 = tpu.memref_slice %arg12[%dma_start3A_49, %dma_start3A_50] : memref<10240x128xf32, #tpu.memory_space<vmem_shared>> -> memref<10240x128xf32, #tpu.memory_space<vmem_shared>>
        tpu.enqueue_indirect_dma source(%arg9 : memref<80x128xf32, #tpu.memory_space<vmem>>) target(%dma_start3A_51 : memref<10240x128xf32, #tpu.memory_space<vmem_shared>>) offsets(%dma_start3A_48 : memref<80xi32, #tpu.memory_space<vmem>>) semaphore(%run_scoped3A_45 : memref<!tpu.dma_semaphore, #tpu.memory_space<semaphore_mem>>) {add = true}
        %dma_wait3A_52 = arith.constant 0 : i32
        %dma_wait3A_53 = tpu.memref_slice %arg8[%run_scoped3A_44, %dma_wait3A_52] : memref<25x80xi32, #tpu.memory_space<vmem>> -> memref<1x80xi32, #tpu.memory_space<vmem>>
        %dma_wait3A_54 = tpu.memref_squeeze %dma_wait3A_53 : memref<1x80xi32, #tpu.memory_space<vmem>> -> memref<80xi32, #tpu.memory_space<vmem>>
        %dma_wait3A_55 = arith.constant 0 : i32
        %dma_wait3A_56 = arith.constant 0 : i32
        %dma_wait3A_57 = tpu.memref_slice %arg12[%dma_wait3A_55, %dma_wait3A_56] : memref<10240x128xf32, #tpu.memory_space<vmem_shared>> -> memref<10240x128xf32, #tpu.memory_space<vmem_shared>>
        tpu.wait_indirect_dma semaphore(%run_scoped3A_45 : memref<!tpu.dma_semaphore, #tpu.memory_space<semaphore_mem>>) src(%arg9 : memref<80x128xf32, #tpu.memory_space<vmem>>) dst(%dma_wait3A_57 : memref<10240x128xf32, #tpu.memory_space<vmem_shared>>)
        tpu.yield
      }) : () -> ()
    }
    %scan3A_23 = arith.constant 5 : i32
    %barrier3A_24 = arith.constant 0 : index
    tpu.barrier barrier_id(%barrier3A_24)
    %mul3A_25 = arith.constant 640 : i32
    %mul3A_26 = arith.muli %arg1, %mul3A_25 : i32
    %mul3A_27 = arith.constant 640 : i32
    %mul3A_28 = arith.muli %arg1, %mul3A_27 : i32
    "tpu.region"() ({
      %run_scoped3A_29 = tpu.sem_alloc : memref<!tpu.dma_semaphore, #tpu.memory_space<semaphore_mem>>
      %dma_start3A_30 = arith.constant 0 : i32
      %dma_start3A_31 = tpu.memref_slice %arg6[%arg0, %mul3A_28, %dma_start3A_30] : memref<2x10240x128xf32, #tpu.memory_space<hbm>> -> memref<1x640x128xf32, #tpu.memory_space<hbm>>
      %dma_start3A_32 = tpu.memref_squeeze %dma_start3A_31 : memref<1x640x128xf32, #tpu.memory_space<hbm>> -> memref<640x128xf32, #tpu.memory_space<hbm>>
      %dma_start3A_33 = arith.constant 0 : i32
      %dma_start3A_34 = tpu.memref_slice %arg12[%mul3A_26, %dma_start3A_33] : memref<10240x128xf32, #tpu.memory_space<vmem_shared>> -> memref<640x128xf32, #tpu.memory_space<vmem_shared>>
      tpu.enqueue_dma source(%dma_start3A_34 : memref<640x128xf32, #tpu.memory_space<vmem_shared>>) target(%dma_start3A_32 : memref<640x128xf32, #tpu.memory_space<hbm>>) target_semaphore(%run_scoped3A_29 : memref<!tpu.dma_semaphore, #tpu.memory_space<semaphore_mem>>)
      %dma_wait3A = arith.constant 0 : i32
      %dma_wait3A_35 = tpu.memref_slice %arg6[%arg0, %mul3A_28, %dma_wait3A] : memref<2x10240x128xf32, #tpu.memory_space<hbm>> -> memref<1x640x128xf32, #tpu.memory_space<hbm>>
      %dma_wait3A_36 = tpu.memref_squeeze %dma_wait3A_35 : memref<1x640x128xf32, #tpu.memory_space<hbm>> -> memref<640x128xf32, #tpu.memory_space<hbm>>
      %dma_wait3A_37 = arith.constant 0 : i32
      %dma_wait3A_38 = tpu.memref_slice %arg12[%mul3A_26, %dma_wait3A_37] : memref<10240x128xf32, #tpu.memory_space<vmem_shared>> -> memref<640x128xf32, #tpu.memory_space<vmem_shared>>
      tpu.wait_dma2 semaphore(%run_scoped3A_29 : memref<!tpu.dma_semaphore, #tpu.memory_space<semaphore_mem>>) src(%dma_wait3A_38 : memref<640x128xf32, #tpu.memory_space<vmem_shared>>) dst(%dma_wait3A_36 : memref<640x128xf32, #tpu.memory_space<hbm>>)
      tpu.yield
    }) : () -> ()
    return
  }
}

module attributes {stable_mosaic.version = 14 : i64} {
  func.func @_hist_body(%arg0: i32, %arg1: memref<1x1x8000xi32, #tpu.memory_space<vmem>>, %arg2: memref<80x128xf32, #tpu.memory_space<vmem>>) attributes {dimension_semantics = [#tpu.dimension_semantics<arbitrary>], iteration_bounds = array<i64: 40>, scalar_prefetch = 0 : i64, scratch_operands = 0 : i64, tpu.core_type = #tpu.core_type<tc>, window_params = [{transform_indices = @transform_0, window_bounds = array<i64: 1, 1, 8000>}, {pipeline_mode = #tpu.pipeline_mode<synchronous>, transform_indices = @transform_1, window_bounds = array<i64: 80, 128>}]} {
    %eq3A = arith.constant 0 : i32
    %eq3A_0 = arith.cmpi eq, %arg0, %eq3A : i32
    %convert_element_type3A = arith.extui %eq3A_0 : i1 to i32
    %cond3A = arith.constant 0 : i32
    %cond3A_1 = arith.cmpi ne, %convert_element_type3A, %cond3A : i32
    scf.if %cond3A_1 {
      %broadcast_in_dim3A_28 = arith.constant 0.000000e+00 : f32
      %broadcast_in_dim3A_29 = vector.broadcast %broadcast_in_dim3A_28 : f32 to vector<80x128xf32>
      %swap3A_30 = arith.constant 0 : index
      %swap3A_31 = arith.constant 0 : index
      %swap3A_32 = vector.load %arg2[%swap3A_30, %swap3A_31] : memref<80x128xf32, #tpu.memory_space<vmem>>, vector<80x128xf32>
      tpu.vector_store %arg2[%swap3A_30, %swap3A_31], %broadcast_in_dim3A_29 {strides = array<i32>} : memref<80x128xf32, #tpu.memory_space<vmem>>, vector<80x128xf32>,
    } else {
    }
    %get3A = arith.constant 0 : index
    %get3A_2 = arith.constant 0 : index
    %get3A_3 = arith.constant 0 : index
    %get3A_4 = vector.load %arg1[%get3A, %get3A_2, %get3A_3] : memref<1x1x8000xi32, #tpu.memory_space<vmem>>, vector<1x1x8000xi32>
    %get3A_5 = vector.shape_cast %get3A_4 : vector<1x1x8000xi32> to vector<8000xi32>
    %shift_right_logical3A = arith.constant 7 : i32
    %shift_right_logical3A_6 = vector.broadcast %shift_right_logical3A : i32 to vector<8000xi32>
    %shift_right_logical3A_7 = arith.shrui %get3A_5, %shift_right_logical3A_6 : vector<8000xi32>
    %and3A = arith.constant 127 : i32
    %and3A_8 = vector.broadcast %and3A : i32 to vector<8000xi32>
    %and3A_9 = arith.andi %get3A_5, %and3A_8 : vector<8000xi32>
    %iota3A = tpu.iota {dimensions = array<i32: 0>} : vector<80x8000xi32>
    %broadcast_in_dim3A = vector.shape_cast %shift_right_logical3A_7 : vector<8000xi32> to vector<1x8000xi32>
    %eq3A_10 = vector.broadcast %broadcast_in_dim3A : vector<1x8000xi32> to vector<80x8000xi32>
    %eq3A_11 = arith.cmpi eq, %iota3A, %eq3A_10 : vector<80x8000xi32>
    %convert_element_type3A_12 = arith.extui %eq3A_11 : vector<80x8000xi1> to vector<80x8000xi32>
    %convert_element_type3A_13 = arith.sitofp %convert_element_type3A_12 : vector<80x8000xi32> to vector<80x8000xf32>
    %convert_element_type3A_14 = arith.truncf %convert_element_type3A_13 : vector<80x8000xf32> to vector<80x8000xbf16>
    %iota3A_15 = tpu.iota {dimensions = array<i32: 1>} : vector<8000x128xi32>
    %broadcast_in_dim3A_16 = vector.shape_cast %and3A_9 : vector<8000xi32> to vector<8000x1xi32>
    %eq3A_17 = vector.broadcast %broadcast_in_dim3A_16 : vector<8000x1xi32> to vector<8000x128xi32>
    %eq3A_18 = arith.cmpi eq, %iota3A_15, %eq3A_17 : vector<8000x128xi32>
    %convert_element_type3A_19 = arith.extui %eq3A_18 : vector<8000x128xi1> to vector<8000x128xi32>
    %convert_element_type3A_20 = arith.sitofp %convert_element_type3A_19 : vector<8000x128xi32> to vector<8000x128xf32>
    %convert_element_type3A_21 = arith.truncf %convert_element_type3A_20 : vector<8000x128xf32> to vector<8000x128xbf16>
    %get3A_22 = arith.constant 0 : index
    %get3A_23 = arith.constant 0 : index
    %get3A_24 = vector.load %arg2[%get3A_22, %get3A_23] : memref<80x128xf32, #tpu.memory_space<vmem>>, vector<80x128xf32>
    %dot_general3A = arith.constant dense<0.000000e+00> : vector<80x128xf32>
    %dot_general3A_25 = tpu.matmul %convert_element_type3A_14, %convert_element_type3A_21, %dot_general3A {dimension_numbers = #tpu.dot_dimension_numbers<[1], [0], [0], [1], [0, 0, 1, 1], [], []>, transpose_lhs_hint = false} : vector<80x8000xbf16>, vector<8000x128xbf16>, vector<80x128xf32> -> vector<80x128xf32>
    %add3A = arith.addf %get3A_24, %dot_general3A_25 : vector<80x128xf32>
    %swap3A = arith.constant 0 : index
    %swap3A_26 = arith.constant 0 : index
    %swap3A_27 = vector.load %arg2[%swap3A, %swap3A_26] : memref<80x128xf32, #tpu.memory_space<vmem>>, vector<80x128xf32>
    tpu.vector_store %arg2[%swap3A, %swap3A_26], %add3A {strides = array<i32>} : memref<80x128xf32, #tpu.memory_space<vmem>>, vector<80x128xf32>,
    return
  }
  func.func @transform_0(%arg0: i32) -> (i32, i32, i32) {
    %c0_i32 = arith.constant 0 : i32
    %c0_i32_0 = arith.constant 0 : i32
    %c0_i32_1 = arith.constant 0 : i32
    return %arg0, %c0_i32, %c0_i32_0 : i32, i32, i32
  }
  func.func @transform_1(%arg0: i32) -> (i32, i32) {
    %c0_i32 = arith.constant 0 : i32
    %c0_i32_0 = arith.constant 0 : i32
    %c0_i32_1 = arith.constant 0 : i32
    return %c0_i32, %c0_i32_0 : i32, i32
  }
}

module attributes {stable_mosaic.version = 14 : i64} {
  func.func @_layer_body(%arg0: i32, %arg1: memref<2x1000x128xf32, #tpu.memory_space<vmem>>, %arg2: memref<1000x1xf32, #tpu.memory_space<vmem>>, %arg3: memref<1000x128xf32, #tpu.memory_space<vmem>>, %arg4: memref<128x128xf32, #tpu.memory_space<vmem>>, %arg5: memref<1x128xf32, #tpu.memory_space<vmem>>, %arg6: memref<128x128xf32, #tpu.memory_space<vmem>>, %arg7: memref<1000x128xf32, #tpu.memory_space<vmem>>) attributes {dimension_semantics = [#tpu.dimension_semantics<arbitrary>], iteration_bounds = array<i64: 10>, scalar_prefetch = 0 : i64, scratch_operands = 0 : i64, tpu.core_type = #tpu.core_type<tc>, window_params = [{transform_indices = @transform_0, window_bounds = array<i64: 2, 1000, 128>}, {transform_indices = @transform_1, window_bounds = array<i64: 1000, 1>}, {transform_indices = @transform_2, window_bounds = array<i64: 1000, 128>}, {pipeline_mode = #tpu.pipeline_mode<synchronous>, transform_indices = @transform_3, window_bounds = array<i64: 128, 128>}, {pipeline_mode = #tpu.pipeline_mode<synchronous>, transform_indices = @transform_4, window_bounds = array<i64: 1, 128>}, {pipeline_mode = #tpu.pipeline_mode<synchronous>, transform_indices = @transform_5, window_bounds = array<i64: 128, 128>}, {transform_indices = @transform_6, window_bounds = array<i64: 1000, 128>}]} {
    %get3A = arith.constant 0 : index
    %get3A_0 = arith.constant 0 : index
    %get3A_1 = arith.constant 0 : index
    %get3A_2 = vector.load %arg1[%get3A, %get3A_0, %get3A_1] : memref<2x1000x128xf32, #tpu.memory_space<vmem>>, vector<1x1000x128xf32>
    %get3A_3 = vector.shape_cast %get3A_2 : vector<1x1000x128xf32> to vector<1000x128xf32>
    %get3A_4 = arith.constant 1 : index
    %get3A_5 = arith.constant 0 : index
    %get3A_6 = arith.constant 0 : index
    %get3A_7 = vector.load %arg1[%get3A_4, %get3A_5, %get3A_6] : memref<2x1000x128xf32, #tpu.memory_space<vmem>>, vector<1x1000x128xf32>
    %get3A_8 = vector.shape_cast %get3A_7 : vector<1x1000x128xf32> to vector<1000x128xf32>
    %add3A = arith.addf %get3A_3, %get3A_8 : vector<1000x128xf32>
    %get3A_9 = arith.constant 0 : index
    %get3A_10 = arith.constant 0 : index
    %get3A_11 = vector.load %arg2[%get3A_9, %get3A_10] : memref<1000x1xf32, #tpu.memory_space<vmem>>, vector<1000x1xf32>
    %get3A_12 = arith.constant 0 : index
    %get3A_13 = arith.constant 0 : index
    %get3A_14 = vector.load %arg4[%get3A_12, %get3A_13] : memref<128x128xf32, #tpu.memory_space<vmem>>, vector<128x128xf32>
    %dot_general3A = arith.constant dense<0.000000e+00> : vector<1000x128xf32>
    %dot_general3A_15 = tpu.matmul %add3A, %get3A_14, %dot_general3A {dimension_numbers = #tpu.dot_dimension_numbers<[1], [0], [0], [1], [0, 0, 1, 1], [], []>, transpose_lhs_hint = false} : vector<1000x128xf32>, vector<128x128xf32>, vector<1000x128xf32> -> vector<1000x128xf32>
    %get3A_16 = arith.constant 0 : index
    %get3A_17 = arith.constant 0 : index
    %get3A_18 = vector.load %arg3[%get3A_16, %get3A_17] : memref<1000x128xf32, #tpu.memory_space<vmem>>, vector<1000x128xf32>
    %get3A_19 = arith.constant 0 : index
    %get3A_20 = arith.constant 0 : index
    %get3A_21 = vector.load %arg6[%get3A_19, %get3A_20] : memref<128x128xf32, #tpu.memory_space<vmem>>, vector<128x128xf32>
    %dot_general3A_22 = arith.constant dense<0.000000e+00> : vector<1000x128xf32>
    %dot_general3A_23 = tpu.matmul %get3A_18, %get3A_21, %dot_general3A_22 {dimension_numbers = #tpu.dot_dimension_numbers<[1], [0], [0], [1], [0, 0, 1, 1], [], []>, transpose_lhs_hint = false} : vector<1000x128xf32>, vector<128x128xf32>, vector<1000x128xf32> -> vector<1000x128xf32>
    %max3A = arith.constant 1.000000e+00 : f32
    %max3A_24 = vector.broadcast %max3A : f32 to vector<1000x1xf32>
    %max3A_25 = arith.maximumf %get3A_11, %max3A_24 : vector<1000x1xf32>
    %div3A = vector.broadcast %max3A_25 : vector<1000x1xf32> to vector<1000x128xf32>
    %div3A_26 = arith.divf %dot_general3A_15, %div3A : vector<1000x128xf32>
    %get3A_27 = arith.constant 0 : index
    %get3A_28 = arith.constant 0 : index
    %get3A_29 = vector.load %arg5[%get3A_27, %get3A_28] : memref<1x128xf32, #tpu.memory_space<vmem>>, vector<1x128xf32>
    %add3A_30 = vector.broadcast %get3A_29 : vector<1x128xf32> to vector<1000x128xf32>
    %add3A_31 = arith.addf %div3A_26, %add3A_30 : vector<1000x128xf32>
    %add3A_32 = arith.addf %add3A_31, %dot_general3A_23 : vector<1000x128xf32>
    %max3A_33 = arith.constant 0.000000e+00 : f32
    %max3A_34 = vector.broadcast %max3A_33 : f32 to vector<1000x128xf32>
    %max3A_35 = arith.maximumf %add3A_32, %max3A_34 : vector<1000x128xf32>
    %swap3A = arith.constant 0 : index
    %swap3A_36 = arith.constant 0 : index
    %swap3A_37 = vector.load %arg7[%swap3A, %swap3A_36] : memref<1000x128xf32, #tpu.memory_space<vmem>>, vector<1000x128xf32>
    tpu.vector_store %arg7[%swap3A, %swap3A_36], %max3A_35 {strides = array<i32>} : memref<1000x128xf32, #tpu.memory_space<vmem>>, vector<1000x128xf32>,
    return
  }
  func.func @transform_0(%arg0: i32) -> (i32, i32, i32) {
    %c0_i32 = arith.constant 0 : i32
    %c0_i32_0 = arith.constant 0 : i32
    %c0_i32_1 = arith.constant 0 : i32
    return %c0_i32, %arg0, %c0_i32_0 : i32, i32, i32
  }
  func.func @transform_1(%arg0: i32) -> (i32, i32) {
    %c0_i32 = arith.constant 0 : i32
    %c0_i32_0 = arith.constant 0 : i32
    return %arg0, %c0_i32 : i32, i32
  }
  func.func @transform_2(%arg0: i32) -> (i32, i32) {
    %c0_i32 = arith.constant 0 : i32
    %c0_i32_0 = arith.constant 0 : i32
    return %arg0, %c0_i32 : i32, i32
  }
  func.func @transform_3(%arg0: i32) -> (i32, i32) {
    %c0_i32 = arith.constant 0 : i32
    %c0_i32_0 = arith.constant 0 : i32
    %c0_i32_1 = arith.constant 0 : i32
    return %c0_i32, %c0_i32_0 : i32, i32
  }
  func.func @transform_4(%arg0: i32) -> (i32, i32) {
    %c0_i32 = arith.constant 0 : i32
    %c0_i32_0 = arith.constant 0 : i32
    %c0_i32_1 = arith.constant 0 : i32
    return %c0_i32, %c0_i32_0 : i32, i32
  }
  func.func @transform_5(%arg0: i32) -> (i32, i32) {
    %c0_i32 = arith.constant 0 : i32
    %c0_i32_0 = arith.constant 0 : i32
    %c0_i32_1 = arith.constant 0 : i32
    return %c0_i32, %c0_i32_0 : i32, i32
  }
  func.func @transform_6(%arg0: i32) -> (i32, i32) {
    %c0_i32 = arith.constant 0 : i32
    %c0_i32_0 = arith.constant 0 : i32
    return %arg0, %c0_i32 : i32, i32
  }
}

module attributes {stable_mosaic.version = 14 : i64} {
  func.func @_final_body(%arg0: i32, %arg1: memref<2x1000x128xf32, #tpu.memory_space<vmem>>, %arg2: memref<1000x1xf32, #tpu.memory_space<vmem>>, %arg3: memref<1000x128xf32, #tpu.memory_space<vmem>>, %arg4: memref<1x1x1000xi32, #tpu.memory_space<vmem>>, %arg5: memref<128x128xf32, #tpu.memory_space<vmem>>, %arg6: memref<1x128xf32, #tpu.memory_space<vmem>>, %arg7: memref<128x128xf32, #tpu.memory_space<vmem>>, %arg8: memref<128x128xf32, #tpu.memory_space<vmem>>, %arg9: memref<1x128xf32, #tpu.memory_space<vmem>>, %arg10: memref<128x128xf32, #tpu.memory_space<vmem>>, %arg11: memref<128x128xf32, #tpu.memory_space<vmem>>, %arg12: memref<128x1xf32, #tpu.memory_space<vmem>>) attributes {dimension_semantics = [#tpu.dimension_semantics<arbitrary>], iteration_bounds = array<i64: 10>, scalar_prefetch = 0 : i64, scratch_operands = 2 : i64, tpu.core_type = #tpu.core_type<tc>, window_params = [{transform_indices = @transform_0, window_bounds = array<i64: 2, 1000, 128>}, {transform_indices = @transform_1, window_bounds = array<i64: 1000, 1>}, {transform_indices = @transform_2, window_bounds = array<i64: 1000, 128>}, {transform_indices = @transform_3, window_bounds = array<i64: 1, 1, 1000>}, {pipeline_mode = #tpu.pipeline_mode<synchronous>, transform_indices = @transform_4, window_bounds = array<i64: 128, 128>}, {pipeline_mode = #tpu.pipeline_mode<synchronous>, transform_indices = @transform_5, window_bounds = array<i64: 1, 128>}, {pipeline_mode = #tpu.pipeline_mode<synchronous>, transform_indices = @transform_6, window_bounds = array<i64: 128, 128>}, {pipeline_mode = #tpu.pipeline_mode<synchronous>, transform_indices = @transform_7, window_bounds = array<i64: 128, 128>}, {pipeline_mode = #tpu.pipeline_mode<synchronous>, transform_indices = @transform_8, window_bounds = array<i64: 1, 128>}, {pipeline_mode = #tpu.pipeline_mode<synchronous>, transform_indices = @transform_9, window_bounds = array<i64: 128, 128>}]} {
    %eq3A = arith.constant 0 : i32
    %eq3A_0 = arith.cmpi eq, %arg0, %eq3A : i32
    %convert_element_type3A = arith.extui %eq3A_0 : i1 to i32
    %cond3A = arith.constant 0 : i32
    %cond3A_1 = arith.cmpi ne, %convert_element_type3A, %cond3A : i32
    scf.if %cond3A_1 {
      %broadcast_in_dim3A_69 = arith.constant 0.000000e+00 : f32
      %broadcast_in_dim3A_70 = vector.broadcast %broadcast_in_dim3A_69 : f32 to vector<128x128xf32>
      %swap3A_71 = arith.constant 0 : index
      %swap3A_72 = arith.constant 0 : index
      %swap3A_73 = vector.load %arg11[%swap3A_71, %swap3A_72] : memref<128x128xf32, #tpu.memory_space<vmem>>, vector<128x128xf32>
      tpu.vector_store %arg11[%swap3A_71, %swap3A_72], %broadcast_in_dim3A_70 {strides = array<i32>} : memref<128x128xf32, #tpu.memory_space<vmem>>, vector<128x128xf32>,
      %broadcast_in_dim3A_74 = arith.constant 0.000000e+00 : f32
      %broadcast_in_dim3A_75 = vector.broadcast %broadcast_in_dim3A_74 : f32 to vector<128x1xf32>
      %swap3A_76 = arith.constant 0 : index
      %swap3A_77 = arith.constant 0 : index
      %swap3A_78 = vector.load %arg12[%swap3A_76, %swap3A_77] : memref<128x1xf32, #tpu.memory_space<vmem>>, vector<128x1xf32>
      tpu.vector_store %arg12[%swap3A_76, %swap3A_77], %broadcast_in_dim3A_75 {strides = array<i32>} : memref<128x1xf32, #tpu.memory_space<vmem>>, vector<128x1xf32>,
    } else {
    }
    %get3A = arith.constant 0 : index
    %get3A_2 = arith.constant 0 : index
    %get3A_3 = arith.constant 0 : index
    %get3A_4 = vector.load %arg1[%get3A, %get3A_2, %get3A_3] : memref<2x1000x128xf32, #tpu.memory_space<vmem>>, vector<1x1000x128xf32>
    %get3A_5 = vector.shape_cast %get3A_4 : vector<1x1000x128xf32> to vector<1000x128xf32>
    %get3A_6 = arith.constant 1 : index
    %get3A_7 = arith.constant 0 : index
    %get3A_8 = arith.constant 0 : index
    %get3A_9 = vector.load %arg1[%get3A_6, %get3A_7, %get3A_8] : memref<2x1000x128xf32, #tpu.memory_space<vmem>>, vector<1x1000x128xf32>
    %get3A_10 = vector.shape_cast %get3A_9 : vector<1x1000x128xf32> to vector<1000x128xf32>
    %add3A = arith.addf %get3A_5, %get3A_10 : vector<1000x128xf32>
    %get3A_11 = arith.constant 0 : index
    %get3A_12 = arith.constant 0 : index
    %get3A_13 = vector.load %arg2[%get3A_11, %get3A_12] : memref<1000x1xf32, #tpu.memory_space<vmem>>, vector<1000x1xf32>
    %get3A_14 = arith.constant 0 : index
    %get3A_15 = arith.constant 0 : index
    %get3A_16 = vector.load %arg5[%get3A_14, %get3A_15] : memref<128x128xf32, #tpu.memory_space<vmem>>, vector<128x128xf32>
    %dot_general3A = arith.constant dense<0.000000e+00> : vector<1000x128xf32>
    %dot_general3A_17 = tpu.matmul %add3A, %get3A_16, %dot_general3A {dimension_numbers = #tpu.dot_dimension_numbers<[1], [0], [0], [1], [0, 0, 1, 1], [], []>, transpose_lhs_hint = false} : vector<1000x128xf32>, vector<128x128xf32>, vector<1000x128xf32> -> vector<1000x128xf32>
    %get3A_18 = arith.constant 0 : index
    %get3A_19 = arith.constant 0 : index
    %get3A_20 = vector.load %arg3[%get3A_18, %get3A_19] : memref<1000x128xf32, #tpu.memory_space<vmem>>, vector<1000x128xf32>
    %get3A_21 = arith.constant 0 : index
    %get3A_22 = arith.constant 0 : index
    %get3A_23 = vector.load %arg7[%get3A_21, %get3A_22] : memref<128x128xf32, #tpu.memory_space<vmem>>, vector<128x128xf32>
    %dot_general3A_24 = arith.constant dense<0.000000e+00> : vector<1000x128xf32>
    %dot_general3A_25 = tpu.matmul %get3A_20, %get3A_23, %dot_general3A_24 {dimension_numbers = #tpu.dot_dimension_numbers<[1], [0], [0], [1], [0, 0, 1, 1], [], []>, transpose_lhs_hint = false} : vector<1000x128xf32>, vector<128x128xf32>, vector<1000x128xf32> -> vector<1000x128xf32>
    %max3A = arith.constant 1.000000e+00 : f32
    %max3A_26 = vector.broadcast %max3A : f32 to vector<1000x1xf32>
    %max3A_27 = arith.maximumf %get3A_13, %max3A_26 : vector<1000x1xf32>
    %div3A = vector.broadcast %max3A_27 : vector<1000x1xf32> to vector<1000x128xf32>
    %div3A_28 = arith.divf %dot_general3A_17, %div3A : vector<1000x128xf32>
    %get3A_29 = arith.constant 0 : index
    %get3A_30 = arith.constant 0 : index
    %get3A_31 = vector.load %arg6[%get3A_29, %get3A_30] : memref<1x128xf32, #tpu.memory_space<vmem>>, vector<1x128xf32>
    %add3A_32 = vector.broadcast %get3A_31 : vector<1x128xf32> to vector<1000x128xf32>
    %add3A_33 = arith.addf %div3A_28, %add3A_32 : vector<1000x128xf32>
    %add3A_34 = arith.addf %add3A_33, %dot_general3A_25 : vector<1000x128xf32>
    %max3A_35 = arith.constant 0.000000e+00 : f32
    %max3A_36 = vector.broadcast %max3A_35 : f32 to vector<1000x128xf32>
    %max3A_37 = arith.maximumf %add3A_34, %max3A_36 : vector<1000x128xf32>
    %get3A_38 = arith.constant 0 : index
    %get3A_39 = arith.constant 0 : index
    %get3A_40 = arith.constant 0 : index
    %get3A_41 = vector.load %arg4[%get3A_38, %get3A_39, %get3A_40] : memref<1x1x1000xi32, #tpu.memory_space<vmem>>, vector<1x1x1000xi32>
    %get3A_42 = vector.shape_cast %get3A_41 : vector<1x1x1000xi32> to vector<1000xi32>
    %iota3A = tpu.iota {dimensions = array<i32: 0>} : vector<128x1000xi32>
    %broadcast_in_dim3A = vector.shape_cast %get3A_42 : vector<1000xi32> to vector<1x1000xi32>
    %eq3A_43 = vector.broadcast %broadcast_in_dim3A : vector<1x1000xi32> to vector<128x1000xi32>
    %eq3A_44 = arith.cmpi eq, %iota3A, %eq3A_43 : vector<128x1000xi32>
    %convert_element_type3A_45 = arith.extui %eq3A_44 : vector<128x1000xi1> to vector<128x1000xi32>
    %convert_element_type3A_46 = arith.sitofp %convert_element_type3A_45 : vector<128x1000xi32> to vector<128x1000xf32>
    %get3A_47 = arith.constant 0 : index
    %get3A_48 = arith.constant 0 : index
    %get3A_49 = vector.load %arg11[%get3A_47, %get3A_48] : memref<128x128xf32, #tpu.memory_space<vmem>>, vector<128x128xf32>
    %dot_general3A_50 = arith.constant dense<0.000000e+00> : vector<128x128xf32>
    %dot_general3A_51 = tpu.matmul %convert_element_type3A_46, %max3A_37, %dot_general3A_50 {dimension_numbers = #tpu.dot_dimension_numbers<[1], [0], [0], [1], [0, 0, 1, 1], [], []>, transpose_lhs_hint = false} : vector<128x1000xf32>, vector<1000x128xf32>, vector<128x128xf32> -> vector<128x128xf32>
    %add3A_52 = arith.addf %get3A_49, %dot_general3A_51 : vector<128x128xf32>
    %swap3A = arith.constant 0 : index
    %swap3A_53 = arith.constant 0 : index
    %swap3A_54 = vector.load %arg11[%swap3A, %swap3A_53] : memref<128x128xf32, #tpu.memory_space<vmem>>, vector<128x128xf32>
    tpu.vector_store %arg11[%swap3A, %swap3A_53], %add3A_52 {strides = array<i32>} : memref<128x128xf32, #tpu.memory_space<vmem>>, vector<128x128xf32>,
    %get3A_55 = arith.constant 0 : index
    %get3A_56 = arith.constant 0 : index
    %get3A_57 = vector.load %arg12[%get3A_55, %get3A_56] : memref<128x1xf32, #tpu.memory_space<vmem>>, vector<128x1xf32>
    %reduce_sum3A = arith.constant dense<0.000000e+00> : vector<128xf32>
    %reduce_sum3A_58 = vector.multi_reduction <add>, %convert_element_type3A_46, %reduce_sum3A [1] : vector<128x1000xf32> to vector<128xf32>
    %broadcast_in_dim3A_59 = vector.shape_cast %reduce_sum3A_58 : vector<128xf32> to vector<128x1xf32>
    %add3A_60 = arith.addf %get3A_57, %broadcast_in_dim3A_59 : vector<128x1xf32>
    %swap3A_61 = arith.constant 0 : index
    %swap3A_62 = arith.constant 0 : index
    %swap3A_63 = vector.load %arg12[%swap3A_61, %swap3A_62] : memref<128x1xf32, #tpu.memory_space<vmem>>, vector<128x1xf32>
    tpu.vector_store %arg12[%swap3A_61, %swap3A_62], %add3A_60 {strides = array<i32>} : memref<128x1xf32, #tpu.memory_space<vmem>>, vector<128x1xf32>,
    %eq3A_64 = arith.constant 9 : i32
    %eq3A_65 = arith.cmpi eq, %arg0, %eq3A_64 : i32
    %convert_element_type3A_66 = arith.extui %eq3A_65 : i1 to i32
    %cond3A_67 = arith.constant 0 : i32
    %cond3A_68 = arith.cmpi ne, %convert_element_type3A_66, %cond3A_67 : i32
    scf.if %cond3A_68 {
      %get3A_69 = arith.constant 0 : index
      %get3A_70 = arith.constant 0 : index
      %get3A_71 = vector.load %arg11[%get3A_69, %get3A_70] : memref<128x128xf32, #tpu.memory_space<vmem>>, vector<128x128xf32>
      %get3A_72 = arith.constant 0 : index
      %get3A_73 = arith.constant 0 : index
      %get3A_74 = vector.load %arg12[%get3A_72, %get3A_73] : memref<128x1xf32, #tpu.memory_space<vmem>>, vector<128x1xf32>
      %max3A_75 = arith.constant 1.000000e+00 : f32
      %max3A_76 = vector.broadcast %max3A_75 : f32 to vector<128x1xf32>
      %max3A_77 = arith.maximumf %get3A_74, %max3A_76 : vector<128x1xf32>
      %div3A_78 = vector.broadcast %max3A_77 : vector<128x1xf32> to vector<128x128xf32>
      %div3A_79 = arith.divf %get3A_71, %div3A_78 : vector<128x128xf32>
      %get3A_80 = arith.constant 0 : index
      %get3A_81 = arith.constant 0 : index
      %get3A_82 = vector.load %arg8[%get3A_80, %get3A_81] : memref<128x128xf32, #tpu.memory_space<vmem>>, vector<128x128xf32>
      %dot_general3A_83 = arith.constant dense<0.000000e+00> : vector<128x128xf32>
      %dot_general3A_84 = tpu.matmul %div3A_79, %get3A_82, %dot_general3A_83 {dimension_numbers = #tpu.dot_dimension_numbers<[1], [0], [0], [1], [0, 0, 1, 1], [], []>, transpose_lhs_hint = false} : vector<128x128xf32>, vector<128x128xf32>, vector<128x128xf32> -> vector<128x128xf32>
      %get3A_85 = arith.constant 0 : index
      %get3A_86 = arith.constant 0 : index
      %get3A_87 = vector.load %arg9[%get3A_85, %get3A_86] : memref<1x128xf32, #tpu.memory_space<vmem>>, vector<1x128xf32>
      %add3A_88 = vector.broadcast %get3A_87 : vector<1x128xf32> to vector<128x128xf32>
      %add3A_89 = arith.addf %dot_general3A_84, %add3A_88 : vector<128x128xf32>
      %swap3A_90 = arith.constant 0 : index
      %swap3A_91 = arith.constant 0 : index
      %swap3A_92 = vector.load %arg10[%swap3A_90, %swap3A_91] : memref<128x128xf32, #tpu.memory_space<vmem>>, vector<128x128xf32>
      tpu.vector_store %arg10[%swap3A_90, %swap3A_91], %add3A_89 {strides = array<i32>} : memref<128x128xf32, #tpu.memory_space<vmem>>, vector<128x128xf32>,
    } else {
    }
    return
  }
  func.func @transform_0(%arg0: i32) -> (i32, i32, i32) {
    %c0_i32 = arith.constant 0 : i32
    %c0_i32_0 = arith.constant 0 : i32
    %c0_i32_1 = arith.constant 0 : i32
    return %c0_i32, %arg0, %c0_i32_0 : i32, i32, i32
  }
  func.func @transform_1(%arg0: i32) -> (i32, i32) {
    %c0_i32 = arith.constant 0 : i32
    %c0_i32_0 = arith.constant 0 : i32
    return %arg0, %c0_i32 : i32, i32
  }
  func.func @transform_2(%arg0: i32) -> (i32, i32) {
    %c0_i32 = arith.constant 0 : i32
    %c0_i32_0 = arith.constant 0 : i32
    return %arg0, %c0_i32 : i32, i32
  }
  func.func @transform_3(%arg0: i32) -> (i32, i32, i32) {
    %c0_i32 = arith.constant 0 : i32
    %c0_i32_0 = arith.constant 0 : i32
    %c0_i32_1 = arith.constant 0 : i32
    return %arg0, %c0_i32, %c0_i32_0 : i32, i32, i32
  }
  func.func @transform_4(%arg0: i32) -> (i32, i32) {
    %c0_i32 = arith.constant 0 : i32
    %c0_i32_0 = arith.constant 0 : i32
    %c0_i32_1 = arith.constant 0 : i32
    return %c0_i32, %c0_i32_0 : i32, i32
  }
  func.func @transform_5(%arg0: i32) -> (i32, i32) {
    %c0_i32 = arith.constant 0 : i32
    %c0_i32_0 = arith.constant 0 : i32
    %c0_i32_1 = arith.constant 0 : i32
    return %c0_i32, %c0_i32_0 : i32, i32
  }
  func.func @transform_6(%arg0: i32) -> (i32, i32) {
    %c0_i32 = arith.constant 0 : i32
    %c0_i32_0 = arith.constant 0 : i32
    %c0_i32_1 = arith.constant 0 : i32
    return %c0_i32, %c0_i32_0 : i32, i32
  }
  func.func @transform_7(%arg0: i32) -> (i32, i32) {
    %c0_i32 = arith.constant 0 : i32
    %c0_i32_0 = arith.constant 0 : i32
    %c0_i32_1 = arith.constant 0 : i32
    return %c0_i32, %c0_i32_0 : i32, i32
  }
  func.func @transform_8(%arg0: i32) -> (i32, i32) {
    %c0_i32 = arith.constant 0 : i32
    %c0_i32_0 = arith.constant 0 : i32
    %c0_i32_1 = arith.constant 0 : i32
    return %c0_i32, %c0_i32_0 : i32, i32
  }
  func.func @transform_9(%arg0: i32) -> (i32, i32) {
    %c0_i32 = arith.constant 0 : i32
    %c0_i32_0 = arith.constant 0 : i32
    %c0_i32_1 = arith.constant 0 : i32
    return %c0_i32, %c0_i32_0 : i32, i32
  }
}

</mosaic_0001>

<sc_bundles>
// kernel: sc_agg.4.cloned.1.call-start
scs
__scs_entry_jumppad:
0x0: {  	(pc) =	sbr.rel $0x88, $3  }
0x1: {  	(tag) =	ssettag $0x0;
	lr =	simm.s32 $0x1  }
0x2: {  	[smem:$0x3F96] =	sst lr;
	_ =	strace $0xD0000000  }
0x3: {  	_ = 	snop  }
0x4: {  	_ = 	snop  }
0x5: {  	_ = 	snop  }
0x6: {  	_ = 	snop  }
0x7: {  	_ = 	snop  }
__scs_overlays_trampoline_lowered:
0x8: {  	[smem:$0x3FA5] =	sst s0  }
0x9: {  	[smem:$0x3FA6] =	sst s1  }
0xa: {  	[smem:$0x3FA7] =	sst s2  }
0xb: {  	[smem:$0x3FA8] =	sst s3  }
0xc: {  	[smem:$0x3FA9] =	sst s4  }
0xd: {  	[smem:$0x3FAA] =	sst s5  }
0xe: {  	[smem:$0x3FAB] =	sst s6  }
0xf: {  	[smem:$0x3FAC] =	sst s7  }
0x10: {  	[smem:$0x3FAD] =	sst s8  }
0x11: {  	[smem:$0x3FAE] =	sst s9;
	s0 =	simm.s32 @!p0 $0x0  }
0x12: {  	s1 =	sld [smem:$0x3F94];
	s0 =	simm.s32 @p0 $0x1  }
0x13: {  	[smem:$0x3FAF] =	sst s0;
	s0 =	simm.s32 @!p1 $0x0  }
0x14: {  	s2 =	sld [smem:$0x3F93];
	s0 =	simm.s32 @p1 $0x1  }
0x15: {  	[smem:$0x3FB0] =	sst s0;
	s0 =	simm.s32 @!p2 $0x0  }
0x16: {  	s3 =	sld [smem:$0x3FDB];
	s0 =	simm.s32 @p2 $0x1  }
0x17: {  	s4 =	simm.s32 $0x1BF5;
	[smem:$0x3FB2] =	sst s0  }
0x18: {  	s0 =	sld [smem:$0x3F95];
	_ =	swait.ge [sflag:s4], $0x0  }
0x19: {  	s7 =	sld [smem:$0x3F96]  }
0x1a: {  	s8 =	sadd.s32 $0xFFFFE003, lr  }
0x1b: {  	s9 =	sadd.s32 $0xFFFFFEF7, lr;
	s5 =	simm.s32 $0xFFFFFFFF;
	p2 =	slt.u32 s8, $0xFFFFF086  }
0x1c: {  	p1 =	slt.u32 s9, $0xF7A;
	s5 =	simm.s32 @!p2 $0x0  }
0x1d: {  	s5 =	simm.s32 @p1 $0x1;
	p0 =	seq.s32 s7, s2  }
0x1e: {  	s7 =	smul.u32 @!p0 $0xF7A, s2;
	p2 =	seq.s32 @!p0 s5, $0x0  }
0x1f: {  	s9 =	smul.u32 $0xF7A, s1;
	s8 =	simm.s32 @!p0 $0x1BF5;
	p2 =	por !p2, p0  }
0x20: {  	[sflag:s8] =	ssyncset.s32 @!p0 $0xFFFFF086;
	s6 =	sadd.s32 @!p0 s3, s7;
	s7 =	simm.s32 @!p0 $0x108  }
0x21: {  	s3 =	sadd.s32 s3, s9;
	s6 =	sadd.s32 @!p0 $0x88, s6;
	s7 =	simm.s32 @p2 $0x1082  }
0x22: {  	[simem:s7], [sflag:s8] =	dma.local @!p0 [hbm:s6], $0xF7A  }
0x23: {  	s9 =	sor.u32 $0xD0000000, s2;
	s6 =	simm.s32 $0x108;
	_ =	swait.ge @!p0 [sflag:s8], $0x0  }
0x24: {  	s3 =	sadd.s32 $0x88, s3;
	s6 =	simm.s32 @!p1 $0x1082;
	[sflag:s4] =	ssyncset.s32 $0xFFFFF086  }
0x25: {  	[simem:s6], [sflag:s4] =	dma.local [hbm:s3], $0xF7A  }
0x26: {  	[smem:$0x3F96] =	sst s1;
	(tag) =	ssettag s2;
	_ =	strace s9  }
0x27: {  	s1 =	sld [smem:$0x3FA6]  }
0x28: {  	s2 =	sld [smem:$0x3FA7]  }
0x29: {  	s4 =	sld [smem:$0x3FA9]  }
0x2a: {  	p0 =	seq.s32 s5, $0x0;
	s5 =	sld [smem:$0x3FAA]  }
0x2b: {  	s6 =	sld [smem:$0x3FAB]  }
0x2c: {  	s7 =	sld [smem:$0x3FAC]  }
0x2d: {  	s3 =	simm.s32 $0x108;
	s8 =	sld [smem:$0x3FAD]  }
0x2e: {  	s3 =	simm.s32 @!p0 $0x1082;
	s9 =	sld [smem:$0x3FAE]  }
0x2f: {  	lr =	sadd.s32 s0, s3;
	s0 =	sld [smem:$0x3FA5]  }
0x30: {  	s3 =	sld [smem:$0x3FA8]  }
0x31: {  	[smem:$0x3FB1] =	sst s10  }
0x32: {  	s10 =	sld [smem:$0x3FAF];
	_ =	sdelay $0x3  }
0x33: {  	p0 =	seq.s32 s10, $0x1;
	s10 =	sld [smem:$0x3FB1];
	_ =	sdelay $0x3  }
0x34: {  	[smem:$0x3FB1] =	sst s10  }
0x35: {  	s10 =	sld [smem:$0x3FB0];
	_ =	sdelay $0x3  }
0x36: {  	p1 =	seq.s32 s10, $0x1;
	s10 =	sld [smem:$0x3FB1];
	_ =	sdelay $0x3  }
0x37: {  	[smem:$0x3FB1] =	sst s10  }
0x38: {  	s10 =	sld [smem:$0x3FB2]  }
0x39: {  	_ = 	snop;
	(pc) =	sbr.ind lr, $3  }
0x3a: {  	_ = 	snop  }
0x3b: {  	_ = 	snop  }
0x3c: {  	p2 =	seq.s32 s10, $0x1;
	s10 =	sld [smem:$0x3FB1]  }
0x3d: {  	_ =	shalt  }
0x3e: {  	_ =	shalt  }
0x3f: {  	_ =	shalt  }
0x40: {  	_ =	shalt  }
0x41: {  	_ =	shalt  }
0x42: {  	_ =	shalt  }
0x43: {  	_ =	shalt  }
0x44: {  	_ =	shalt  }
0x45: {  	_ =	shalt  }
0x46: {  	_ =	shalt  }
0x47: {  	_ =	shalt  }
0x48: {  	_ =	shalt  }
0x49: {  	_ =	shalt  }
0x4a: {  	_ =	shalt  }
0x4b: {  	_ =	shalt  }
0x4c: {  	_ =	shalt  }
0x4d: {  	_ =	shalt  }
0x4e: {  	_ =	shalt  }
0x4f: {  	_ =	shalt  }
0x50: {  	_ =	shalt  }
0x51: {  	_ =	shalt  }
0x52: {  	_ =	shalt  }
0x53: {  	_ =	shalt  }
0x54: {  	_ =	shalt  }
0x55: {  	_ =	shalt  }
0x56: {  	_ =	shalt  }
0x57: {  	_ =	shalt  }
0x58: {  	_ =	shalt  }
0x59: {  	_ =	shalt  }
0x5a: {  	_ =	shalt  }
0x5b: {  	_ =	shalt  }
0x5c: {  	_ =	shalt  }
0x5d: {  	_ =	shalt  }
0x5e: {  	_ =	shalt  }
0x5f: {  	_ =	shalt  }
0x60: {  	_ =	shalt  }
0x61: {  	_ =	shalt  }
0x62: {  	_ =	shalt  }
0x63: {  	_ =	shalt  }
0x64: {  	_ =	shalt  }
0x65: {  	_ =	shalt  }
0x66: {  	_ =	shalt  }
0x67: {  	_ =	shalt  }
0x68: {  	_ =	shalt  }
0x69: {  	_ =	shalt  }
0x6a: {  	_ =	shalt  }
0x6b: {  	_ =	shalt  }
0x6c: {  	_ =	shalt  }
0x6d: {  	_ =	shalt  }
0x6e: {  	_ =	shalt  }
0x6f: {  	_ =	shalt  }
0x70: {  	_ =	shalt  }
0x71: {  	_ =	shalt  }
0x72: {  	_ =	shalt  }
0x73: {  	_ =	shalt  }
0x74: {  	_ =	shalt  }
0x75: {  	_ =	shalt  }
0x76: {  	_ =	shalt  }
0x77: {  	_ =	shalt  }
0x78: {  	_ =	shalt  }
0x79: {  	_ =	shalt  }
0x7a: {  	_ =	shalt  }
0x7b: {  	_ =	shalt  }
0x7c: {  	_ =	shalt  }
0x7d: {  	_ =	shalt  }
0x7e: {  	_ =	shalt  }
0x7f: {  	_ =	shalt  }
0x80: {  	_ =	shalt  }
0x81: {  	_ =	shalt  }
0x82: {  	_ =	shalt  }
0x83: {  	_ =	shalt  }
0x84: {  	_ =	shalt  }
0x85: {  	_ =	shalt  }
0x86: {  	_ =	shalt  }
0x87: {  	_ =	shalt  }
.Lfunc_end0:
.L_simem_size_0:
called_computation_lowered:
.L_overlay_start_0:
0x88: {  	s2 =	sld [smem:$0x3FD9]  }
0x89: {  	s3 =	sld [smem:$0x3FFE];
	_ =	sdelay $0x1  }
0x8a: {  	s1 =	srdreg.scid  }
0x8b: {  	s0 =	sand.u32 $0x1, s1  }
0x8c: {  	s17 =	sshll.u32 s0, $0xA;
	s2 =	sadd.s32 s3, s2  }
0x8d: {  	s2 =	sadd.s32 s2, s17  }
0x8e: {  	[smem:$0x3FBD] =	sst s2  }
0x8f: {  	_ = 	snop  }
0x90: {  	s2 =	sld [smem:$0x3FC9];
	(tm) =	ssettm $0x1  }
0x91: {  	s18 =	sld [smem:$0x3FFB];
	_ =	sdelay $0x3  }
0x92: {  	_ =	strace s18  }
0x93: {  	s3 =	sld [smem:$0x3FFC];
	_ =	sdelay $0x3  }
0x94: {  	_ =	strace s3  }
0x95: {  	s3 =	sld [smem:$0x3FFD];
	_ =	sdelay $0x3  }
0x96: {  	_ =	strace s3  }
0x97: {  	_ =	strace $0x8FFFFFFF  }
0x98: {  	s19 =	sld [smem:$0x3FDB];
	_ =	sdelay $0x1  }
0x99: {  	s4 =	simm.s32 $_scs_section_size  }
0x9a: {  	s5 =	simm.s32 $_size__tile_overlayer_lowered;
	s6 =	simm.s32 $_tile_overlayer_lowered  }
0x9b: {  	s22 =	simm.s32 $0x1BFF;
	s21 =	sshll.u32 s6, $0x1;
	s3 =	sadd.s32 s4, s19  }
0x9c: {  	s7 =	simm.s32 $0x0;
	s20 =	sshll.u32 s5, $0x1;
	s5 =	sadd.s32 s21, s3  }
0x9d: {  	[timem:s7], [sflag:s22] =	dma.local [hbm:s5], s20  }
0x9e: {  	_ =	swait.ge [sflag:s22], s20  }
0x9f: {  	s4 =	ssub.s32 $0x0, s20;
	[sflag:s22] =	ssyncset.done $0x0  }
0xa0: {  	[sflag:s22] =	ssyncadd.s32 s4;
	_ =	sdelay $0x1  }
0xa1: {  	s23 =	simm.s32 $0x1B8B  }
0xa2: {  	_ =	swait.ge [sflag:s23], $0x1  }
0xa3: {  	[sflag:s23] =	ssyncset.done $0x0  }
0xa4: {  	s25 =	simm.s32 $0x1B8E;
	s24 =	sld [smem:$0x3FFE];
	[sflag:s23] =	ssyncadd.s32 $0xFFFFFFFF  }
0xa5: {  	s26 =	simm.s32 $execute0_lowered;
	[smem:$0x3FD2] =	sst s25  }
0xa6: {  	s5 =	sshll.u32 s26, $0x1;
	_ =	strace $0x80000046;
	[dreg:$0x1] =	wrdreg $0xFFFFFFFF  }
0xa7: {  	s28 =	simm.s32 $_size_execute0_lowered;
	s3 =	sadd.s32 s3, s5;
	[dreg:$0x0] =	wrdreg $0x0  }
0xa8: {  	s5 =	sshll.u32 s28, $0x1;
	[dreg:$0x2] =	wrdreg s3  }
0xa9: {  	[dreg:$0x3] =	wrdreg s5  }
0xaa: {  	[dreg:$0x4] =	wrdreg $0xC0  }
0xab: {  	_ =	task [dreg:s7], $0x5FFFF  }
0xac: {  	[dreg:$0x1] =	wrdreg $0xFFFFFFFF  }
0xad: {  	[dreg:$0x0] =	wrdreg $0x60  }
0xae: {  	[dreg:$0x2] =	wrdreg s2  }
0xaf: {  	[dreg:$0x3] =	wrdreg s24  }
0xb0: {  	[dreg:$0x4] =	wrdreg $0x98000  }
0xb1: {  	[dreg:$0x5] =	wrdreg $0x9  }
0xb2: {  	_ =	task.clear_ibuf [dreg:s7], $0x6FFFF;
	_ =	strace $0x90000046  }
0xb3: {  	s29 =	simm.s32 $0x9;
	_ =	strace $0x80000048  }
0xb4: {  	_ =	swait.ge [sflag:s29], $0x1  }
0xb5: {  	[sflag:s29] =	ssyncadd.s32 $0xFFFFFFFF  }
0xb6: {  	_ =	strace $0x90000048  }
0xb7: {  	_ =	sfence  }
0xb8: {  	s30 =	sld [smem:$0x0];
	_ =	sdelay $0x2  }
0xb9: {  	s31 =	sshll.u32 s1, $0xD;
	s1 =	sshrl.u32 s1, $0x2  }
0xba: {  	s3 =	sand.u32 $0x4000, s31;
	s1 =	sadd.s32 s1, s30  }
0xbb: {  	s0 =	sor.u32 s3, s0;
	s1 =	sshll.u32 s1, $0x11  }
0xbc: {  	s0 =	sor.u32 s1, s0  }
0xbd: {  	s0 =	sadd.s32 $0x8F2B, s0  }
0xbe: {  	[sflag:s0] =	ssyncadd.remote.s32 $0x1  }
0xbf: {  	_ =	sfence.sel $0xFFFF  }
0xc0: {  	[dreg:$0x0] =	wrdreg $0xFFFFFFFF;
	(pc) =	sbr.abs _section_cstart, $3  }
0xc1: {  	[dreg:$0x1] =	wrdreg $0xFFFFFFFF  }
0xc2: {  	_ =	task.clear_ibuf [dreg:s7], $0x2FFFF;
	_ =	strace $0x9FFFFFFF  }
0xc3: {  	(tm) =	ssettm $0x7FFFFFFF  }
tec
execute0_lowered:
.L_overlay_start_1:
0x0: {  	(tag) =	ssettag $0x1  }
0x1: {  	s1 =	rddreg [dreg:$0x0]  }
0x2: {  	s5 =	rddreg [dreg:$0x1]  }
0x3: {  	s3 =	rddreg [dreg:$0x2];
	s4 =	simm.s32 $0x0  }
0x4: {  	s18 =	simm.s32 $0x100;
	[smem:$0x7FF] =	sst s4  }
0x5: {  	s20 =	simm.s32 $0x180;
	_ =	strace $0x80000047;
	[dreg:$0x6] =	wrdreg s18  }
0x6: {  	s21 =	simm.s32 $0x1080;
	[dreg:$0x7] =	wrdreg s20  }
0x7: {  	s22 =	simm.s32 $0x200;
	[dreg:$0x8] =	wrdreg s21  }
0x8: {  	s23 =	simm.s32 $0x1100;
	[dreg:$0x9] =	wrdreg s22  }
0x9: {  	s24 =	simm.s32 $0x280;
	[dreg:$0xa] =	wrdreg s23  }
0xa: {  	s25 =	simm.s32 $0x1180;
	[dreg:$0xb] =	wrdreg s24  }
0xb: {  	s26 =	simm.s32 $0x300;
	[dreg:$0xc] =	wrdreg s25  }
0xc: {  	s11 =	simm.s32 $0x380;
	[dreg:$0xd] =	wrdreg s26  }
0xd: {  	s0 =	srdreg.scid;
	s13 =	simm.s32 $0x1280;
	[dreg:$0xf] =	wrdreg s11  }
0xe: {  	s14 =	stileid.u32;
	s15 =	simm.s32 $0x400;
	[dreg:$0x10] =	wrdreg s13  }
0xf: {  	s16 =	simm.s32 $0x1300;
	s17 =	simm.s32 $0x480;
	[dreg:$0x11] =	wrdreg s15  }
0x10: {  	s28 =	simm.s32 $0x1A80;
	s29 =	simm.s32 $0xC00;
	[dreg:$0x12] =	wrdreg s16  }
0x11: {  	s30 =	simm.s32 $0x1B00;
	[dreg:$0x13] =	wrdreg s17;
	s18 =	simm.s32 $0x1380  }
0x12: {  	s31 =	simm.s32 $0x1B80;
	s20 =	simm.s32 $0x1400;
	[dreg:$0x14] =	wrdreg s18  }
0x13: {  	s0 =	sand.u32 $0x1, s0;
	s22 =	simm.s32 $0x580;
	[dreg:$0x16] =	wrdreg s20  }
0x14: {  	s6 =	smul.u32 $0x5000, s14;
	s23 =	simm.s32 $0x1480;
	[dreg:$0x17] =	wrdreg s22  }
0x15: {  	s7 =	sadd.s32 $0x16000, s5;
	s25 =	simm.s32 $0x600;
	[dreg:$0x18] =	wrdreg s23  }
0x16: {  	s19 =	smul.u32 $0x14000, s14;
	s26 =	simm.s32 $0x1500;
	[dreg:$0x19] =	wrdreg s25  }
0x17: {  	s2 =	smul.u32 $0x50000, s0;
	s11 =	simm.s32 $0x700;
	[dreg:$0x1a] =	wrdreg s26  }
0x18: {  	s10 =	smul.u32 $0x140000, s0;
	s13 =	simm.s32 $0x780;
	[dreg:$0x1d] =	wrdreg s11  }
0x19: {  	s21 =	smul.u32 $0x50000, s14;
	s15 =	simm.s32 $0x1680;
	[dreg:$0x1f] =	wrdreg s13  }
0x1a: {  	s16 =	simm.s32 $0x800;
	s17 =	simm.s32 $0x1700;
	[smem:$0x7F3] =	sst s15  }
0x1b: {  	s9 =	sshrl.u32 s19, $0x3;
	s11 =	simm.s32 $0x1000;
	[smem:$0x7F4] =	sst s16  }
0x1c: {  	s13 =	simm.s32 $0x2000;
	s15 =	simm.s32 $0x4800;
	[smem:$0x7F5] =	sst s17  }
0x1d: {  	s18 =	simm.s32 $0x880;
	s20 =	simm.s32 $0x1780;
	s22 =	simm.s32 $0x1800  }
0x1e: {  	s23 =	simm.s32 $0x980;
	s25 =	simm.s32 $0xA00;
	[smem:$0x7F6] =	sst s18  }
0x1f: {  	s26 =	simm.s32 $0x1900;
	s2 =	sadd.s32 s6, s2;
	[smem:$0x7F7] =	sst s20  }
0x20: {  	s6 =	sadd.s32 $0x2000, s5;
	s9 =	sadd.s32 s9, s5;
	[smem:$0x7F9] =	sst s22  }
0x21: {  	s24 =	sshrl.u32 s21, $0x2;
	s21 =	simm.s32 $0x900;
	[smem:$0x7FA] =	sst s23  }
0x22: {  	s18 =	simm.s32 $0x7000;
	s20 =	simm.s32 $0x2;
	[smem:$0x7FC] =	sst s25  }
0x23: {  	[smem:$0x7FD] =	sst s26;
	s22 =	simm.s32 $0xA80;
	s2 =	sshrl.u32 s2, $0x3  }
0x24: {  	s23 =	simm.s32 $0x1980;
	[smem:$0x7F8] =	sst s21;
	s8 =	sadd.s32 s2, s6  }
0x25: {  	s25 =	simm.s32 $0x1A00;
	s2 =	sadd.s32 s2, s7;
	[dreg:$0x4] =	wrdreg s8  }
0x26: {  	s26 =	simm.s32 $0xB80;
	s21 =	simm.s32 $0x3;
	[dreg:$0x5] =	wrdreg s2  }
0x27: {  	s8 =	sadd.s32 s19, s10;
	s10 =	ssub.s32 $0x2, s0;
	s0 =	sshll.u32 s0, $0x4  }
0x28: {  	s19 =	simm.s32 $0x500;
	s2 =	sadd.s32 s24, s3;
	s24 =	simm.s32 $0x1880  }
0x29: {  	s8 =	sshrl.u32 s8, $0x3;
	s12 =	sshrl.u32 s10, $0x1;
	s0 =	sor.u32 s14, s0  }
0x2a: {  	[dreg:$0x15] =	wrdreg s19;
	s19 =	sshll.u32 s14, $0x6;
	s17 =	sshrl.u32 s2, $0x3  }
0x2b: {  	[smem:$0x7FB] =	sst s24;
	s5 =	sadd.s32 s8, s5;
	s8 =	simm.s32 $0x1200  }
0x2c: {  	s10 =	ssub.s32 s10, s12;
	s12 =	simm.s32 $0x1600;
	[dreg:$0xe] =	wrdreg s8  }
0x2d: {  	s0 =	smul.u32 $0x5000, s0;
	s5 =	sadd.s32 $0x52000, s5;
	[dreg:$0x1e] =	wrdreg s12  }
0x2e: {  	s24 =	simm.s32 $0xB00;
	s8 =	simm.s32 $0x680;
	[smem:$0x7F1] =	sst s5  }
0x2f: {  	s10 =	smax.u32 s10, $0x1;
	s0 =	sshrl.u32 s0, $0x3;
	[dreg:$0x1b] =	wrdreg s8  }
0x30: {  	s2 =	simm.s32 $0x1C00;
	[smem:$0x7F2] =	sst s10;
	s7 =	sadd.s32 s7, s0  }
0x31: {  	s16 =	sor.u32 $0x1C04, s19;
	s0 =	sadd.s32 s6, s0;
	[smem:$0x7EE] =	sst s7  }
0x32: {  	s19 =	simm.s32 $0x1;
	[smem:$0x7EF] =	sst s0;
	s7 =	sadd.s32 $0x2A000, s9  }
0x33: {  	s12 =	simm.s32 $0x50;
	s9 =	simm.s32 $0x1580;
	[smem:$0x7F0] =	sst s7  }
0x34: {  	s10 =	simm.s32 $0x4;
	s0 =	simm.s32 $0x0;
	[dreg:$0x1c] =	wrdreg s9  }
.LBB2_1:
0x35: {  	s5 =	sld [smem:$0x7EE];
	_ =	sdelay $0x2  }
0x36: {  	[tilespmem:s4], [sflag:$0x4] =	stream.linear.gather [hbm4b:s5+s4], $0xC80, $0x38;
	[tilespmem:$0x1D800] =	vst v63  }
0x37: {  	_ =	swait.ge [sflag:s10], $0xC80  }
0x38: {  	s6 =	sld [smem:$0x7EF]  }
0x39: {  	[sflag:s10] =	ssyncset.done $0x0  }
0x3a: {  	[sflag:s10] =	ssyncadd.s32 $0xFFFFF380  }
0x3b: {  	[tilespmem:s11], [sflag:$0x4] =	stream.linear.gather [hbm4b:s6+s4], $0xC80, $0x38;
	[tilespmem:$0x1D800] =	vst v63  }
0x3c: {  	_ =	swait.ge [sflag:s10], $0xC80  }
0x3d: {  	[sflag:s10] =	ssyncset.done $0x0  }
0x3e: {  	s8 =	sld [smem:$0x7F0];
	[sflag:s10] =	ssyncadd.s32 $0xFFFFF380  }
0x3f: {  	[tilespmem:s13], [sflag:$0x1] =	stream.indirect.gather [hbm4b:s1+s12], $0x80, s4, s12, $0xb8;
	[tilespmem:$0x1D800] =	vst v63  }
0x40: {  	s7 =	simm.s32 $0x80  }
0x41: {  	[tilespmem:s15], [sflag:$0x2] =	stream.indirect.gather [hbm4b:s1+s12], $0x80, s7, s12, $0xb8;
	[tilespmem:$0x1D800] =	vst v63  }
0x42: {  	[spmem:s17], [sflag:s16] =	dma.local [hbm:s8], $0x2800  }
0x43: {  	_ =	swait.ge [sflag:s10], $0x2800  }
0x44: {  	[sflag:s10] =	ssyncset.done $0x0  }
0x45: {  	[sflag:s10] =	ssyncadd.s32 $0xFFFFD800  }
0x46: {  	[bflag:$0x0] =	sbarrier.arrive $0xFFFF  }
0x47: {  	p0 =	por $0x1, $0x1;
	s5 =	rddreg [dreg:$0x5]  }
0x48: {  	s14 =	simm.s32 @!p0 $0x4;
	s6 =	simm.s32 @!p0 $0x0;
	s5 =	sadd.s32 @!p0 $0x0, s5  }
0x49: {  	[tilespmem:s6], [sflag:$0x4] =	stream.linear.gather @!p0 [hbm4b:s5+s6], $0xC80, $0x38;
	[tilespmem:$0x1D800] =	vst v63  }
0x4a: {  	_ =	swait.ge @!p0 [sflag:s14], $0xC80  }
0x4b: {  	s5 =	rddreg [dreg:$0x4];
	[sflag:s14] =	ssyncset.done @!p0 $0x0  }
0x4c: {  	s7 =	simm.s32 @!p0 $0x1000;
	[sflag:s14] =	ssyncadd.s32 @!p0 $0xFFFFF380;
	s5 =	sadd.s32 @!p0 $0x0, s5  }
0x4d: {  	[tilespmem:s7], [sflag:$0x4] =	stream.linear.gather @!p0 [hbm4b:s5+s6], $0xC80, $0x38;
	[tilespmem:$0x1D800] =	vst v63  }
0x4e: {  	_ =	swait.ge @!p0 [sflag:s14], $0xC80  }
0x4f: {  	[sflag:s14] =	ssyncset.done @!p0 $0x0  }
0x50: {  	s5 =	simm.s32 @!p0 $0x50;
	s7 =	simm.s32 @!p0 $0x2000;
	[sflag:s14] =	ssyncadd.s32 @!p0 $0xFFFFF380  }
0x51: {  	[tilespmem:s7], [sflag:$0x1] =	stream.indirect.gather @!p0 [hbm4b:s1+s5], $0x80, s6, s5, $0xb8;
	[tilespmem:$0x1D800] =	vst v63  }
0x52: {  	s6 =	simm.s32 @!p0 $0x80;
	s7 =	simm.s32 @!p0 $0x4800  }
0x53: {  	[tilespmem:s7], [sflag:$0x2] =	stream.indirect.gather @!p0 [hbm4b:s1+s5], $0x80, s6, s5, $0xb8;
	[tilespmem:$0x1D800] =	vst v63  }
0x54: {  	s9 =	rddreg [dreg:$0x6]  }
0x55: {  	[tilespmem:s18], [sflag:$0x3] =	stream.indirect.gather [hbm4b:s1+s12], $0x80, s9, s12, $0xb8;
	[tilespmem:$0x1D800] =	vst v63  }
0x56: {  	_ =	swait.ge [sflag:s19], $0x2800  }
0x57: {  	[sflag:s19] =	ssyncset.done $0x0  }
0x58: {  	[sflag:s19] =	ssyncadd.s32 $0xFFFFD800  }
0x59: {  	[spmem:s3] =	stream.indirect.scatter.add.f32 [tilespmem:s13], [sflag:$0x4], $0x80, s11, s12, $0xb8;
	[tilespmem:$0x1D800] =	vst v63  }
0x5a: {  	_ =	swait.ge [sflag:s10], $0x2800  }
0x5b: {  	[sflag:s10] =	ssyncset.done $0x0  }
0x5c: {  	s14 =	rddreg [dreg:$0x7];
	[sflag:s10] =	ssyncadd.s32 $0xFFFFD800  }
0x5d: {  	[tilespmem:s13], [sflag:$0x1] =	stream.indirect.gather [hbm4b:s1+s12], $0x80, s14, s12, $0xb8;
	[tilespmem:$0x1D800] =	vst v63  }
0x5e: {  	_ =	swait.ge [sflag:s20], $0x2800  }
0x5f: {  	[sflag:s20] =	ssyncset.done $0x0  }
0x60: {  	s6 =	rddreg [dreg:$0x8];
	[sflag:s20] =	ssyncadd.s32 $0xFFFFD800  }
0x61: {  	[spmem:s3] =	stream.indirect.scatter.add.f32 [tilespmem:s15], [sflag:$0x4], $0x80, s6, s12, $0xb8;
	[tilespmem:$0x1D800] =	vst v63  }
0x62: {  	_ =	swait.ge [sflag:s10], $0x2800  }
0x63: {  	[sflag:s10] =	ssyncset.done $0x0  }
0x64: {  	s7 =	rddreg [dreg:$0x9];
	[sflag:s10] =	ssyncadd.s32 $0xFFFFD800  }
0x65: {  	[tilespmem:s15], [sflag:$0x2] =	stream.indirect.gather [hbm4b:s1+s12], $0x80, s7, s12, $0xb8;
	[tilespmem:$0x1D800] =	vst v63  }
0x66: {  	_ =	swait.ge [sflag:s21], $0x2800  }
0x67: {  	[sflag:s21] =	ssyncset.done $0x0  }
0x68: {  	s8 =	rddreg [dreg:$0xa];
	[sflag:s21] =	ssyncadd.s32 $0xFFFFD800  }
0x69: {  	[spmem:s3] =	stream.indirect.scatter.add.f32 [tilespmem:s18], [sflag:$0x4], $0x80, s8, s12, $0xb8;
	[tilespmem:$0x1D800] =	vst v63  }
0x6a: {  	_ =	swait.ge [sflag:s10], $0x2800  }
0x6b: {  	[sflag:s10] =	ssyncset.done $0x0  }
0x6c: {  	s9 =	rddreg [dreg:$0xb];
	[sflag:s10] =	ssyncadd.s32 $0xFFFFD800  }
0x6d: {  	[tilespmem:s18], [sflag:$0x3] =	stream.indirect.gather [hbm4b:s1+s12], $0x80, s9, s12, $0xb8;
	[tilespmem:$0x1D800] =	vst v63  }
0x6e: {  	_ =	swait.ge [sflag:s19], $0x2800  }
0x6f: {  	[sflag:s19] =	ssyncset.done $0x0  }
0x70: {  	s14 =	rddreg [dreg:$0xc];
	[sflag:s19] =	ssyncadd.s32 $0xFFFFD800  }
0x71: {  	[spmem:s3] =	stream.indirect.scatter.add.f32 [tilespmem:s13], [sflag:$0x4], $0x80, s14, s12, $0xb8;
	[tilespmem:$0x1D800] =	vst v63  }
0x72: {  	_ =	swait.ge [sflag:s10], $0x2800  }
0x73: {  	[sflag:s10] =	ssyncset.done $0x0  }
0x74: {  	s6 =	rddreg [dreg:$0xd];
	[sflag:s10] =	ssyncadd.s32 $0xFFFFD800  }
0x75: {  	[tilespmem:s13], [sflag:$0x1] =	stream.indirect.gather [hbm4b:s1+s12], $0x80, s6, s12, $0xb8;
	[tilespmem:$0x1D800] =	vst v63  }
0x76: {  	_ =	swait.ge [sflag:s20], $0x2800  }
0x77: {  	[sflag:s20] =	ssyncset.done $0x0  }
0x78: {  	s7 =	rddreg [dreg:$0xe];
	[sflag:s20] =	ssyncadd.s32 $0xFFFFD800  }
0x79: {  	[spmem:s3] =	stream.indirect.scatter.add.f32 [tilespmem:s15], [sflag:$0x4], $0x80, s7, s12, $0xb8;
	[tilespmem:$0x1D800] =	vst v63  }
0x7a: {  	_ =	swait.ge [sflag:s10], $0x2800  }
0x7b: {  	[sflag:s10] =	ssyncset.done $0x0  }
0x7c: {  	s8 =	rddreg [dreg:$0xf];
	[sflag:s10] =	ssyncadd.s32 $0xFFFFD800  }
0x7d: {  	[tilespmem:s15], [sflag:$0x2] =	stream.indirect.gather [hbm4b:s1+s12], $0x80, s8, s12, $0xb8;
	[tilespmem:$0x1D800] =	vst v63  }
0x7e: {  	_ =	swait.ge [sflag:s21], $0x2800  }
0x7f: {  	[sflag:s21] =	ssyncset.done $0x0  }
0x80: {  	s9 =	rddreg [dreg:$0x10];
	[sflag:s21] =	ssyncadd.s32 $0xFFFFD800  }
0x81: {  	[spmem:s3] =	stream.indirect.scatter.add.f32 [tilespmem:s18], [sflag:$0x4], $0x80, s9, s12, $0xb8;
	[tilespmem:$0x1D800] =	vst v63  }
0x82: {  	_ =	swait.ge [sflag:s10], $0x2800  }
0x83: {  	[sflag:s10] =	ssyncset.done $0x0  }
0x84: {  	s14 =	rddreg [dreg:$0x11];
	[sflag:s10] =	ssyncadd.s32 $0xFFFFD800  }
0x85: {  	[tilespmem:s18], [sflag:$0x3] =	stream.indirect.gather [hbm4b:s1+s12], $0x80, s14, s12, $0xb8;
	[tilespmem:$0x1D800] =	vst v63  }
0x86: {  	_ =	swait.ge [sflag:s19], $0x2800  }
0x87: {  	[sflag:s19] =	ssyncset.done $0x0  }
0x88: {  	s6 =	rddreg [dreg:$0x12];
	[sflag:s19] =	ssyncadd.s32 $0xFFFFD800  }
0x89: {  	[spmem:s3] =	stream.indirect.scatter.add.f32 [tilespmem:s13], [sflag:$0x4], $0x80, s6, s12, $0xb8;
	[tilespmem:$0x1D800] =	vst v63  }
0x8a: {  	_ =	swait.ge [sflag:s10], $0x2800  }
0x8b: {  	[sflag:s10] =	ssyncset.done $0x0  }
0x8c: {  	s7 =	rddreg [dreg:$0x13];
	[sflag:s10] =	ssyncadd.s32 $0xFFFFD800  }
0x8d: {  	[tilespmem:s13], [sflag:$0x1] =	stream.indirect.gather [hbm4b:s1+s12], $0x80, s7, s12, $0xb8;
	[tilespmem:$0x1D800] =	vst v63  }
0x8e: {  	_ =	swait.ge [sflag:s20], $0x2800  }
0x8f: {  	[sflag:s20] =	ssyncset.done $0x0  }
0x90: {  	s8 =	rddreg [dreg:$0x14];
	[sflag:s20] =	ssyncadd.s32 $0xFFFFD800  }
0x91: {  	[spmem:s3] =	stream.indirect.scatter.add.f32 [tilespmem:s15], [sflag:$0x4], $0x80, s8, s12, $0xb8;
	[tilespmem:$0x1D800] =	vst v63  }
0x92: {  	_ =	swait.ge [sflag:s10], $0x2800  }
0x93: {  	[sflag:s10] =	ssyncset.done $0x0  }
0x94: {  	s9 =	rddreg [dreg:$0x15];
	[sflag:s10] =	ssyncadd.s32 $0xFFFFD800  }
0x95: {  	[tilespmem:s15], [sflag:$0x2] =	stream.indirect.gather [hbm4b:s1+s12], $0x80, s9, s12, $0xb8;
	[tilespmem:$0x1D800] =	vst v63  }
0x96: {  	_ =	swait.ge [sflag:s21], $0x2800  }
0x97: {  	[sflag:s21] =	ssyncset.done $0x0  }
0x98: {  	s14 =	rddreg [dreg:$0x16];
	[sflag:s21] =	ssyncadd.s32 $0xFFFFD800  }
0x99: {  	[spmem:s3] =	stream.indirect.scatter.add.f32 [tilespmem:s18], [sflag:$0x4], $0x80, s14, s12, $0xb8;
	[tilespmem:$0x1D800] =	vst v63  }
0x9a: {  	_ =	swait.ge [sflag:s10], $0x2800  }
0x9b: {  	[sflag:s10] =	ssyncset.done $0x0  }
0x9c: {  	s6 =	rddreg [dreg:$0x17];
	[sflag:s10] =	ssyncadd.s32 $0xFFFFD800  }
0x9d: {  	[tilespmem:s18], [sflag:$0x3] =	stream.indirect.gather [hbm4b:s1+s12], $0x80, s6, s12, $0xb8;
	[tilespmem:$0x1D800] =	vst v63  }
0x9e: {  	_ =	swait.ge [sflag:s19], $0x2800  }
0x9f: {  	[sflag:s19] =	ssyncset.done $0x0  }
0xa0: {  	s7 =	rddreg [dreg:$0x18];
	[sflag:s19] =	ssyncadd.s32 $0xFFFFD800  }
0xa1: {  	[spmem:s3] =	stream.indirect.scatter.add.f32 [tilespmem:s13], [sflag:$0x4], $0x80, s7, s12, $0xb8;
	[tilespmem:$0x1D800] =	vst v63  }
0xa2: {  	_ =	swait.ge [sflag:s10], $0x2800  }
0xa3: {  	[sflag:s10] =	ssyncset.done $0x0  }
0xa4: {  	s8 =	rddreg [dreg:$0x19];
	[sflag:s10] =	ssyncadd.s32 $0xFFFFD800  }
0xa5: {  	[tilespmem:s13], [sflag:$0x1] =	stream.indirect.gather [hbm4b:s1+s12], $0x80, s8, s12, $0xb8;
	[tilespmem:$0x1D800] =	vst v63  }
0xa6: {  	_ =	swait.ge [sflag:s20], $0x2800  }
0xa7: {  	[sflag:s20] =	ssyncset.done $0x0  }
0xa8: {  	s9 =	rddreg [dreg:$0x1a];
	[sflag:s20] =	ssyncadd.s32 $0xFFFFD800  }
0xa9: {  	[spmem:s3] =	stream.indirect.scatter.add.f32 [tilespmem:s15], [sflag:$0x4], $0x80, s9, s12, $0xb8;
	[tilespmem:$0x1D800] =	vst v63  }
0xaa: {  	_ =	swait.ge [sflag:s10], $0x2800  }
0xab: {  	[sflag:s10] =	ssyncset.done $0x0  }
0xac: {  	s14 =	rddreg [dreg:$0x1b];
	[sflag:s10] =	ssyncadd.s32 $0xFFFFD800  }
0xad: {  	[tilespmem:s15], [sflag:$0x2] =	stream.indirect.gather [hbm4b:s1+s12], $0x80, s14, s12, $0xb8;
	[tilespmem:$0x1D800] =	vst v63  }
0xae: {  	_ =	swait.ge [sflag:s21], $0x2800  }
0xaf: {  	[sflag:s21] =	ssyncset.done $0x0  }
0xb0: {  	s6 =	rddreg [dreg:$0x1c];
	[sflag:s21] =	ssyncadd.s32 $0xFFFFD800  }
0xb1: {  	[spmem:s3] =	stream.indirect.scatter.add.f32 [tilespmem:s18], [sflag:$0x4], $0x80, s6, s12, $0xb8;
	[tilespmem:$0x1D800] =	vst v63  }
0xb2: {  	_ =	swait.ge [sflag:s10], $0x2800  }
0xb3: {  	[sflag:s10] =	ssyncset.done $0x0  }
0xb4: {  	s7 =	rddreg [dreg:$0x1d];
	[sflag:s10] =	ssyncadd.s32 $0xFFFFD800  }
0xb5: {  	[tilespmem:s18], [sflag:$0x3] =	stream.indirect.gather [hbm4b:s1+s12], $0x80, s7, s12, $0xb8;
	[tilespmem:$0x1D800] =	vst v63  }
0xb6: {  	_ =	swait.ge [sflag:s19], $0x2800  }
0xb7: {  	[sflag:s19] =	ssyncset.done $0x0  }
0xb8: {  	s8 =	rddreg [dreg:$0x1e];
	[sflag:s19] =	ssyncadd.s32 $0xFFFFD800  }
0xb9: {  	[spmem:s3] =	stream.indirect.scatter.add.f32 [tilespmem:s13], [sflag:$0x4], $0x80, s8, s12, $0xb8;
	[tilespmem:$0x1D800] =	vst v63  }
0xba: {  	_ =	swait.ge [sflag:s10], $0x2800  }
0xbb: {  	[sflag:s10] =	ssyncset.done $0x0  }
0xbc: {  	s9 =	rddreg [dreg:$0x1f];
	[sflag:s10] =	ssyncadd.s32 $0xFFFFD800  }
0xbd: {  	[tilespmem:s13], [sflag:$0x1] =	stream.indirect.gather [hbm4b:s1+s12], $0x80, s9, s12, $0xb8;
	[tilespmem:$0x1D800] =	vst v63  }
0xbe: {  	_ =	swait.ge [sflag:s20], $0x2800  }
0xbf: {  	s14 =	sld [smem:$0x7F3]  }
0xc0: {  	[sflag:s20] =	ssyncset.done $0x0  }
0xc1: {  	[sflag:s20] =	ssyncadd.s32 $0xFFFFD800  }
0xc2: {  	[spmem:s3] =	stream.indirect.scatter.add.f32 [tilespmem:s15], [sflag:$0x4], $0x80, s14, s12, $0xb8;
	[tilespmem:$0x1D800] =	vst v63  }
0xc3: {  	_ =	swait.ge [sflag:s10], $0x2800  }
0xc4: {  	s6 =	sld [smem:$0x7F4]  }
0xc5: {  	[sflag:s10] =	ssyncset.done $0x0  }
0xc6: {  	[sflag:s10] =	ssyncadd.s32 $0xFFFFD800  }
0xc7: {  	[tilespmem:s15], [sflag:$0x2] =	stream.indirect.gather [hbm4b:s1+s12], $0x80, s6, s12, $0xb8;
	[tilespmem:$0x1D800] =	vst v63  }
0xc8: {  	_ =	swait.ge [sflag:s21], $0x2800  }
0xc9: {  	s7 =	sld [smem:$0x7F5]  }
0xca: {  	[sflag:s21] =	ssyncset.done $0x0  }
0xcb: {  	[sflag:s21] =	ssyncadd.s32 $0xFFFFD800  }
0xcc: {  	[spmem:s3] =	stream.indirect.scatter.add.f32 [tilespmem:s18], [sflag:$0x4], $0x80, s7, s12, $0xb8;
	[tilespmem:$0x1D800] =	vst v63  }
0xcd: {  	_ =	swait.ge [sflag:s10], $0x2800  }
0xce: {  	s8 =	sld [smem:$0x7F6]  }
0xcf: {  	[sflag:s10] =	ssyncset.done $0x0  }
0xd0: {  	[sflag:s10] =	ssyncadd.s32 $0xFFFFD800  }
0xd1: {  	[tilespmem:s18], [sflag:$0x3] =	stream.indirect.gather [hbm4b:s1+s12], $0x80, s8, s12, $0xb8;
	[tilespmem:$0x1D800] =	vst v63  }
0xd2: {  	_ =	swait.ge [sflag:s19], $0x2800  }
0xd3: {  	s9 =	sld [smem:$0x7F7]  }
0xd4: {  	[sflag:s19] =	ssyncset.done $0x0  }
0xd5: {  	[sflag:s19] =	ssyncadd.s32 $0xFFFFD800  }
0xd6: {  	[spmem:s3] =	stream.indirect.scatter.add.f32 [tilespmem:s13], [sflag:$0x4], $0x80, s9, s12, $0xb8;
	[tilespmem:$0x1D800] =	vst v63  }
0xd7: {  	_ =	swait.ge [sflag:s10], $0x2800  }
0xd8: {  	s14 =	sld [smem:$0x7F8]  }
0xd9: {  	[sflag:s10] =	ssyncset.done $0x0  }
0xda: {  	[sflag:s10] =	ssyncadd.s32 $0xFFFFD800  }
0xdb: {  	[tilespmem:s13], [sflag:$0x1] =	stream.indirect.gather [hbm4b:s1+s12], $0x80, s14, s12, $0xb8;
	[tilespmem:$0x1D800] =	vst v63  }
0xdc: {  	_ =	swait.ge [sflag:s20], $0x2800  }
0xdd: {  	s6 =	sld [smem:$0x7F9]  }
0xde: {  	[sflag:s20] =	ssyncset.done $0x0  }
0xdf: {  	[sflag:s20] =	ssyncadd.s32 $0xFFFFD800  }
0xe0: {  	[spmem:s3] =	stream.indirect.scatter.add.f32 [tilespmem:s15], [sflag:$0x4], $0x80, s6, s12, $0xb8;
	[tilespmem:$0x1D800] =	vst v63  }
0xe1: {  	_ =	swait.ge [sflag:s10], $0x2800  }
0xe2: {  	s7 =	sld [smem:$0x7FA]  }
0xe3: {  	[sflag:s10] =	ssyncset.done $0x0  }
0xe4: {  	[sflag:s10] =	ssyncadd.s32 $0xFFFFD800  }
0xe5: {  	[tilespmem:s15], [sflag:$0x2] =	stream.indirect.gather [hbm4b:s1+s12], $0x80, s7, s12, $0xb8;
	[tilespmem:$0x1D800] =	vst v63  }
0xe6: {  	_ =	swait.ge [sflag:s21], $0x2800  }
0xe7: {  	s8 =	sld [smem:$0x7FB]  }
0xe8: {  	[sflag:s21] =	ssyncset.done $0x0  }
0xe9: {  	[sflag:s21] =	ssyncadd.s32 $0xFFFFD800  }
0xea: {  	[spmem:s3] =	stream.indirect.scatter.add.f32 [tilespmem:s18], [sflag:$0x4], $0x80, s8, s12, $0xb8;
	[tilespmem:$0x1D800] =	vst v63  }
0xeb: {  	_ =	swait.ge [sflag:s10], $0x2800  }
0xec: {  	s9 =	sld [smem:$0x7FC]  }
0xed: {  	[sflag:s10] =	ssyncset.done $0x0  }
0xee: {  	[sflag:s10] =	ssyncadd.s32 $0xFFFFD800  }
0xef: {  	[tilespmem:s18], [sflag:$0x3] =	stream.indirect.gather [hbm4b:s1+s12], $0x80, s9, s12, $0xb8;
	[tilespmem:$0x1D800] =	vst v63  }
0xf0: {  	_ =	swait.ge [sflag:s19], $0x2800  }
0xf1: {  	s14 =	sld [smem:$0x7FD]  }
0xf2: {  	[sflag:s19] =	ssyncset.done $0x0  }
0xf3: {  	[sflag:s19] =	ssyncadd.s32 $0xFFFFD800  }
0xf4: {  	[spmem:s3] =	stream.indirect.scatter.add.f32 [tilespmem:s13], [sflag:$0x4], $0x80, s14, s12, $0xb8;
	[tilespmem:$0x1D800] =	vst v63  }
0xf5: {  	_ =	swait.ge [sflag:s10], $0x2800  }
0xf6: {  	[sflag:s10] =	ssyncset.done $0x0  }
0xf7: {  	[sflag:s10] =	ssyncadd.s32 $0xFFFFD800  }
0xf8: {  	[tilespmem:s13], [sflag:$0x1] =	stream.indirect.gather [hbm4b:s1+s12], $0x80, s22, s12, $0xb8;
	[tilespmem:$0x1D800] =	vst v63  }
0xf9: {  	_ =	swait.ge [sflag:s20], $0x2800  }
0xfa: {  	[sflag:s20] =	ssyncset.done $0x0  }
0xfb: {  	[sflag:s20] =	ssyncadd.s32 $0xFFFFD800  }
0xfc: {  	[spmem:s3] =	stream.indirect.scatter.add.f32 [tilespmem:s15], [sflag:$0x4], $0x80, s23, s12, $0xb8;
	[tilespmem:$0x1D800] =	vst v63  }
0xfd: {  	_ =	swait.ge [sflag:s10], $0x2800  }
0xfe: {  	[sflag:s10] =	ssyncset.done $0x0  }
0xff: {  	[sflag:s10] =	ssyncadd.s32 $0xFFFFD800  }
0x100: {  	[tilespmem:s15], [sflag:$0x2] =	stream.indirect.gather [hbm4b:s1+s12], $0x80, s24, s12, $0xb8;
	[tilespmem:$0x1D800] =	vst v63  }
0x101: {  	_ =	swait.ge [sflag:s21], $0x2800  }
0x102: {  	[sflag:s21] =	ssyncset.done $0x0  }
0x103: {  	[sflag:s21] =	ssyncadd.s32 $0xFFFFD800  }
0x104: {  	[spmem:s3] =	stream.indirect.scatter.add.f32 [tilespmem:s18], [sflag:$0x4], $0x80, s25, s12, $0xb8;
	[tilespmem:$0x1D800] =	vst v63  }
0x105: {  	_ =	swait.ge [sflag:s10], $0x2800  }
0x106: {  	[sflag:s10] =	ssyncset.done $0x0  }
0x107: {  	[sflag:s10] =	ssyncadd.s32 $0xFFFFD800  }
0x108: {  	[tilespmem:s18], [sflag:$0x3] =	stream.indirect.gather [hbm4b:s1+s12], $0x80, s26, s12, $0xb8;
	[tilespmem:$0x1D800] =	vst v63  }
0x109: {  	_ =	swait.ge [sflag:s19], $0x2800  }
0x10a: {  	[sflag:s19] =	ssyncset.done $0x0  }
0x10b: {  	[sflag:s19] =	ssyncadd.s32 $0xFFFFD800  }
0x10c: {  	[spmem:s3] =	stream.indirect.scatter.add.f32 [tilespmem:s13], [sflag:$0x4], $0x80, s28, s12, $0xb8;
	[tilespmem:$0x1D800] =	vst v63  }
0x10d: {  	_ =	swait.ge [sflag:s10], $0x2800  }
0x10e: {  	[sflag:s10] =	ssyncset.done $0x0  }
0x10f: {  	[sflag:s10] =	ssyncadd.s32 $0xFFFFD800  }
0x110: {  	[tilespmem:s13], [sflag:$0x1] =	stream.indirect.gather [hbm4b:s1+s12], $0x80, s29, s12, $0xb8;
	[tilespmem:$0x1D800] =	vst v63  }
0x111: {  	_ =	swait.ge [sflag:s20], $0x2800  }
0x112: {  	[sflag:s20] =	ssyncset.done $0x0  }
0x113: {  	[sflag:s20] =	ssyncadd.s32 $0xFFFFD800  }
0x114: {  	[spmem:s3] =	stream.indirect.scatter.add.f32 [tilespmem:s15], [sflag:$0x4], $0x80, s30, s12, $0xb8;
	[tilespmem:$0x1D800] =	vst v63  }
0x115: {  	_ =	swait.ge [sflag:s10], $0x2800  }
0x116: {  	[sflag:s10] =	ssyncset.done $0x0  }
0x117: {  	[sflag:s10] =	ssyncadd.s32 $0xFFFFD800  }
0x118: {  	_ =	swait.ge [sflag:s21], $0x2800  }
0x119: {  	[sflag:s21] =	ssyncset.done $0x0  }
0x11a: {  	[sflag:s21] =	ssyncadd.s32 $0xFFFFD800  }
0x11b: {  	[spmem:s3] =	stream.indirect.scatter.add.f32 [tilespmem:s18], [sflag:$0x4], $0x80, s31, s12, $0xb8;
	[tilespmem:$0x1D800] =	vst v63  }
0x11c: {  	_ =	swait.ge [sflag:s10], $0x2800  }
0x11d: {  	[sflag:s10] =	ssyncset.done $0x0  }
0x11e: {  	[sflag:s10] =	ssyncadd.s32 $0xFFFFD800  }
0x11f: {  	_ =	swait.ge [sflag:s19], $0x2800  }
0x120: {  	[sflag:s19] =	ssyncset.done $0x0  }
0x121: {  	[sflag:s19] =	ssyncadd.s32 $0xFFFFD800  }
0x122: {  	[spmem:s3] =	stream.indirect.scatter.add.f32 [tilespmem:s13], [sflag:$0x4], $0x80, s2, s12, $0xb8;
	[tilespmem:$0x1D800] =	vst v63  }
0x123: {  	s5 =	simm.s32 $0x400;
	_ =	swait.ge [sflag:s10], $0x2800  }
0x124: {  	s14 =	simm.s32 $0x200;
	s6 =	rddreg [dreg:$0x5];
	[sflag:s10] =	ssyncset.done $0x0  }
.LBB2_2:
0x125: {  	[sflag:s10] =	ssyncadd.s32 $0xFFFFD800;
	p1 =	seq.s32 s14, $0x0  }
0x126: {  	s6 =	sadd.s32 @!p1 s14, s6;
	s8 =	simm.s32 @!p1 $0x0;
	s9 =	simm.s32 @!p1 $0x4  }
0x127: {  	[tilespmem:s8], [sflag:$0x4] =	stream.linear.gather @!p1 [hbm4b:s6+s8], $0xC80, $0x38;
	[tilespmem:$0x1D800] =	vst v63  }
0x128: {  	_ =	swait.ge @!p1 [sflag:s9], $0xC80  }
0x129: {  	s6 =	rddreg [dreg:$0x4];
	[sflag:s9] =	ssyncset.done @!p1 $0x0  }
0x12a: {  	[sflag:s9] =	ssyncadd.s32 @!p1 $0xFFFFF380;
	s6 =	sadd.s32 @!p1 s14, s6;
	s14 =	simm.s32 @!p1 $0x1000  }
0x12b: {  	[tilespmem:s14], [sflag:$0x4] =	stream.linear.gather @!p1 [hbm4b:s6+s8], $0xC80, $0x38;
	[tilespmem:$0x1D800] =	vst v63  }
0x12c: {  	s7 =	smov.u32 s5;
	_ =	swait.ge @!p1 [sflag:s9], $0xC80  }
0x12d: {  	s14 =	smov.u32 s7;
	[sflag:s9] =	ssyncset.done @!p1 $0x0  }
0x12e: {  	s6 =	simm.s32 @!p1 $0x50;
	s7 =	simm.s32 @!p1 $0x2000;
	[sflag:s9] =	ssyncadd.s32 @!p1 $0xFFFFF380  }
0x12f: {  	[tilespmem:s7], [sflag:$0x1] =	stream.indirect.gather @!p1 [hbm4b:s1+s6], $0x80, s8, s6, $0xb8;
	[tilespmem:$0x1D800] =	vst v63  }
0x130: {  	s7 =	simm.s32 @!p1 $0x80;
	s8 =	simm.s32 @!p1 $0x4800  }
0x131: {  	[tilespmem:s8], [sflag:$0x2] =	stream.indirect.gather @!p1 [hbm4b:s1+s6], $0x80, s7, s6, $0xb8;
	[tilespmem:$0x1D800] =	vst v63  }
0x132: {  	s9 =	rddreg [dreg:$0x6]  }
0x133: {  	[tilespmem:s18], [sflag:$0x3] =	stream.indirect.gather [hbm4b:s1+s12], $0x80, s9, s12, $0xb8;
	[tilespmem:$0x1D800] =	vst v63  }
0x134: {  	_ =	swait.ge [sflag:s19], $0x2800  }
0x135: {  	[sflag:s19] =	ssyncset.done $0x0  }
0x136: {  	[sflag:s19] =	ssyncadd.s32 $0xFFFFD800  }
0x137: {  	[spmem:s3] =	stream.indirect.scatter.add.f32 [tilespmem:s13], [sflag:$0x4], $0x80, s11, s12, $0xb8;
	[tilespmem:$0x1D800] =	vst v63  }
0x138: {  	_ =	swait.ge [sflag:s10], $0x2800  }
0x139: {  	[sflag:s10] =	ssyncset.done $0x0  }
0x13a: {  	s7 =	rddreg [dreg:$0x7];
	[sflag:s10] =	ssyncadd.s32 $0xFFFFD800  }
0x13b: {  	[tilespmem:s13], [sflag:$0x1] =	stream.indirect.gather [hbm4b:s1+s12], $0x80, s7, s12, $0xb8;
	[tilespmem:$0x1D800] =	vst v63  }
0x13c: {  	_ =	swait.ge [sflag:s20], $0x2800  }
0x13d: {  	[sflag:s20] =	ssyncset.done $0x0  }
0x13e: {  	s8 =	rddreg [dreg:$0x8];
	[sflag:s20] =	ssyncadd.s32 $0xFFFFD800  }
0x13f: {  	[spmem:s3] =	stream.indirect.scatter.add.f32 [tilespmem:s15], [sflag:$0x4], $0x80, s8, s12, $0xb8;
	[tilespmem:$0x1D800] =	vst v63  }
0x140: {  	_ =	swait.ge [sflag:s10], $0x2800  }
0x141: {  	[sflag:s10] =	ssyncset.done $0x0  }
0x142: {  	s9 =	rddreg [dreg:$0x9];
	[sflag:s10] =	ssyncadd.s32 $0xFFFFD800  }
0x143: {  	[tilespmem:s15], [sflag:$0x2] =	stream.indirect.gather [hbm4b:s1+s12], $0x80, s9, s12, $0xb8;
	[tilespmem:$0x1D800] =	vst v63  }
0x144: {  	_ =	swait.ge [sflag:s21], $0x2800  }
0x145: {  	[sflag:s21] =	ssyncset.done $0x0  }
0x146: {  	s7 =	rddreg [dreg:$0xa];
	[sflag:s21] =	ssyncadd.s32 $0xFFFFD800  }
0x147: {  	[spmem:s3] =	stream.indirect.scatter.add.f32 [tilespmem:s18], [sflag:$0x4], $0x80, s7, s12, $0xb8;
	[tilespmem:$0x1D800] =	vst v63  }
0x148: {  	_ =	swait.ge [sflag:s10], $0x2800  }
0x149: {  	[sflag:s10] =	ssyncset.done $0x0  }
0x14a: {  	s8 =	rddreg [dreg:$0xb];
	[sflag:s10] =	ssyncadd.s32 $0xFFFFD800  }
0x14b: {  	[tilespmem:s18], [sflag:$0x3] =	stream.indirect.gather [hbm4b:s1+s12], $0x80, s8, s12, $0xb8;
	[tilespmem:$0x1D800] =	vst v63  }
0x14c: {  	_ =	swait.ge [sflag:s19], $0x2800  }
0x14d: {  	[sflag:s19] =	ssyncset.done $0x0  }
0x14e: {  	s9 =	rddreg [dreg:$0xc];
	[sflag:s19] =	ssyncadd.s32 $0xFFFFD800  }
0x14f: {  	[spmem:s3] =	stream.indirect.scatter.add.f32 [tilespmem:s13], [sflag:$0x4], $0x80, s9, s12, $0xb8;
	[tilespmem:$0x1D800] =	vst v63  }
0x150: {  	_ =	swait.ge [sflag:s10], $0x2800  }
0x151: {  	[sflag:s10] =	ssyncset.done $0x0  }
0x152: {  	s7 =	rddreg [dreg:$0xd];
	[sflag:s10] =	ssyncadd.s32 $0xFFFFD800  }
0x153: {  	[tilespmem:s13], [sflag:$0x1] =	stream.indirect.gather [hbm4b:s1+s12], $0x80, s7, s12, $0xb8;
	[tilespmem:$0x1D800] =	vst v63  }
0x154: {  	_ =	swait.ge [sflag:s20], $0x2800  }
0x155: {  	[sflag:s20] =	ssyncset.done $0x0  }
0x156: {  	s8 =	rddreg [dreg:$0xe];
	[sflag:s20] =	ssyncadd.s32 $0xFFFFD800  }
0x157: {  	[spmem:s3] =	stream.indirect.scatter.add.f32 [tilespmem:s15], [sflag:$0x4], $0x80, s8, s12, $0xb8;
	[tilespmem:$0x1D800] =	vst v63  }
0x158: {  	_ =	swait.ge [sflag:s10], $0x2800  }
0x159: {  	[sflag:s10] =	ssyncset.done $0x0  }
0x15a: {  	s9 =	rddreg [dreg:$0xf];
	[sflag:s10] =	ssyncadd.s32 $0xFFFFD800  }
0x15b: {  	[tilespmem:s15], [sflag:$0x2] =	stream.indirect.gather [hbm4b:s1+s12], $0x80, s9, s12, $0xb8;
	[tilespmem:$0x1D800] =	vst v63  }
0x15c: {  	_ =	swait.ge [sflag:s21], $0x2800  }
0x15d: {  	[sflag:s21] =	ssyncset.done $0x0  }
0x15e: {  	s7 =	rddreg [dreg:$0x10];
	[sflag:s21] =	ssyncadd.s32 $0xFFFFD800  }
0x15f: {  	[spmem:s3] =	stream.indirect.scatter.add.f32 [tilespmem:s18], [sflag:$0x4], $0x80, s7, s12, $0xb8;
	[tilespmem:$0x1D800] =	vst v63  }
0x160: {  	_ =	swait.ge [sflag:s10], $0x2800  }
0x161: {  	[sflag:s10] =	ssyncset.done $0x0  }
0x162: {  	s8 =	rddreg [dreg:$0x11];
	[sflag:s10] =	ssyncadd.s32 $0xFFFFD800  }
0x163: {  	[tilespmem:s18], [sflag:$0x3] =	stream.indirect.gather [hbm4b:s1+s12], $0x80, s8, s12, $0xb8;
	[tilespmem:$0x1D800] =	vst v63  }
0x164: {  	_ =	swait.ge [sflag:s19], $0x2800  }
0x165: {  	[sflag:s19] =	ssyncset.done $0x0  }
0x166: {  	s9 =	rddreg [dreg:$0x12];
	[sflag:s19] =	ssyncadd.s32 $0xFFFFD800  }
0x167: {  	[spmem:s3] =	stream.indirect.scatter.add.f32 [tilespmem:s13], [sflag:$0x4], $0x80, s9, s12, $0xb8;
	[tilespmem:$0x1D800] =	vst v63  }
0x168: {  	_ =	swait.ge [sflag:s10], $0x2800  }
0x169: {  	[sflag:s10] =	ssyncset.done $0x0  }
0x16a: {  	s7 =	rddreg [dreg:$0x13];
	[sflag:s10] =	ssyncadd.s32 $0xFFFFD800  }
0x16b: {  	[tilespmem:s13], [sflag:$0x1] =	stream.indirect.gather [hbm4b:s1+s12], $0x80, s7, s12, $0xb8;
	[tilespmem:$0x1D800] =	vst v63  }
0x16c: {  	_ =	swait.ge [sflag:s20], $0x2800  }
0x16d: {  	[sflag:s20] =	ssyncset.done $0x0  }
0x16e: {  	s8 =	rddreg [dreg:$0x14];
	[sflag:s20] =	ssyncadd.s32 $0xFFFFD800  }
0x16f: {  	[spmem:s3] =	stream.indirect.scatter.add.f32 [tilespmem:s15], [sflag:$0x4], $0x80, s8, s12, $0xb8;
	[tilespmem:$0x1D800] =	vst v63  }
0x170: {  	_ =	swait.ge [sflag:s10], $0x2800  }
0x171: {  	[sflag:s10] =	ssyncset.done $0x0  }
0x172: {  	s9 =	rddreg [dreg:$0x15];
	[sflag:s10] =	ssyncadd.s32 $0xFFFFD800  }
0x173: {  	[tilespmem:s15], [sflag:$0x2] =	stream.indirect.gather [hbm4b:s1+s12], $0x80, s9, s12, $0xb8;
	[tilespmem:$0x1D800] =	vst v63  }
0x174: {  	_ =	swait.ge [sflag:s21], $0x2800  }
0x175: {  	[sflag:s21] =	ssyncset.done $0x0  }
0x176: {  	s7 =	rddreg [dreg:$0x16];
	[sflag:s21] =	ssyncadd.s32 $0xFFFFD800  }
0x177: {  	[spmem:s3] =	stream.indirect.scatter.add.f32 [tilespmem:s18], [sflag:$0x4], $0x80, s7, s12, $0xb8;
	[tilespmem:$0x1D800] =	vst v63  }
0x178: {  	_ =	swait.ge [sflag:s10], $0x2800  }
0x179: {  	[sflag:s10] =	ssyncset.done $0x0  }
0x17a: {  	s8 =	rddreg [dreg:$0x17];
	[sflag:s10] =	ssyncadd.s32 $0xFFFFD800  }
0x17b: {  	[tilespmem:s18], [sflag:$0x3] =	stream.indirect.gather [hbm4b:s1+s12], $0x80, s8, s12, $0xb8;
	[tilespmem:$0x1D800] =	vst v63  }
0x17c: {  	_ =	swait.ge [sflag:s19], $0x2800  }
0x17d: {  	[sflag:s19] =	ssyncset.done $0x0  }
0x17e: {  	s9 =	rddreg [dreg:$0x18];
	[sflag:s19] =	ssyncadd.s32 $0xFFFFD800  }
0x17f: {  	[spmem:s3] =	stream.indirect.scatter.add.f32 [tilespmem:s13], [sflag:$0x4], $0x80, s9, s12, $0xb8;
	[tilespmem:$0x1D800] =	vst v63  }
0x180: {  	_ =	swait.ge [sflag:s10], $0x2800  }
0x181: {  	[sflag:s10] =	ssyncset.done $0x0  }
0x182: {  	s7 =	rddreg [dreg:$0x19];
	[sflag:s10] =	ssyncadd.s32 $0xFFFFD800  }
0x183: {  	[tilespmem:s13], [sflag:$0x1] =	stream.indirect.gather [hbm4b:s1+s12], $0x80, s7, s12, $0xb8;
	[tilespmem:$0x1D800] =	vst v63  }
0x184: {  	_ =	swait.ge [sflag:s20], $0x2800  }
0x185: {  	[sflag:s20] =	ssyncset.done $0x0  }
0x186: {  	s8 =	rddreg [dreg:$0x1a];
	[sflag:s20] =	ssyncadd.s32 $0xFFFFD800  }
0x187: {  	[spmem:s3] =	stream.indirect.scatter.add.f32 [tilespmem:s15], [sflag:$0x4], $0x80, s8, s12, $0xb8;
	[tilespmem:$0x1D800] =	vst v63  }
0x188: {  	_ =	swait.ge [sflag:s10], $0x2800  }
0x189: {  	[sflag:s10] =	ssyncset.done $0x0  }
0x18a: {  	s9 =	rddreg [dreg:$0x1b];
	[sflag:s10] =	ssyncadd.s32 $0xFFFFD800  }
0x18b: {  	[tilespmem:s15], [sflag:$0x2] =	stream.indirect.gather [hbm4b:s1+s12], $0x80, s9, s12, $0xb8;
	[tilespmem:$0x1D800] =	vst v63  }
0x18c: {  	_ =	swait.ge [sflag:s21], $0x2800  }
0x18d: {  	[sflag:s21] =	ssyncset.done $0x0  }
0x18e: {  	s7 =	rddreg [dreg:$0x1c];
	[sflag:s21] =	ssyncadd.s32 $0xFFFFD800  }
0x18f: {  	[spmem:s3] =	stream.indirect.scatter.add.f32 [tilespmem:s18], [sflag:$0x4], $0x80, s7, s12, $0xb8;
	[tilespmem:$0x1D800] =	vst v63  }
0x190: {  	_ =	swait.ge [sflag:s10], $0x2800  }
0x191: {  	[sflag:s10] =	ssyncset.done $0x0  }
0x192: {  	s8 =	rddreg [dreg:$0x1d];
	[sflag:s10] =	ssyncadd.s32 $0xFFFFD800  }
0x193: {  	[tilespmem:s18], [sflag:$0x3] =	stream.indirect.gather [hbm4b:s1+s12], $0x80, s8, s12, $0xb8;
	[tilespmem:$0x1D800] =	vst v63  }
0x194: {  	_ =	swait.ge [sflag:s19], $0x2800  }
0x195: {  	[sflag:s19] =	ssyncset.done $0x0  }
0x196: {  	s9 =	rddreg [dreg:$0x1e];
	[sflag:s19] =	ssyncadd.s32 $0xFFFFD800  }
0x197: {  	[spmem:s3] =	stream.indirect.scatter.add.f32 [tilespmem:s13], [sflag:$0x4], $0x80, s9, s12, $0xb8;
	[tilespmem:$0x1D800] =	vst v63  }
0x198: {  	_ =	swait.ge [sflag:s10], $0x2800  }
0x199: {  	[sflag:s10] =	ssyncset.done $0x0  }
0x19a: {  	s7 =	rddreg [dreg:$0x1f];
	[sflag:s10] =	ssyncadd.s32 $0xFFFFD800  }
0x19b: {  	[tilespmem:s13], [sflag:$0x1] =	stream.indirect.gather [hbm4b:s1+s12], $0x80, s7, s12, $0xb8;
	[tilespmem:$0x1D800] =	vst v63  }
0x19c: {  	_ =	swait.ge [sflag:s20], $0x2800  }
0x19d: {  	s8 =	sld [smem:$0x7F3]  }
0x19e: {  	[sflag:s20] =	ssyncset.done $0x0  }
0x19f: {  	[sflag:s20] =	ssyncadd.s32 $0xFFFFD800  }
0x1a0: {  	[spmem:s3] =	stream.indirect.scatter.add.f32 [tilespmem:s15], [sflag:$0x4], $0x80, s8, s12, $0xb8;
	[tilespmem:$0x1D800] =	vst v63  }
0x1a1: {  	_ =	swait.ge [sflag:s10], $0x2800  }
0x1a2: {  	s9 =	sld [smem:$0x7F4]  }
0x1a3: {  	[sflag:s10] =	ssyncset.done $0x0  }
0x1a4: {  	[sflag:s10] =	ssyncadd.s32 $0xFFFFD800  }
0x1a5: {  	[tilespmem:s15], [sflag:$0x2] =	stream.indirect.gather [hbm4b:s1+s12], $0x80, s9, s12, $0xb8;
	[tilespmem:$0x1D800] =	vst v63  }
0x1a6: {  	_ =	swait.ge [sflag:s21], $0x2800  }
0x1a7: {  	s7 =	sld [smem:$0x7F5]  }
0x1a8: {  	[sflag:s21] =	ssyncset.done $0x0  }
0x1a9: {  	[sflag:s21] =	ssyncadd.s32 $0xFFFFD800  }
0x1aa: {  	[spmem:s3] =	stream.indirect.scatter.add.f32 [tilespmem:s18], [sflag:$0x4], $0x80, s7, s12, $0xb8;
	[tilespmem:$0x1D800] =	vst v63  }
0x1ab: {  	_ =	swait.ge [sflag:s10], $0x2800  }
0x1ac: {  	s8 =	sld [smem:$0x7F6]  }
0x1ad: {  	[sflag:s10] =	ssyncset.done $0x0  }
0x1ae: {  	[sflag:s10] =	ssyncadd.s32 $0xFFFFD800  }
0x1af: {  	[tilespmem:s18], [sflag:$0x3] =	stream.indirect.gather [hbm4b:s1+s12], $0x80, s8, s12, $0xb8;
	[tilespmem:$0x1D800] =	vst v63  }
0x1b0: {  	_ =	swait.ge [sflag:s19], $0x2800  }
0x1b1: {  	s9 =	sld [smem:$0x7F7]  }
0x1b2: {  	[sflag:s19] =	ssyncset.done $0x0  }
0x1b3: {  	[sflag:s19] =	ssyncadd.s32 $0xFFFFD800  }
0x1b4: {  	[spmem:s3] =	stream.indirect.scatter.add.f32 [tilespmem:s13], [sflag:$0x4], $0x80, s9, s12, $0xb8;
	[tilespmem:$0x1D800] =	vst v63  }
0x1b5: {  	_ =	swait.ge [sflag:s10], $0x2800  }
0x1b6: {  	s7 =	sld [smem:$0x7F8]  }
0x1b7: {  	[sflag:s10] =	ssyncset.done $0x0  }
0x1b8: {  	[sflag:s10] =	ssyncadd.s32 $0xFFFFD800  }
0x1b9: {  	[tilespmem:s13], [sflag:$0x1] =	stream.indirect.gather [hbm4b:s1+s12], $0x80, s7, s12, $0xb8;
	[tilespmem:$0x1D800] =	vst v63  }
0x1ba: {  	_ =	swait.ge [sflag:s20], $0x2800  }
0x1bb: {  	s8 =	sld [smem:$0x7F9]  }
0x1bc: {  	[sflag:s20] =	ssyncset.done $0x0  }
0x1bd: {  	[sflag:s20] =	ssyncadd.s32 $0xFFFFD800  }
0x1be: {  	[spmem:s3] =	stream.indirect.scatter.add.f32 [tilespmem:s15], [sflag:$0x4], $0x80, s8, s12, $0xb8;
	[tilespmem:$0x1D800] =	vst v63  }
0x1bf: {  	_ =	swait.ge [sflag:s10], $0x2800  }
0x1c0: {  	s9 =	sld [smem:$0x7FA]  }
0x1c1: {  	[sflag:s10] =	ssyncset.done $0x0  }
0x1c2: {  	[sflag:s10] =	ssyncadd.s32 $0xFFFFD800  }
0x1c3: {  	[tilespmem:s15], [sflag:$0x2] =	stream.indirect.gather [hbm4b:s1+s12], $0x80, s9, s12, $0xb8;
	[tilespmem:$0x1D800] =	vst v63  }
0x1c4: {  	_ =	swait.ge [sflag:s21], $0x2800  }
0x1c5: {  	s7 =	sld [smem:$0x7FB]  }
0x1c6: {  	[sflag:s21] =	ssyncset.done $0x0  }
0x1c7: {  	[sflag:s21] =	ssyncadd.s32 $0xFFFFD800  }
0x1c8: {  	[spmem:s3] =	stream.indirect.scatter.add.f32 [tilespmem:s18], [sflag:$0x4], $0x80, s7, s12, $0xb8;
	[tilespmem:$0x1D800] =	vst v63  }
0x1c9: {  	_ =	swait.ge [sflag:s10], $0x2800  }
0x1ca: {  	s8 =	sld [smem:$0x7FC]  }
0x1cb: {  	[sflag:s10] =	ssyncset.done $0x0  }
0x1cc: {  	[sflag:s10] =	ssyncadd.s32 $0xFFFFD800  }
0x1cd: {  	[tilespmem:s18], [sflag:$0x3] =	stream.indirect.gather [hbm4b:s1+s12], $0x80, s8, s12, $0xb8;
	[tilespmem:$0x1D800] =	vst v63  }
0x1ce: {  	_ =	swait.ge [sflag:s19], $0x2800  }
0x1cf: {  	s9 =	sld [smem:$0x7FD]  }
0x1d0: {  	[sflag:s19] =	ssyncset.done $0x0  }
0x1d1: {  	[sflag:s19] =	ssyncadd.s32 $0xFFFFD800  }
0x1d2: {  	[spmem:s3] =	stream.indirect.scatter.add.f32 [tilespmem:s13], [sflag:$0x4], $0x80, s9, s12, $0xb8;
	[tilespmem:$0x1D800] =	vst v63  }
0x1d3: {  	_ =	swait.ge [sflag:s10], $0x2800  }
0x1d4: {  	[sflag:s10] =	ssyncset.done $0x0  }
0x1d5: {  	[sflag:s10] =	ssyncadd.s32 $0xFFFFD800  }
0x1d6: {  	[tilespmem:s13], [sflag:$0x1] =	stream.indirect.gather [hbm4b:s1+s12], $0x80, s22, s12, $0xb8;
	[tilespmem:$0x1D800] =	vst v63  }
0x1d7: {  	_ =	swait.ge [sflag:s20], $0x2800  }
0x1d8: {  	[sflag:s20] =	ssyncset.done $0x0  }
0x1d9: {  	[sflag:s20] =	ssyncadd.s32 $0xFFFFD800  }
0x1da: {  	[spmem:s3] =	stream.indirect.scatter.add.f32 [tilespmem:s15], [sflag:$0x4], $0x80, s23, s12, $0xb8;
	[tilespmem:$0x1D800] =	vst v63  }
0x1db: {  	_ =	swait.ge [sflag:s10], $0x2800  }
0x1dc: {  	[sflag:s10] =	ssyncset.done $0x0  }
0x1dd: {  	[sflag:s10] =	ssyncadd.s32 $0xFFFFD800  }
0x1de: {  	[tilespmem:s15], [sflag:$0x2] =	stream.indirect.gather [hbm4b:s1+s12], $0x80, s24, s12, $0xb8;
	[tilespmem:$0x1D800] =	vst v63  }
0x1df: {  	_ =	swait.ge [sflag:s21], $0x2800  }
0x1e0: {  	[sflag:s21] =	ssyncset.done $0x0  }
0x1e1: {  	[sflag:s21] =	ssyncadd.s32 $0xFFFFD800  }
0x1e2: {  	[spmem:s3] =	stream.indirect.scatter.add.f32 [tilespmem:s18], [sflag:$0x4], $0x80, s25, s12, $0xb8;
	[tilespmem:$0x1D800] =	vst v63  }
0x1e3: {  	_ =	swait.ge [sflag:s10], $0x2800  }
0x1e4: {  	[sflag:s10] =	ssyncset.done $0x0  }
0x1e5: {  	[sflag:s10] =	ssyncadd.s32 $0xFFFFD800  }
0x1e6: {  	[tilespmem:s18], [sflag:$0x3] =	stream.indirect.gather [hbm4b:s1+s12], $0x80, s26, s12, $0xb8;
	[tilespmem:$0x1D800] =	vst v63  }
0x1e7: {  	_ =	swait.ge [sflag:s19], $0x2800  }
0x1e8: {  	[sflag:s19] =	ssyncset.done $0x0  }
0x1e9: {  	[sflag:s19] =	ssyncadd.s32 $0xFFFFD800  }
0x1ea: {  	[spmem:s3] =	stream.indirect.scatter.add.f32 [tilespmem:s13], [sflag:$0x4], $0x80, s28, s12, $0xb8;
	[tilespmem:$0x1D800] =	vst v63  }
0x1eb: {  	_ =	swait.ge [sflag:s10], $0x2800  }
0x1ec: {  	[sflag:s10] =	ssyncset.done $0x0  }
0x1ed: {  	[sflag:s10] =	ssyncadd.s32 $0xFFFFD800  }
0x1ee: {  	[tilespmem:s13], [sflag:$0x1] =	stream.indirect.gather [hbm4b:s1+s12], $0x80, s29, s12, $0xb8;
	[tilespmem:$0x1D800] =	vst v63  }
0x1ef: {  	_ =	swait.ge [sflag:s20], $0x2800  }
0x1f0: {  	[sflag:s20] =	ssyncset.done $0x0  }
0x1f1: {  	[sflag:s20] =	ssyncadd.s32 $0xFFFFD800  }
0x1f2: {  	[spmem:s3] =	stream.indirect.scatter.add.f32 [tilespmem:s15], [sflag:$0x4], $0x80, s30, s12, $0xb8;
	[tilespmem:$0x1D800] =	vst v63  }
0x1f3: {  	_ =	swait.ge [sflag:s10], $0x2800  }
0x1f4: {  	[sflag:s10] =	ssyncset.done $0x0  }
0x1f5: {  	[sflag:s10] =	ssyncadd.s32 $0xFFFFD800  }
0x1f6: {  	_ =	swait.ge [sflag:s21], $0x2800  }
0x1f7: {  	[sflag:s21] =	ssyncset.done $0x0  }
0x1f8: {  	[sflag:s21] =	ssyncadd.s32 $0xFFFFD800  }
0x1f9: {  	[spmem:s3] =	stream.indirect.scatter.add.f32 [tilespmem:s18], [sflag:$0x4], $0x80, s31, s12, $0xb8;
	[tilespmem:$0x1D800] =	vst v63  }
0x1fa: {  	_ =	swait.ge [sflag:s10], $0x2800  }
0x1fb: {  	[sflag:s10] =	ssyncset.done $0x0  }
0x1fc: {  	s5 =	sadd.s32 $0x200, s5;
	[sflag:s10] =	ssyncadd.s32 $0xFFFFD800  }
0x1fd: {  	p0 =	sne.s32 s5, $0xA00;
	_ =	swait.ge [sflag:s19], $0x2800  }
.Ltmp0:
0x1fe: {  	[sflag:s19] =	ssyncset.done $0x0;
	(pc) =	sbr.rel @p0 .LBB2_2-.Ltmp0, $4  }
0x1ff: {  	[sflag:s19] =	ssyncadd.s32 $0xFFFFD800  }
0x200: {  	[spmem:s3] =	stream.indirect.scatter.add.f32 [tilespmem:s13], [sflag:$0x4], $0x80, s2, s12, $0xb8;
	[tilespmem:$0x1D800] =	vst v63  }
0x201: {  	_ =	swait.ge [sflag:s10], $0x2800  }
0x202: {  	s6 =	rddreg [dreg:$0x5];
	[sflag:s10] =	ssyncset.done $0x0  }
0x203: {  	[sflag:s10] =	ssyncadd.s32 $0xFFFFD800;
	p0 =	seq.s32 s14, $0x0  }
0x204: {  	s5 =	sadd.s32 @!p0 s14, s6;
	s6 =	simm.s32 @!p0 $0x0;
	s7 =	simm.s32 @!p0 $0x4  }
0x205: {  	[tilespmem:s6], [sflag:$0x4] =	stream.linear.gather @!p0 [hbm4b:s5+s6], $0xC80, $0x38;
	[tilespmem:$0x1D800] =	vst v63  }
0x206: {  	_ =	swait.ge @!p0 [sflag:s7], $0xC80  }
0x207: {  	s5 =	rddreg [dreg:$0x4];
	[sflag:s7] =	ssyncset.done @!p0 $0x0  }
0x208: {  	s8 =	simm.s32 @!p0 $0x1000;
	[sflag:s7] =	ssyncadd.s32 @!p0 $0xFFFFF380;
	s5 =	sadd.s32 @!p0 s14, s5  }
0x209: {  	[tilespmem:s8], [sflag:$0x4] =	stream.linear.gather @!p0 [hbm4b:s5+s6], $0xC80, $0x38;
	[tilespmem:$0x1D800] =	vst v63  }
0x20a: {  	_ =	swait.ge @!p0 [sflag:s7], $0xC80  }
0x20b: {  	[sflag:s7] =	ssyncset.done @!p0 $0x0  }
0x20c: {  	s5 =	simm.s32 @!p0 $0x50;
	[sflag:s7] =	ssyncadd.s32 @!p0 $0xFFFFF380;
	s7 =	simm.s32 @!p0 $0x2000  }
0x20d: {  	[tilespmem:s7], [sflag:$0x1] =	stream.indirect.gather @!p0 [hbm4b:s1+s5], $0x80, s6, s5, $0xb8;
	[tilespmem:$0x1D800] =	vst v63  }
0x20e: {  	s6 =	simm.s32 @!p0 $0x80;
	s7 =	simm.s32 @!p0 $0x4800  }
0x20f: {  	[tilespmem:s7], [sflag:$0x2] =	stream.indirect.gather @!p0 [hbm4b:s1+s5], $0x80, s6, s5, $0xb8;
	[tilespmem:$0x1D800] =	vst v63  }
0x210: {  	s14 =	rddreg [dreg:$0x6]  }
0x211: {  	[tilespmem:s18], [sflag:$0x3] =	stream.indirect.gather [hbm4b:s1+s12], $0x80, s14, s12, $0xb8;
	[tilespmem:$0x1D800] =	vst v63  }
0x212: {  	_ =	swait.ge [sflag:s19], $0x2800  }
0x213: {  	[sflag:s19] =	ssyncset.done $0x0  }
0x214: {  	[sflag:s19] =	ssyncadd.s32 $0xFFFFD800  }
0x215: {  	[spmem:s3] =	stream.indirect.scatter.add.f32 [tilespmem:s13], [sflag:$0x4], $0x80, s11, s12, $0xb8;
	[tilespmem:$0x1D800] =	vst v63  }
0x216: {  	_ =	swait.ge [sflag:s10], $0x2800  }
0x217: {  	[sflag:s10] =	ssyncset.done $0x0  }
0x218: {  	s8 =	rddreg [dreg:$0x7];
	[sflag:s10] =	ssyncadd.s32 $0xFFFFD800  }
0x219: {  	[tilespmem:s13], [sflag:$0x1] =	stream.indirect.gather [hbm4b:s1+s12], $0x80, s8, s12, $0xb8;
	[tilespmem:$0x1D800] =	vst v63  }
0x21a: {  	_ =	swait.ge [sflag:s20], $0x2800  }
0x21b: {  	[sflag:s20] =	ssyncset.done $0x0  }
0x21c: {  	s9 =	rddreg [dreg:$0x8];
	[sflag:s20] =	ssyncadd.s32 $0xFFFFD800  }
0x21d: {  	[spmem:s3] =	stream.indirect.scatter.add.f32 [tilespmem:s15], [sflag:$0x4], $0x80, s9, s12, $0xb8;
	[tilespmem:$0x1D800] =	vst v63  }
0x21e: {  	_ =	swait.ge [sflag:s10], $0x2800  }
0x21f: {  	[sflag:s10] =	ssyncset.done $0x0  }
0x220: {  	s14 =	rddreg [dreg:$0x9];
	[sflag:s10] =	ssyncadd.s32 $0xFFFFD800  }
0x221: {  	[tilespmem:s15], [sflag:$0x2] =	stream.indirect.gather [hbm4b:s1+s12], $0x80, s14, s12, $0xb8;
	[tilespmem:$0x1D800] =	vst v63  }
0x222: {  	_ =	swait.ge [sflag:s21], $0x2800  }
0x223: {  	[sflag:s21] =	ssyncset.done $0x0  }
0x224: {  	s6 =	rddreg [dreg:$0xa];
	[sflag:s21] =	ssyncadd.s32 $0xFFFFD800  }
0x225: {  	[spmem:s3] =	stream.indirect.scatter.add.f32 [tilespmem:s18], [sflag:$0x4], $0x80, s6, s12, $0xb8;
	[tilespmem:$0x1D800] =	vst v63  }
0x226: {  	_ =	swait.ge [sflag:s10], $0x2800  }
0x227: {  	[sflag:s10] =	ssyncset.done $0x0  }
0x228: {  	s7 =	rddreg [dreg:$0xb];
	[sflag:s10] =	ssyncadd.s32 $0xFFFFD800  }
0x229: {  	[tilespmem:s18], [sflag:$0x3] =	stream.indirect.gather [hbm4b:s1+s12], $0x80, s7, s12, $0xb8;
	[tilespmem:$0x1D800] =	vst v63  }
0x22a: {  	_ =	swait.ge [sflag:s19], $0x2800  }
0x22b: {  	[sflag:s19] =	ssyncset.done $0x0  }
0x22c: {  	s8 =	rddreg [dreg:$0xc];
	[sflag:s19] =	ssyncadd.s32 $0xFFFFD800  }
0x22d: {  	[spmem:s3] =	stream.indirect.scatter.add.f32 [tilespmem:s13], [sflag:$0x4], $0x80, s8, s12, $0xb8;
	[tilespmem:$0x1D800] =	vst v63  }
0x22e: {  	_ =	swait.ge [sflag:s10], $0x2800  }
0x22f: {  	[sflag:s10] =	ssyncset.done $0x0  }
0x230: {  	s9 =	rddreg [dreg:$0xd];
	[sflag:s10] =	ssyncadd.s32 $0xFFFFD800  }
0x231: {  	[tilespmem:s13], [sflag:$0x1] =	stream.indirect.gather [hbm4b:s1+s12], $0x80, s9, s12, $0xb8;
	[tilespmem:$0x1D800] =	vst v63  }
0x232: {  	_ =	swait.ge [sflag:s20], $0x2800  }
0x233: {  	[sflag:s20] =	ssyncset.done $0x0  }
0x234: {  	s14 =	rddreg [dreg:$0xe];
	[sflag:s20] =	ssyncadd.s32 $0xFFFFD800  }
0x235: {  	[spmem:s3] =	stream.indirect.scatter.add.f32 [tilespmem:s15], [sflag:$0x4], $0x80, s14, s12, $0xb8;
	[tilespmem:$0x1D800] =	vst v63  }
0x236: {  	_ =	swait.ge [sflag:s10], $0x2800  }
0x237: {  	[sflag:s10] =	ssyncset.done $0x0  }
0x238: {  	s6 =	rddreg [dreg:$0xf];
	[sflag:s10] =	ssyncadd.s32 $0xFFFFD800  }
0x239: {  	[tilespmem:s15], [sflag:$0x2] =	stream.indirect.gather [hbm4b:s1+s12], $0x80, s6, s12, $0xb8;
	[tilespmem:$0x1D800] =	vst v63  }
0x23a: {  	_ =	swait.ge [sflag:s21], $0x2800  }
0x23b: {  	[sflag:s21] =	ssyncset.done $0x0  }
0x23c: {  	s7 =	rddreg [dreg:$0x10];
	[sflag:s21] =	ssyncadd.s32 $0xFFFFD800  }
0x23d: {  	[spmem:s3] =	stream.indirect.scatter.add.f32 [tilespmem:s18], [sflag:$0x4], $0x80, s7, s12, $0xb8;
	[tilespmem:$0x1D800] =	vst v63  }
0x23e: {  	_ =	swait.ge [sflag:s10], $0x2800  }
0x23f: {  	[sflag:s10] =	ssyncset.done $0x0  }
0x240: {  	s8 =	rddreg [dreg:$0x11];
	[sflag:s10] =	ssyncadd.s32 $0xFFFFD800  }
0x241: {  	[tilespmem:s18], [sflag:$0x3] =	stream.indirect.gather [hbm4b:s1+s12], $0x80, s8, s12, $0xb8;
	[tilespmem:$0x1D800] =	vst v63  }
0x242: {  	_ =	swait.ge [sflag:s19], $0x2800  }
0x243: {  	[sflag:s19] =	ssyncset.done $0x0  }
0x244: {  	s9 =	rddreg [dreg:$0x12];
	[sflag:s19] =	ssyncadd.s32 $0xFFFFD800  }
0x245: {  	[spmem:s3] =	stream.indirect.scatter.add.f32 [tilespmem:s13], [sflag:$0x4], $0x80, s9, s12, $0xb8;
	[tilespmem:$0x1D800] =	vst v63  }
0x246: {  	_ =	swait.ge [sflag:s10], $0x2800  }
0x247: {  	[sflag:s10] =	ssyncset.done $0x0  }
0x248: {  	s14 =	rddreg [dreg:$0x13];
	[sflag:s10] =	ssyncadd.s32 $0xFFFFD800  }
0x249: {  	[tilespmem:s13], [sflag:$0x1] =	stream.indirect.gather [hbm4b:s1+s12], $0x80, s14, s12, $0xb8;
	[tilespmem:$0x1D800] =	vst v63  }
0x24a: {  	_ =	swait.ge [sflag:s20], $0x2800  }
0x24b: {  	[sflag:s20] =	ssyncset.done $0x0  }
0x24c: {  	s6 =	rddreg [dreg:$0x14];
	[sflag:s20] =	ssyncadd.s32 $0xFFFFD800  }
0x24d: {  	[spmem:s3] =	stream.indirect.scatter.add.f32 [tilespmem:s15], [sflag:$0x4], $0x80, s6, s12, $0xb8;
	[tilespmem:$0x1D800] =	vst v63  }
0x24e: {  	_ =	swait.ge [sflag:s10], $0x2800  }
0x24f: {  	[sflag:s10] =	ssyncset.done $0x0  }
0x250: {  	s7 =	rddreg [dreg:$0x15];
	[sflag:s10] =	ssyncadd.s32 $0xFFFFD800  }
0x251: {  	[tilespmem:s15], [sflag:$0x2] =	stream.indirect.gather [hbm4b:s1+s12], $0x80, s7, s12, $0xb8;
	[tilespmem:$0x1D800] =	vst v63  }
0x252: {  	_ =	swait.ge [sflag:s21], $0x2800  }
0x253: {  	[sflag:s21] =	ssyncset.done $0x0  }
0x254: {  	s8 =	rddreg [dreg:$0x16];
	[sflag:s21] =	ssyncadd.s32 $0xFFFFD800  }
0x255: {  	[spmem:s3] =	stream.indirect.scatter.add.f32 [tilespmem:s18], [sflag:$0x4], $0x80, s8, s12, $0xb8;
	[tilespmem:$0x1D800] =	vst v63  }
0x256: {  	_ =	swait.ge [sflag:s10], $0x2800  }
0x257: {  	[sflag:s10] =	ssyncset.done $0x0  }
0x258: {  	s9 =	rddreg [dreg:$0x17];
	[sflag:s10] =	ssyncadd.s32 $0xFFFFD800  }
0x259: {  	[tilespmem:s18], [sflag:$0x3] =	stream.indirect.gather [hbm4b:s1+s12], $0x80, s9, s12, $0xb8;
	[tilespmem:$0x1D800] =	vst v63  }
0x25a: {  	_ =	swait.ge [sflag:s19], $0x2800  }
0x25b: {  	[sflag:s19] =	ssyncset.done $0x0  }
0x25c: {  	s14 =	rddreg [dreg:$0x18];
	[sflag:s19] =	ssyncadd.s32 $0xFFFFD800  }
0x25d: {  	[spmem:s3] =	stream.indirect.scatter.add.f32 [tilespmem:s13], [sflag:$0x4], $0x80, s14, s12, $0xb8;
	[tilespmem:$0x1D800] =	vst v63  }
0x25e: {  	_ =	swait.ge [sflag:s10], $0x2800  }
0x25f: {  	[sflag:s10] =	ssyncset.done $0x0  }
0x260: {  	s6 =	rddreg [dreg:$0x19];
	[sflag:s10] =	ssyncadd.s32 $0xFFFFD800  }
0x261: {  	[tilespmem:s13], [sflag:$0x1] =	stream.indirect.gather [hbm4b:s1+s12], $0x80, s6, s12, $0xb8;
	[tilespmem:$0x1D800] =	vst v63  }
0x262: {  	_ =	swait.ge [sflag:s20], $0x2800  }
0x263: {  	[sflag:s20] =	ssyncset.done $0x0  }
0x264: {  	s7 =	rddreg [dreg:$0x1a];
	[sflag:s20] =	ssyncadd.s32 $0xFFFFD800  }
0x265: {  	[spmem:s3] =	stream.indirect.scatter.add.f32 [tilespmem:s15], [sflag:$0x4], $0x80, s7, s12, $0xb8;
	[tilespmem:$0x1D800] =	vst v63  }
0x266: {  	_ =	swait.ge [sflag:s10], $0x2800  }
0x267: {  	[sflag:s10] =	ssyncset.done $0x0  }
0x268: {  	s8 =	rddreg [dreg:$0x1b];
	[sflag:s10] =	ssyncadd.s32 $0xFFFFD800  }
0x269: {  	[tilespmem:s15], [sflag:$0x2] =	stream.indirect.gather [hbm4b:s1+s12], $0x80, s8, s12, $0xb8;
	[tilespmem:$0x1D800] =	vst v63  }
0x26a: {  	_ =	swait.ge [sflag:s21], $0x2800  }
0x26b: {  	[sflag:s21] =	ssyncset.done $0x0  }
0x26c: {  	s9 =	rddreg [dreg:$0x1c];
	[sflag:s21] =	ssyncadd.s32 $0xFFFFD800  }
0x26d: {  	[spmem:s3] =	stream.indirect.scatter.add.f32 [tilespmem:s18], [sflag:$0x4], $0x80, s9, s12, $0xb8;
	[tilespmem:$0x1D800] =	vst v63  }
0x26e: {  	_ =	swait.ge [sflag:s10], $0x2800  }
0x26f: {  	[sflag:s10] =	ssyncset.done $0x0  }
0x270: {  	s14 =	rddreg [dreg:$0x1d];
	[sflag:s10] =	ssyncadd.s32 $0xFFFFD800  }
0x271: {  	[tilespmem:s18], [sflag:$0x3] =	stream.indirect.gather [hbm4b:s1+s12], $0x80, s14, s12, $0xb8;
	[tilespmem:$0x1D800] =	vst v63  }
0x272: {  	_ =	swait.ge [sflag:s19], $0x2800  }
0x273: {  	[sflag:s19] =	ssyncset.done $0x0  }
0x274: {  	s6 =	rddreg [dreg:$0x1e];
	[sflag:s19] =	ssyncadd.s32 $0xFFFFD800  }
0x275: {  	[spmem:s3] =	stream.indirect.scatter.add.f32 [tilespmem:s13], [sflag:$0x4], $0x80, s6, s12, $0xb8;
	[tilespmem:$0x1D800] =	vst v63  }
0x276: {  	_ =	swait.ge [sflag:s10], $0x2800  }
0x277: {  	[sflag:s10] =	ssyncset.done $0x0  }
0x278: {  	s7 =	rddreg [dreg:$0x1f];
	[sflag:s10] =	ssyncadd.s32 $0xFFFFD800  }
0x279: {  	[tilespmem:s13], [sflag:$0x1] =	stream.indirect.gather [hbm4b:s1+s12], $0x80, s7, s12, $0xb8;
	[tilespmem:$0x1D800] =	vst v63  }
0x27a: {  	_ =	swait.ge [sflag:s20], $0x2800  }
0x27b: {  	s8 =	sld [smem:$0x7F3]  }
0x27c: {  	[sflag:s20] =	ssyncset.done $0x0  }
0x27d: {  	[sflag:s20] =	ssyncadd.s32 $0xFFFFD800  }
0x27e: {  	[spmem:s3] =	stream.indirect.scatter.add.f32 [tilespmem:s15], [sflag:$0x4], $0x80, s8, s12, $0xb8;
	[tilespmem:$0x1D800] =	vst v63  }
0x27f: {  	_ =	swait.ge [sflag:s10], $0x2800  }
0x280: {  	s9 =	sld [smem:$0x7F4]  }
0x281: {  	[sflag:s10] =	ssyncset.done $0x0  }
0x282: {  	[sflag:s10] =	ssyncadd.s32 $0xFFFFD800  }
0x283: {  	[tilespmem:s15], [sflag:$0x2] =	stream.indirect.gather [hbm4b:s1+s12], $0x80, s9, s12, $0xb8;
	[tilespmem:$0x1D800] =	vst v63  }
0x284: {  	_ =	swait.ge [sflag:s21], $0x2800  }
0x285: {  	s14 =	sld [smem:$0x7F5]  }
0x286: {  	[sflag:s21] =	ssyncset.done $0x0  }
0x287: {  	[sflag:s21] =	ssyncadd.s32 $0xFFFFD800  }
0x288: {  	[spmem:s3] =	stream.indirect.scatter.add.f32 [tilespmem:s18], [sflag:$0x4], $0x80, s14, s12, $0xb8;
	[tilespmem:$0x1D800] =	vst v63  }
0x289: {  	_ =	swait.ge [sflag:s10], $0x2800  }
0x28a: {  	s6 =	sld [smem:$0x7F6]  }
0x28b: {  	[sflag:s10] =	ssyncset.done $0x0  }
0x28c: {  	[sflag:s10] =	ssyncadd.s32 $0xFFFFD800  }
0x28d: {  	[tilespmem:s18], [sflag:$0x3] =	stream.indirect.gather [hbm4b:s1+s12], $0x80, s6, s12, $0xb8;
	[tilespmem:$0x1D800] =	vst v63  }
0x28e: {  	_ =	swait.ge [sflag:s19], $0x2800  }
0x28f: {  	s7 =	sld [smem:$0x7F7]  }
0x290: {  	[sflag:s19] =	ssyncset.done $0x0  }
0x291: {  	[sflag:s19] =	ssyncadd.s32 $0xFFFFD800  }
0x292: {  	[spmem:s3] =	stream.indirect.scatter.add.f32 [tilespmem:s13], [sflag:$0x4], $0x80, s7, s12, $0xb8;
	[tilespmem:$0x1D800] =	vst v63  }
0x293: {  	_ =	swait.ge [sflag:s10], $0x2800  }
0x294: {  	s8 =	sld [smem:$0x7F8]  }
0x295: {  	[sflag:s10] =	ssyncset.done $0x0  }
0x296: {  	[sflag:s10] =	ssyncadd.s32 $0xFFFFD800  }
0x297: {  	[tilespmem:s13], [sflag:$0x1] =	stream.indirect.gather [hbm4b:s1+s12], $0x80, s8, s12, $0xb8;
	[tilespmem:$0x1D800] =	vst v63  }
0x298: {  	_ =	swait.ge [sflag:s20], $0x2800  }
0x299: {  	s9 =	sld [smem:$0x7F9]  }
0x29a: {  	[sflag:s20] =	ssyncset.done $0x0  }
0x29b: {  	[sflag:s20] =	ssyncadd.s32 $0xFFFFD800  }
0x29c: {  	[spmem:s3] =	stream.indirect.scatter.add.f32 [tilespmem:s15], [sflag:$0x4], $0x80, s9, s12, $0xb8;
	[tilespmem:$0x1D800] =	vst v63  }
0x29d: {  	_ =	swait.ge [sflag:s10], $0x2800  }
0x29e: {  	s14 =	sld [smem:$0x7FA]  }
0x29f: {  	[sflag:s10] =	ssyncset.done $0x0  }
0x2a0: {  	[sflag:s10] =	ssyncadd.s32 $0xFFFFD800  }
0x2a1: {  	[tilespmem:s15], [sflag:$0x2] =	stream.indirect.gather [hbm4b:s1+s12], $0x80, s14, s12, $0xb8;
	[tilespmem:$0x1D800] =	vst v63  }
0x2a2: {  	_ =	swait.ge [sflag:s21], $0x2800  }
0x2a3: {  	s6 =	sld [smem:$0x7FB]  }
0x2a4: {  	[sflag:s21] =	ssyncset.done $0x0  }
0x2a5: {  	[sflag:s21] =	ssyncadd.s32 $0xFFFFD800  }
0x2a6: {  	[spmem:s3] =	stream.indirect.scatter.add.f32 [tilespmem:s18], [sflag:$0x4], $0x80, s6, s12, $0xb8;
	[tilespmem:$0x1D800] =	vst v63  }
0x2a7: {  	_ =	swait.ge [sflag:s10], $0x2800  }
0x2a8: {  	s7 =	sld [smem:$0x7FC]  }
0x2a9: {  	[sflag:s10] =	ssyncset.done $0x0  }
0x2aa: {  	[sflag:s10] =	ssyncadd.s32 $0xFFFFD800  }
0x2ab: {  	[tilespmem:s18], [sflag:$0x3] =	stream.indirect.gather [hbm4b:s1+s12], $0x80, s7, s12, $0xb8;
	[tilespmem:$0x1D800] =	vst v63  }
0x2ac: {  	_ =	swait.ge [sflag:s19], $0x2800  }
0x2ad: {  	s8 =	sld [smem:$0x7FD]  }
0x2ae: {  	[sflag:s19] =	ssyncset.done $0x0  }
0x2af: {  	[sflag:s19] =	ssyncadd.s32 $0xFFFFD800  }
0x2b0: {  	[spmem:s3] =	stream.indirect.scatter.add.f32 [tilespmem:s13], [sflag:$0x4], $0x80, s8, s12, $0xb8;
	[tilespmem:$0x1D800] =	vst v63  }
0x2b1: {  	_ =	swait.ge [sflag:s10], $0x2800  }
0x2b2: {  	[sflag:s10] =	ssyncset.done $0x0  }
0x2b3: {  	[sflag:s10] =	ssyncadd.s32 $0xFFFFD800  }
0x2b4: {  	[tilespmem:s13], [sflag:$0x1] =	stream.indirect.gather [hbm4b:s1+s12], $0x80, s22, s12, $0xb8;
	[tilespmem:$0x1D800] =	vst v63  }
0x2b5: {  	_ =	swait.ge [sflag:s20], $0x2800  }
0x2b6: {  	[sflag:s20] =	ssyncset.done $0x0  }
0x2b7: {  	[sflag:s20] =	ssyncadd.s32 $0xFFFFD800  }
0x2b8: {  	[spmem:s3] =	stream.indirect.scatter.add.f32 [tilespmem:s15], [sflag:$0x4], $0x80, s23, s12, $0xb8;
	[tilespmem:$0x1D800] =	vst v63  }
0x2b9: {  	_ =	swait.ge [sflag:s10], $0x2800  }
0x2ba: {  	[sflag:s10] =	ssyncset.done $0x0  }
0x2bb: {  	[sflag:s10] =	ssyncadd.s32 $0xFFFFD800  }
0x2bc: {  	[tilespmem:s15], [sflag:$0x2] =	stream.indirect.gather [hbm4b:s1+s12], $0x80, s24, s12, $0xb8;
	[tilespmem:$0x1D800] =	vst v63  }
0x2bd: {  	_ =	swait.ge [sflag:s21], $0x2800  }
0x2be: {  	[sflag:s21] =	ssyncset.done $0x0  }
0x2bf: {  	[sflag:s21] =	ssyncadd.s32 $0xFFFFD800  }
0x2c0: {  	[spmem:s3] =	stream.indirect.scatter.add.f32 [tilespmem:s18], [sflag:$0x4], $0x80, s25, s12, $0xb8;
	[tilespmem:$0x1D800] =	vst v63  }
0x2c1: {  	_ =	swait.ge [sflag:s10], $0x2800  }
0x2c2: {  	[sflag:s10] =	ssyncset.done $0x0  }
0x2c3: {  	[sflag:s10] =	ssyncadd.s32 $0xFFFFD800  }
0x2c4: {  	[tilespmem:s18], [sflag:$0x3] =	stream.indirect.gather [hbm4b:s1+s12], $0x80, s26, s12, $0xb8;
	[tilespmem:$0x1D800] =	vst v63  }
0x2c5: {  	_ =	swait.ge [sflag:s19], $0x2800  }
0x2c6: {  	[sflag:s19] =	ssyncset.done $0x0  }
0x2c7: {  	[sflag:s19] =	ssyncadd.s32 $0xFFFFD800  }
0x2c8: {  	[spmem:s3] =	stream.indirect.scatter.add.f32 [tilespmem:s13], [sflag:$0x4], $0x80, s28, s12, $0xb8;
	[tilespmem:$0x1D800] =	vst v63  }
0x2c9: {  	_ =	swait.ge [sflag:s10], $0x2800  }
0x2ca: {  	[sflag:s10] =	ssyncset.done $0x0  }
0x2cb: {  	[sflag:s10] =	ssyncadd.s32 $0xFFFFD800  }
0x2cc: {  	[tilespmem:s13], [sflag:$0x1] =	stream.indirect.gather [hbm4b:s1+s12], $0x80, s29, s12, $0xb8;
	[tilespmem:$0x1D800] =	vst v63  }
0x2cd: {  	_ =	swait.ge [sflag:s20], $0x2800  }
0x2ce: {  	[sflag:s20] =	ssyncset.done $0x0  }
0x2cf: {  	[sflag:s20] =	ssyncadd.s32 $0xFFFFD800  }
0x2d0: {  	[spmem:s3] =	stream.indirect.scatter.add.f32 [tilespmem:s15], [sflag:$0x4], $0x80, s30, s12, $0xb8;
	[tilespmem:$0x1D800] =	vst v63  }
0x2d1: {  	_ =	swait.ge [sflag:s10], $0x2800  }
0x2d2: {  	[sflag:s10] =	ssyncset.done $0x0  }
0x2d3: {  	[sflag:s10] =	ssyncadd.s32 $0xFFFFD800  }
0x2d4: {  	_ =	swait.ge [sflag:s21], $0x2800  }
0x2d5: {  	[sflag:s21] =	ssyncset.done $0x0  }
0x2d6: {  	[sflag:s21] =	ssyncadd.s32 $0xFFFFD800  }
0x2d7: {  	[spmem:s3] =	stream.indirect.scatter.add.f32 [tilespmem:s18], [sflag:$0x4], $0x80, s31, s12, $0xb8;
	[tilespmem:$0x1D800] =	vst v63  }
0x2d8: {  	_ =	swait.ge [sflag:s10], $0x2800  }
0x2d9: {  	[sflag:s10] =	ssyncset.done $0x0  }
0x2da: {  	[sflag:s10] =	ssyncadd.s32 $0xFFFFD800  }
0x2db: {  	_ =	swait.ge [sflag:s19], $0x2800  }
0x2dc: {  	[sflag:s19] =	ssyncset.done $0x0  }
0x2dd: {  	[sflag:s19] =	ssyncadd.s32 $0xFFFFD800  }
0x2de: {  	[spmem:s3] =	stream.indirect.scatter.add.f32 [tilespmem:s13], [sflag:$0x4], $0x80, s2, s12, $0xb8;
	[tilespmem:$0x1D800] =	vst v63  }
0x2df: {  	_ =	swait.ge [sflag:s10], $0x2800  }
0x2e0: {  	[sflag:s10] =	ssyncset.done $0x0  }
0x2e1: {  	[sflag:s10] =	ssyncadd.s32 $0xFFFFD800  }
0x2e2: {  	[bflag:$0x0] =	sbarrier.arrive $0xFFFF  }
0x2e3: {  	s9 =	sld [smem:$0x7F1];
	_ =	sdelay $0x2  }
0x2e4: {  	[hbm:s9], [sflag:s16] =	dma.local [spmem:s17], $0x2800  }
0x2e5: {  	_ =	swait.ge [sflag:s10], $0x2800  }
0x2e6: {  	s14 =	sld [smem:$0x7F2];
	_ =	sdelay $0x1  }
0x2e7: {  	s0 =	sadd.s32 $0x1, s0  }
0x2e8: {  	p0 =	sne.s32 s0, s14  }
.Ltmp1:
0x2e9: {  	_ = 	snop;
	(pc) =	sbr.rel @p0 .LBB2_1-.Ltmp1, $3  }
0x2ea: {  	_ =	sdelay $0x1  }
0x2eb: {  	[sflag:s10] =	ssyncset.done $0x0  }
0x2ec: {  	[sflag:s10] =	ssyncadd.s32 $0xFFFFD800  }
0x2ed: {  	_ =	sfence.sel $0x180000  }
0x2ee: {  	[bflag:$0x0] =	sbarrier.arrive $0xFFFF  }
0x2ef: {  	_ =	strace $0x90000047  }
0x2f0: {  	s0 =	stileid.u32;
	[bflag:$0x2] =	sbarrier.arrive $0xFFFF  }
0x2f1: {  	p0 =	sne.s32 s0, $0x0;
	s0 =	rddreg [dreg:$0x3]  }
0x2f2: {  	s0 =	sadd.s32 @!p0 $0x100000, s0  }
0x2f3: {  	[sflag:s0] =	ssyncadd.tile.s32 @!p0 $0x1;
	_ =	shalt  }
.Lfunc_end2:
_tile_overlayer_lowered:
.L_overlay_start_2:
0x2f4: {  	(tag) =	ssettag $0x2  }
0x2f5: {  	s0 =	rddreg [dreg:$0x0];
	s2 =	stileid.u32  }
0x2f6: {  	s1 =	rddreg [dreg:$0x1];
	p0 =	sne.s32 s2, $0x0  }
0x2f7: {  	s3 =	rddreg [dreg:$0x2];
	[bflag:$0x3] =	sbarrier.arrive $0xFFFF;
	s2 =	simm.s32 @!p0 $0x1C04  }
0x2f8: {  	[timem:s3], [sflag:s2] =	dma.local @!p0 [hbm:s0], s1  }
0x2f9: {  	s0 =	simm.s32 @!p0 $0x4  }
0x2fa: {  	_ =	swait.ge @!p0 [sflag:s0], s1  }
0x2fb: {  	s1 =	ssub.s32 @!p0 $0x0, s1;
	[sflag:s0] =	ssyncset.done @!p0 $0x0  }
0x2fc: {  	[sflag:s0] =	ssyncadd.s32 @!p0 s1  }
0x2fd: {  	[bflag:$0x3] =	sbarrier.arrive $0xFFFF  }
0x2fe: {  	_ =	shalt  }

// kernel: sc_agg.7.cloned.1.call-start
scs
__scs_entry_jumppad:
0x0: {  	(pc) =	sbr.rel $0x88, $3  }
0x1: {  	(tag) =	ssettag $0x0;
	lr =	simm.s32 $0x1  }
0x2: {  	[smem:$0x3F96] =	sst lr;
	_ =	strace $0xD0000000  }
0x3: {  	_ = 	snop  }
0x4: {  	_ = 	snop  }
0x5: {  	_ = 	snop  }
0x6: {  	_ = 	snop  }
0x7: {  	_ = 	snop  }
__scs_overlays_trampoline_lowered:
0x8: {  	[smem:$0x3FA5] =	sst s0  }
0x9: {  	[smem:$0x3FA6] =	sst s1  }
0xa: {  	[smem:$0x3FA7] =	sst s2  }
0xb: {  	[smem:$0x3FA8] =	sst s3  }
0xc: {  	[smem:$0x3FA9] =	sst s4  }
0xd: {  	[smem:$0x3FAA] =	sst s5  }
0xe: {  	[smem:$0x3FAB] =	sst s6  }
0xf: {  	[smem:$0x3FAC] =	sst s7  }
0x10: {  	[smem:$0x3FAD] =	sst s8  }
0x11: {  	[smem:$0x3FAE] =	sst s9;
	s0 =	simm.s32 @!p0 $0x0  }
0x12: {  	s1 =	sld [smem:$0x3F94];
	s0 =	simm.s32 @p0 $0x1  }
0x13: {  	[smem:$0x3FAF] =	sst s0;
	s0 =	simm.s32 @!p1 $0x0  }
0x14: {  	s2 =	sld [smem:$0x3F93];
	s0 =	simm.s32 @p1 $0x1  }
0x15: {  	[smem:$0x3FB0] =	sst s0;
	s0 =	simm.s32 @!p2 $0x0  }
0x16: {  	s3 =	sld [smem:$0x3FDB];
	s0 =	simm.s32 @p2 $0x1  }
0x17: {  	s4 =	simm.s32 $0x1BF5;
	[smem:$0x3FB2] =	sst s0  }
0x18: {  	s0 =	sld [smem:$0x3F95];
	_ =	swait.ge [sflag:s4], $0x0  }
0x19: {  	s7 =	sld [smem:$0x3F96]  }
0x1a: {  	s8 =	sadd.s32 $0xFFFFE003, lr  }
0x1b: {  	s9 =	sadd.s32 $0xFFFFFEF7, lr;
	s5 =	simm.s32 $0xFFFFFFFF;
	p2 =	slt.u32 s8, $0xFFFFF086  }
0x1c: {  	p1 =	slt.u32 s9, $0xF7A;
	s5 =	simm.s32 @!p2 $0x0  }
0x1d: {  	s5 =	simm.s32 @p1 $0x1;
	p0 =	seq.s32 s7, s2  }
0x1e: {  	s7 =	smul.u32 @!p0 $0xF7A, s2;
	p2 =	seq.s32 @!p0 s5, $0x0  }
0x1f: {  	s9 =	smul.u32 $0xF7A, s1;
	s8 =	simm.s32 @!p0 $0x1BF5;
	p2 =	por !p2, p0  }
0x20: {  	[sflag:s8] =	ssyncset.s32 @!p0 $0xFFFFF086;
	s6 =	sadd.s32 @!p0 s3, s7;
	s7 =	simm.s32 @!p0 $0x108  }
0x21: {  	s3 =	sadd.s32 s3, s9;
	s6 =	sadd.s32 @!p0 $0x88, s6;
	s7 =	simm.s32 @p2 $0x1082  }
0x22: {  	[simem:s7], [sflag:s8] =	dma.local @!p0 [hbm:s6], $0xF7A  }
0x23: {  	s9 =	sor.u32 $0xD0000000, s2;
	s6 =	simm.s32 $0x108;
	_ =	swait.ge @!p0 [sflag:s8], $0x0  }
0x24: {  	s3 =	sadd.s32 $0x88, s3;
	s6 =	simm.s32 @!p1 $0x1082;
	[sflag:s4] =	ssyncset.s32 $0xFFFFF086  }
0x25: {  	[simem:s6], [sflag:s4] =	dma.local [hbm:s3], $0xF7A  }
0x26: {  	[smem:$0x3F96] =	sst s1;
	(tag) =	ssettag s2;
	_ =	strace s9  }
0x27: {  	s1 =	sld [smem:$0x3FA6]  }
0x28: {  	s2 =	sld [smem:$0x3FA7]  }
0x29: {  	s4 =	sld [smem:$0x3FA9]  }
0x2a: {  	p0 =	seq.s32 s5, $0x0;
	s5 =	sld [smem:$0x3FAA]  }
0x2b: {  	s6 =	sld [smem:$0x3FAB]  }
0x2c: {  	s7 =	sld [smem:$0x3FAC]  }
0x2d: {  	s3 =	simm.s32 $0x108;
	s8 =	sld [smem:$0x3FAD]  }
0x2e: {  	s3 =	simm.s32 @!p0 $0x1082;
	s9 =	sld [smem:$0x3FAE]  }
0x2f: {  	lr =	sadd.s32 s0, s3;
	s0 =	sld [smem:$0x3FA5]  }
0x30: {  	s3 =	sld [smem:$0x3FA8]  }
0x31: {  	[smem:$0x3FB1] =	sst s10  }
0x32: {  	s10 =	sld [smem:$0x3FAF];
	_ =	sdelay $0x3  }
0x33: {  	p0 =	seq.s32 s10, $0x1;
	s10 =	sld [smem:$0x3FB1];
	_ =	sdelay $0x3  }
0x34: {  	[smem:$0x3FB1] =	sst s10  }
0x35: {  	s10 =	sld [smem:$0x3FB0];
	_ =	sdelay $0x3  }
0x36: {  	p1 =	seq.s32 s10, $0x1;
	s10 =	sld [smem:$0x3FB1];
	_ =	sdelay $0x3  }
0x37: {  	[smem:$0x3FB1] =	sst s10  }
0x38: {  	s10 =	sld [smem:$0x3FB2]  }
0x39: {  	_ = 	snop;
	(pc) =	sbr.ind lr, $3  }
0x3a: {  	_ = 	snop  }
0x3b: {  	_ = 	snop  }
0x3c: {  	p2 =	seq.s32 s10, $0x1;
	s10 =	sld [smem:$0x3FB1]  }
0x3d: {  	_ =	shalt  }
0x3e: {  	_ =	shalt  }
0x3f: {  	_ =	shalt  }
0x40: {  	_ =	shalt  }
0x41: {  	_ =	shalt  }
0x42: {  	_ =	shalt  }
0x43: {  	_ =	shalt  }
0x44: {  	_ =	shalt  }
0x45: {  	_ =	shalt  }
0x46: {  	_ =	shalt  }
0x47: {  	_ =	shalt  }
0x48: {  	_ =	shalt  }
0x49: {  	_ =	shalt  }
0x4a: {  	_ =	shalt  }
0x4b: {  	_ =	shalt  }
0x4c: {  	_ =	shalt  }
0x4d: {  	_ =	shalt  }
0x4e: {  	_ =	shalt  }
0x4f: {  	_ =	shalt  }
0x50: {  	_ =	shalt  }
0x51: {  	_ =	shalt  }
0x52: {  	_ =	shalt  }
0x53: {  	_ =	shalt  }
0x54: {  	_ =	shalt  }
0x55: {  	_ =	shalt  }
0x56: {  	_ =	shalt  }
0x57: {  	_ =	shalt  }
0x58: {  	_ =	shalt  }
0x59: {  	_ =	shalt  }
0x5a: {  	_ =	shalt  }
0x5b: {  	_ =	shalt  }
0x5c: {  	_ =	shalt  }
0x5d: {  	_ =	shalt  }
0x5e: {  	_ =	shalt  }
0x5f: {  	_ =	shalt  }
0x60: {  	_ =	shalt  }
0x61: {  	_ =	shalt  }
0x62: {  	_ =	shalt  }
0x63: {  	_ =	shalt  }
0x64: {  	_ =	shalt  }
0x65: {  	_ =	shalt  }
0x66: {  	_ =	shalt  }
0x67: {  	_ =	shalt  }
0x68: {  	_ =	shalt  }
0x69: {  	_ =	shalt  }
0x6a: {  	_ =	shalt  }
0x6b: {  	_ =	shalt  }
0x6c: {  	_ =	shalt  }
0x6d: {  	_ =	shalt  }
0x6e: {  	_ =	shalt  }
0x6f: {  	_ =	shalt  }
0x70: {  	_ =	shalt  }
0x71: {  	_ =	shalt  }
0x72: {  	_ =	shalt  }
0x73: {  	_ =	shalt  }
0x74: {  	_ =	shalt  }
0x75: {  	_ =	shalt  }
0x76: {  	_ =	shalt  }
0x77: {  	_ =	shalt  }
0x78: {  	_ =	shalt  }
0x79: {  	_ =	shalt  }
0x7a: {  	_ =	shalt  }
0x7b: {  	_ =	shalt  }
0x7c: {  	_ =	shalt  }
0x7d: {  	_ =	shalt  }
0x7e: {  	_ =	shalt  }
0x7f: {  	_ =	shalt  }
0x80: {  	_ =	shalt  }
0x81: {  	_ =	shalt  }
0x82: {  	_ =	shalt  }
0x83: {  	_ =	shalt  }
0x84: {  	_ =	shalt  }
0x85: {  	_ =	shalt  }
0x86: {  	_ =	shalt  }
0x87: {  	_ =	shalt  }
.Lfunc_end0:
.L_simem_size_0:
called_computation.1_lowered:
.L_overlay_start_0:
0x88: {  	s2 =	sld [smem:$0x3FD9]  }
0x89: {  	s3 =	sld [smem:$0x3FFE];
	_ =	sdelay $0x1  }
0x8a: {  	s1 =	srdreg.scid  }
0x8b: {  	s0 =	sand.u32 $0x1, s1  }
0x8c: {  	s16 =	sshll.u32 s0, $0xA;
	s2 =	sadd.s32 s3, s2  }
0x8d: {  	s2 =	sadd.s32 s2, s16  }
0x8e: {  	[smem:$0x3FBD] =	sst s2  }
0x8f: {  	_ = 	snop  }
0x90: {  	(tm) =	ssettm $0x1  }
0x91: {  	s17 =	sld [smem:$0x3FFB];
	_ =	sdelay $0x3  }
0x92: {  	_ =	strace s17  }
0x93: {  	s2 =	sld [smem:$0x3FFC];
	_ =	sdelay $0x3  }
0x94: {  	_ =	strace s2  }
0x95: {  	s2 =	sld [smem:$0x3FFD];
	_ =	sdelay $0x3  }
0x96: {  	_ =	strace s2  }
0x97: {  	_ =	strace $0x8FFFFFFF  }
0x98: {  	s18 =	sld [smem:$0x3FDB];
	_ =	sdelay $0x1  }
0x99: {  	s19 =	simm.s32 $_scs_section_size  }
0x9a: {  	s4 =	simm.s32 $_size__tile_overlayer_lowered;
	s5 =	simm.s32 $_tile_overlayer_lowered  }
0x9b: {  	s22 =	simm.s32 $0x1BFF;
	s21 =	sshll.u32 s5, $0x1;
	s2 =	sadd.s32 s19, s18  }
0x9c: {  	s6 =	simm.s32 $0x0;
	s20 =	sshll.u32 s4, $0x1;
	s4 =	sadd.s32 s21, s2  }
0x9d: {  	[timem:s6], [sflag:s22] =	dma.local [hbm:s4], s20  }
0x9e: {  	_ =	swait.ge [sflag:s22], s20  }
0x9f: {  	s3 =	ssub.s32 $0x0, s20;
	[sflag:s22] =	ssyncset.done $0x0  }
0xa0: {  	[sflag:s22] =	ssyncadd.s32 s3;
	_ =	sdelay $0x1  }
0xa1: {  	s23 =	simm.s32 $0x1B8B  }
0xa2: {  	_ =	swait.ge [sflag:s23], $0x1  }
0xa3: {  	[sflag:s23] =	ssyncset.done $0x0  }
0xa4: {  	s25 =	simm.s32 $0x1B8E;
	s24 =	sld [smem:$0x3FFE];
	[sflag:s23] =	ssyncadd.s32 $0xFFFFFFFF  }
0xa5: {  	s26 =	simm.s32 $execute0_lowered;
	[smem:$0x3FD2] =	sst s25  }
0xa6: {  	s4 =	sshll.u32 s26, $0x1;
	_ =	strace $0x80000049;
	[dreg:$0x1] =	wrdreg $0xFFFFFFFF  }
0xa7: {  	s28 =	simm.s32 $_size_execute0_lowered;
	s2 =	sadd.s32 s2, s4;
	[dreg:$0x0] =	wrdreg $0x0  }
0xa8: {  	s4 =	sshll.u32 s28, $0x1;
	[dreg:$0x2] =	wrdreg s2  }
0xa9: {  	[dreg:$0x3] =	wrdreg s4  }
0xaa: {  	[dreg:$0x4] =	wrdreg $0xC0  }
0xab: {  	_ =	task [dreg:s6], $0x5FFFF  }
0xac: {  	[dreg:$0x1] =	wrdreg $0xFFFFFFFF  }
0xad: {  	[dreg:$0x0] =	wrdreg $0x60  }
0xae: {  	[dreg:$0x2] =	wrdreg s24  }
0xaf: {  	[dreg:$0x3] =	wrdreg $0x98000  }
0xb0: {  	[dreg:$0x4] =	wrdreg $0x9  }
0xb1: {  	_ =	task.clear_ibuf [dreg:s6], $0x5FFFF;
	_ =	strace $0x90000049  }
0xb2: {  	s29 =	simm.s32 $0x9;
	_ =	strace $0x8000004B  }
0xb3: {  	_ =	swait.ge [sflag:s29], $0x1  }
0xb4: {  	[sflag:s29] =	ssyncadd.s32 $0xFFFFFFFF  }
0xb5: {  	_ =	strace $0x9000004B  }
0xb6: {  	_ =	sfence  }
0xb7: {  	s30 =	sld [smem:$0x0];
	_ =	sdelay $0x2  }
0xb8: {  	s31 =	sshll.u32 s1, $0xD;
	s1 =	sshrl.u32 s1, $0x2  }
0xb9: {  	s3 =	sand.u32 $0x4000, s31;
	s1 =	sadd.s32 s1, s30  }
0xba: {  	s0 =	sor.u32 s3, s0;
	s1 =	sshll.u32 s1, $0x11  }
0xbb: {  	s0 =	sor.u32 s1, s0  }
0xbc: {  	s0 =	sadd.s32 $0x8F2B, s0  }
0xbd: {  	[sflag:s0] =	ssyncadd.remote.s32 $0x1  }
0xbe: {  	_ =	sfence.sel $0xFFFF  }
0xbf: {  	[dreg:$0x0] =	wrdreg $0xFFFFFFFF;
	(pc) =	sbr.abs _section_cstart, $3  }
0xc0: {  	[dreg:$0x1] =	wrdreg $0xFFFFFFFF  }
0xc1: {  	_ =	task.clear_ibuf [dreg:s6], $0x2FFFF;
	_ =	strace $0x9FFFFFFF  }
0xc2: {  	(tm) =	ssettm $0x7FFFFFFF  }
0xc3: {  	_ =	shalt  }
tec
execute0_lowered:
.L_overlay_start_1:
0x0: {  	(tag) =	ssettag $0x1  }
0x1: {  	s5 =	rddreg [dreg:$0x0]  }
0x2: {  	s2 =	rddreg [dreg:$0x1];
	s3 =	simm.s32 $0x0  }
0x3: {  	s19 =	simm.s32 $0x100;
	[smem:$0x7FF] =	sst s3  }
0x4: {  	s20 =	simm.s32 $0x180;
	_ =	strace $0x8000004A;
	[dreg:$0x5] =	wrdreg s19  }
0x5: {  	s21 =	simm.s32 $0x1080;
	[dreg:$0x6] =	wrdreg s20  }
0x6: {  	s22 =	simm.s32 $0x200;
	[dreg:$0x7] =	wrdreg s21  }
0x7: {  	s23 =	simm.s32 $0x1100;
	[dreg:$0x8] =	wrdreg s22  }
0x8: {  	s24 =	simm.s32 $0x280;
	[dreg:$0x9] =	wrdreg s23  }
0x9: {  	s25 =	simm.s32 $0x1180;
	[dreg:$0xa] =	wrdreg s24  }
0xa: {  	s26 =	simm.s32 $0x300;
	[dreg:$0xb] =	wrdreg s25  }
0xb: {  	s0 =	srdreg.scid;
	s11 =	simm.s32 $0x380;
	[dreg:$0xc] =	wrdreg s26  }
0xc: {  	s14 =	stileid.u32;
	s13 =	simm.s32 $0x1280;
	[dreg:$0xe] =	wrdreg s11  }
0xd: {  	s15 =	simm.s32 $0x400;
	s16 =	simm.s32 $0x1300;
	[dreg:$0xf] =	wrdreg s13  }
0xe: {  	s17 =	simm.s32 $0x480;
	s28 =	simm.s32 $0x1A80;
	[dreg:$0x10] =	wrdreg s15  }
0xf: {  	s29 =	simm.s32 $0xC00;
	s30 =	simm.s32 $0x1B00;
	[dreg:$0x11] =	wrdreg s16  }
0x10: {  	s31 =	simm.s32 $0x1B80;
	[dreg:$0x12] =	wrdreg s17;
	s19 =	simm.s32 $0x500  }
0x11: {  	s0 =	sand.u32 $0x1, s0;
	s20 =	simm.s32 $0x1400;
	[dreg:$0x14] =	wrdreg s19  }
0x12: {  	s4 =	smul.u32 $0x5000, s14;
	s22 =	simm.s32 $0x580;
	[dreg:$0x15] =	wrdreg s20  }
0x13: {  	s6 =	sadd.s32 $0x2000, s5;
	s23 =	simm.s32 $0x1480;
	[dreg:$0x16] =	wrdreg s22  }
0x14: {  	s7 =	sadd.s32 $0x16000, s5;
	s25 =	simm.s32 $0x600;
	[dreg:$0x17] =	wrdreg s23  }
0x15: {  	s8 =	smul.u32 $0x14000, s14;
	s26 =	simm.s32 $0x1500;
	[dreg:$0x18] =	wrdreg s25  }
0x16: {  	s1 =	smul.u32 $0x50000, s0;
	s11 =	simm.s32 $0x700;
	[dreg:$0x19] =	wrdreg s26  }
0x17: {  	s10 =	smul.u32 $0x140000, s0;
	s13 =	simm.s32 $0x780;
	[dreg:$0x1c] =	wrdreg s11  }
0x18: {  	s21 =	smul.u32 $0x50000, s14;
	s15 =	simm.s32 $0x1680;
	[dreg:$0x1e] =	wrdreg s13  }
0x19: {  	s16 =	simm.s32 $0x800;
	s17 =	simm.s32 $0x1700;
	[dreg:$0x1f] =	wrdreg s15  }
0x1a: {  	s9 =	sshrl.u32 s8, $0x3;
	s11 =	simm.s32 $0x1000;
	[smem:$0x7F4] =	sst s16  }
0x1b: {  	s13 =	simm.s32 $0x2000;
	s15 =	simm.s32 $0x4800;
	[smem:$0x7F5] =	sst s17  }
0x1c: {  	s19 =	sshll.u32 s14, $0x6;
	s20 =	simm.s32 $0x1780;
	s22 =	simm.s32 $0x1800  }
0x1d: {  	s23 =	simm.s32 $0x980;
	s25 =	simm.s32 $0xA00;
	s26 =	simm.s32 $0x1900  }
0x1e: {  	s1 =	sadd.s32 s4, s1;
	s4 =	sadd.s32 $0x52000, s5;
	s9 =	sadd.s32 s9, s5  }
0x1f: {  	s8 =	sadd.s32 s8, s10;
	s10 =	ssub.s32 $0x2, s0;
	[smem:$0x7F7] =	sst s20  }
0x20: {  	s0 =	sshll.u32 s0, $0x4;
	s24 =	sshrl.u32 s21, $0x2;
	[smem:$0x7F9] =	sst s22  }
0x21: {  	s16 =	sor.u32 $0x1C04, s19;
	s21 =	simm.s32 $0x900;
	[smem:$0x7FA] =	sst s23  }
0x22: {  	s19 =	simm.s32 $0x1;
	s20 =	simm.s32 $0x2;
	[smem:$0x7FC] =	sst s25  }
0x23: {  	[smem:$0x7FD] =	sst s26;
	s22 =	simm.s32 $0xA80;
	s23 =	simm.s32 $0x1980  }
0x24: {  	s25 =	simm.s32 $0x1A00;
	s26 =	simm.s32 $0xB80;
	s1 =	sshrl.u32 s1, $0x3  }
0x25: {  	s8 =	sshrl.u32 s8, $0x3;
	[smem:$0x7F8] =	sst s21;
	s18 =	sadd.s32 s1, s6  }
0x26: {  	s12 =	sshrl.u32 s10, $0x1;
	s1 =	sadd.s32 s1, s7;
	[dreg:$0x3] =	wrdreg s18  }
0x27: {  	s5 =	sadd.s32 s8, s5;
	s8 =	simm.s32 $0x1200;
	[dreg:$0x4] =	wrdreg s1  }
0x28: {  	s10 =	ssub.s32 s10, s12;
	s12 =	simm.s32 $0x1600;
	[dreg:$0xd] =	wrdreg s8  }
0x29: {  	s0 =	sor.u32 s14, s0;
	s18 =	simm.s32 $0x1380;
	[dreg:$0x1d] =	wrdreg s12  }
0x2a: {  	s21 =	simm.s32 $0x3;
	s5 =	sadd.s32 $0x79200, s5;
	[dreg:$0x13] =	wrdreg s18  }
0x2b: {  	s0 =	smul.u32 $0x5000, s0;
	s8 =	simm.s32 $0x680;
	[smem:$0x7F2] =	sst s5  }
0x2c: {  	s1 =	sadd.s32 s24, s2;
	s10 =	smax.u32 s10, $0x1;
	[dreg:$0x1a] =	wrdreg s8  }
0x2d: {  	s12 =	simm.s32 $0x50;
	s24 =	simm.s32 $0x1880;
	[smem:$0x7F3] =	sst s10  }
0x2e: {  	s0 =	sshrl.u32 s0, $0x3;
	s18 =	simm.s32 $0x880;
	[smem:$0x7FB] =	sst s24  }
0x2f: {  	s10 =	simm.s32 $0x4;
	s7 =	sadd.s32 s7, s0;
	[smem:$0x7F6] =	sst s18  }
0x30: {  	s17 =	sshrl.u32 s1, $0x3;
	s0 =	sadd.s32 s6, s0;
	[smem:$0x7EF] =	sst s7  }
0x31: {  	s24 =	simm.s32 $0xB00;
	[smem:$0x7F0] =	sst s0;
	s7 =	sadd.s32 $0x2A000, s9  }
0x32: {  	s1 =	simm.s32 $0x1C00;
	s9 =	simm.s32 $0x1580;
	[smem:$0x7F1] =	sst s7  }
0x33: {  	s18 =	simm.s32 $0x7000;
	s0 =	simm.s32 $0x0;
	[dreg:$0x1b] =	wrdreg s9  }
.LBB2_1:
0x34: {  	s5 =	sld [smem:$0x7EF];
	_ =	sdelay $0x2  }
0x35: {  	[tilespmem:s3], [sflag:$0x4] =	stream.linear.gather [hbm4b:s5+s3], $0xC80, $0x38;
	[tilespmem:$0x1D800] =	vst v63  }
0x36: {  	_ =	swait.ge [sflag:s10], $0xC80  }
0x37: {  	s6 =	sld [smem:$0x7F0]  }
0x38: {  	[sflag:s10] =	ssyncset.done $0x0  }
0x39: {  	[sflag:s10] =	ssyncadd.s32 $0xFFFFF380  }
0x3a: {  	[tilespmem:s11], [sflag:$0x4] =	stream.linear.gather [hbm4b:s6+s3], $0xC80, $0x38;
	[tilespmem:$0x1D800] =	vst v63  }
0x3b: {  	_ =	swait.ge [sflag:s10], $0xC80  }
0x3c: {  	[sflag:s10] =	ssyncset.done $0x0  }
0x3d: {  	s8 =	sld [smem:$0x7F1];
	[sflag:s10] =	ssyncadd.s32 $0xFFFFF380  }
0x3e: {  	[tilespmem:s13], [sflag:$0x1] =	stream.indirect.gather [hbm4b:s4+s12], $0x80, s3, s12, $0xb8;
	[tilespmem:$0x1D800] =	vst v63  }
0x3f: {  	s7 =	simm.s32 $0x80  }
0x40: {  	[tilespmem:s15], [sflag:$0x2] =	stream.indirect.gather [hbm4b:s4+s12], $0x80, s7, s12, $0xb8;
	[tilespmem:$0x1D800] =	vst v63  }
0x41: {  	[spmem:s17], [sflag:s16] =	dma.local [hbm:s8], $0x2800  }
0x42: {  	_ =	swait.ge [sflag:s10], $0x2800  }
0x43: {  	[sflag:s10] =	ssyncset.done $0x0  }
0x44: {  	[sflag:s10] =	ssyncadd.s32 $0xFFFFD800  }
0x45: {  	[bflag:$0x0] =	sbarrier.arrive $0xFFFF  }
0x46: {  	p0 =	por $0x1, $0x1;
	s5 =	rddreg [dreg:$0x4]  }
0x47: {  	s14 =	simm.s32 @!p0 $0x4;
	s6 =	simm.s32 @!p0 $0x0;
	s5 =	sadd.s32 @!p0 $0x0, s5  }
0x48: {  	[tilespmem:s6], [sflag:$0x4] =	stream.linear.gather @!p0 [hbm4b:s5+s6], $0xC80, $0x38;
	[tilespmem:$0x1D800] =	vst v63  }
0x49: {  	_ =	swait.ge @!p0 [sflag:s14], $0xC80  }
0x4a: {  	s5 =	rddreg [dreg:$0x3];
	[sflag:s14] =	ssyncset.done @!p0 $0x0  }
0x4b: {  	s7 =	simm.s32 @!p0 $0x1000;
	[sflag:s14] =	ssyncadd.s32 @!p0 $0xFFFFF380;
	s5 =	sadd.s32 @!p0 $0x0, s5  }
0x4c: {  	[tilespmem:s7], [sflag:$0x4] =	stream.linear.gather @!p0 [hbm4b:s5+s6], $0xC80, $0x38;
	[tilespmem:$0x1D800] =	vst v63  }
0x4d: {  	_ =	swait.ge @!p0 [sflag:s14], $0xC80  }
0x4e: {  	[sflag:s14] =	ssyncset.done @!p0 $0x0  }
0x4f: {  	s5 =	simm.s32 @!p0 $0x50;
	s7 =	simm.s32 @!p0 $0x2000;
	[sflag:s14] =	ssyncadd.s32 @!p0 $0xFFFFF380  }
0x50: {  	[tilespmem:s7], [sflag:$0x1] =	stream.indirect.gather @!p0 [hbm4b:s4+s5], $0x80, s6, s5, $0xb8;
	[tilespmem:$0x1D800] =	vst v63  }
0x51: {  	s6 =	simm.s32 @!p0 $0x80;
	s7 =	simm.s32 @!p0 $0x4800  }
0x52: {  	[tilespmem:s7], [sflag:$0x2] =	stream.indirect.gather @!p0 [hbm4b:s4+s5], $0x80, s6, s5, $0xb8;
	[tilespmem:$0x1D800] =	vst v63  }
0x53: {  	s9 =	rddreg [dreg:$0x5]  }
0x54: {  	[tilespmem:s18], [sflag:$0x3] =	stream.indirect.gather [hbm4b:s4+s12], $0x80, s9, s12, $0xb8;
	[tilespmem:$0x1D800] =	vst v63  }
0x55: {  	_ =	swait.ge [sflag:s19], $0x2800  }
0x56: {  	[sflag:s19] =	ssyncset.done $0x0  }
0x57: {  	[sflag:s19] =	ssyncadd.s32 $0xFFFFD800  }
0x58: {  	[spmem:s2] =	stream.indirect.scatter.add.f32 [tilespmem:s13], [sflag:$0x4], $0x80, s11, s12, $0xb8;
	[tilespmem:$0x1D800] =	vst v63  }
0x59: {  	_ =	swait.ge [sflag:s10], $0x2800  }
0x5a: {  	[sflag:s10] =	ssyncset.done $0x0  }
0x5b: {  	s14 =	rddreg [dreg:$0x6];
	[sflag:s10] =	ssyncadd.s32 $0xFFFFD800  }
0x5c: {  	[tilespmem:s13], [sflag:$0x1] =	stream.indirect.gather [hbm4b:s4+s12], $0x80, s14, s12, $0xb8;
	[tilespmem:$0x1D800] =	vst v63  }
0x5d: {  	_ =	swait.ge [sflag:s20], $0x2800  }
0x5e: {  	[sflag:s20] =	ssyncset.done $0x0  }
0x5f: {  	s6 =	rddreg [dreg:$0x7];
	[sflag:s20] =	ssyncadd.s32 $0xFFFFD800  }
0x60: {  	[spmem:s2] =	stream.indirect.scatter.add.f32 [tilespmem:s15], [sflag:$0x4], $0x80, s6, s12, $0xb8;
	[tilespmem:$0x1D800] =	vst v63  }
0x61: {  	_ =	swait.ge [sflag:s10], $0x2800  }
0x62: {  	[sflag:s10] =	ssyncset.done $0x0  }
0x63: {  	s7 =	rddreg [dreg:$0x8];
	[sflag:s10] =	ssyncadd.s32 $0xFFFFD800  }
0x64: {  	[tilespmem:s15], [sflag:$0x2] =	stream.indirect.gather [hbm4b:s4+s12], $0x80, s7, s12, $0xb8;
	[tilespmem:$0x1D800] =	vst v63  }
0x65: {  	_ =	swait.ge [sflag:s21], $0x2800  }
0x66: {  	[sflag:s21] =	ssyncset.done $0x0  }
0x67: {  	s8 =	rddreg [dreg:$0x9];
	[sflag:s21] =	ssyncadd.s32 $0xFFFFD800  }
0x68: {  	[spmem:s2] =	stream.indirect.scatter.add.f32 [tilespmem:s18], [sflag:$0x4], $0x80, s8, s12, $0xb8;
	[tilespmem:$0x1D800] =	vst v63  }
0x69: {  	_ =	swait.ge [sflag:s10], $0x2800  }
0x6a: {  	[sflag:s10] =	ssyncset.done $0x0  }
0x6b: {  	s9 =	rddreg [dreg:$0xa];
	[sflag:s10] =	ssyncadd.s32 $0xFFFFD800  }
0x6c: {  	[tilespmem:s18], [sflag:$0x3] =	stream.indirect.gather [hbm4b:s4+s12], $0x80, s9, s12, $0xb8;
	[tilespmem:$0x1D800] =	vst v63  }
0x6d: {  	_ =	swait.ge [sflag:s19], $0x2800  }
0x6e: {  	[sflag:s19] =	ssyncset.done $0x0  }
0x6f: {  	s14 =	rddreg [dreg:$0xb];
	[sflag:s19] =	ssyncadd.s32 $0xFFFFD800  }
0x70: {  	[spmem:s2] =	stream.indirect.scatter.add.f32 [tilespmem:s13], [sflag:$0x4], $0x80, s14, s12, $0xb8;
	[tilespmem:$0x1D800] =	vst v63  }
0x71: {  	_ =	swait.ge [sflag:s10], $0x2800  }
0x72: {  	[sflag:s10] =	ssyncset.done $0x0  }
0x73: {  	s6 =	rddreg [dreg:$0xc];
	[sflag:s10] =	ssyncadd.s32 $0xFFFFD800  }
0x74: {  	[tilespmem:s13], [sflag:$0x1] =	stream.indirect.gather [hbm4b:s4+s12], $0x80, s6, s12, $0xb8;
	[tilespmem:$0x1D800] =	vst v63  }
0x75: {  	_ =	swait.ge [sflag:s20], $0x2800  }
0x76: {  	[sflag:s20] =	ssyncset.done $0x0  }
0x77: {  	s7 =	rddreg [dreg:$0xd];
	[sflag:s20] =	ssyncadd.s32 $0xFFFFD800  }
0x78: {  	[spmem:s2] =	stream.indirect.scatter.add.f32 [tilespmem:s15], [sflag:$0x4], $0x80, s7, s12, $0xb8;
	[tilespmem:$0x1D800] =	vst v63  }
0x79: {  	_ =	swait.ge [sflag:s10], $0x2800  }
0x7a: {  	[sflag:s10] =	ssyncset.done $0x0  }
0x7b: {  	s8 =	rddreg [dreg:$0xe];
	[sflag:s10] =	ssyncadd.s32 $0xFFFFD800  }
0x7c: {  	[tilespmem:s15], [sflag:$0x2] =	stream.indirect.gather [hbm4b:s4+s12], $0x80, s8, s12, $0xb8;
	[tilespmem:$0x1D800] =	vst v63  }
0x7d: {  	_ =	swait.ge [sflag:s21], $0x2800  }
0x7e: {  	[sflag:s21] =	ssyncset.done $0x0  }
0x7f: {  	s9 =	rddreg [dreg:$0xf];
	[sflag:s21] =	ssyncadd.s32 $0xFFFFD800  }
0x80: {  	[spmem:s2] =	stream.indirect.scatter.add.f32 [tilespmem:s18], [sflag:$0x4], $0x80, s9, s12, $0xb8;
	[tilespmem:$0x1D800] =	vst v63  }
0x81: {  	_ =	swait.ge [sflag:s10], $0x2800  }
0x82: {  	[sflag:s10] =	ssyncset.done $0x0  }
0x83: {  	s14 =	rddreg [dreg:$0x10];
	[sflag:s10] =	ssyncadd.s32 $0xFFFFD800  }
0x84: {  	[tilespmem:s18], [sflag:$0x3] =	stream.indirect.gather [hbm4b:s4+s12], $0x80, s14, s12, $0xb8;
	[tilespmem:$0x1D800] =	vst v63  }
0x85: {  	_ =	swait.ge [sflag:s19], $0x2800  }
0x86: {  	[sflag:s19] =	ssyncset.done $0x0  }
0x87: {  	s6 =	rddreg [dreg:$0x11];
	[sflag:s19] =	ssyncadd.s32 $0xFFFFD800  }
0x88: {  	[spmem:s2] =	stream.indirect.scatter.add.f32 [tilespmem:s13], [sflag:$0x4], $0x80, s6, s12, $0xb8;
	[tilespmem:$0x1D800] =	vst v63  }
0x89: {  	_ =	swait.ge [sflag:s10], $0x2800  }
0x8a: {  	[sflag:s10] =	ssyncset.done $0x0  }
0x8b: {  	s7 =	rddreg [dreg:$0x12];
	[sflag:s10] =	ssyncadd.s32 $0xFFFFD800  }
0x8c: {  	[tilespmem:s13], [sflag:$0x1] =	stream.indirect.gather [hbm4b:s4+s12], $0x80, s7, s12, $0xb8;
	[tilespmem:$0x1D800] =	vst v63  }
0x8d: {  	_ =	swait.ge [sflag:s20], $0x2800  }
0x8e: {  	[sflag:s20] =	ssyncset.done $0x0  }
0x8f: {  	s8 =	rddreg [dreg:$0x13];
	[sflag:s20] =	ssyncadd.s32 $0xFFFFD800  }
0x90: {  	[spmem:s2] =	stream.indirect.scatter.add.f32 [tilespmem:s15], [sflag:$0x4], $0x80, s8, s12, $0xb8;
	[tilespmem:$0x1D800] =	vst v63  }
0x91: {  	_ =	swait.ge [sflag:s10], $0x2800  }
0x92: {  	[sflag:s10] =	ssyncset.done $0x0  }
0x93: {  	s9 =	rddreg [dreg:$0x14];
	[sflag:s10] =	ssyncadd.s32 $0xFFFFD800  }
0x94: {  	[tilespmem:s15], [sflag:$0x2] =	stream.indirect.gather [hbm4b:s4+s12], $0x80, s9, s12, $0xb8;
	[tilespmem:$0x1D800] =	vst v63  }
0x95: {  	_ =	swait.ge [sflag:s21], $0x2800  }
0x96: {  	[sflag:s21] =	ssyncset.done $0x0  }
0x97: {  	s14 =	rddreg [dreg:$0x15];
	[sflag:s21] =	ssyncadd.s32 $0xFFFFD800  }
0x98: {  	[spmem:s2] =	stream.indirect.scatter.add.f32 [tilespmem:s18], [sflag:$0x4], $0x80, s14, s12, $0xb8;
	[tilespmem:$0x1D800] =	vst v63  }
0x99: {  	_ =	swait.ge [sflag:s10], $0x2800  }
0x9a: {  	[sflag:s10] =	ssyncset.done $0x0  }
0x9b: {  	s6 =	rddreg [dreg:$0x16];
	[sflag:s10] =	ssyncadd.s32 $0xFFFFD800  }
0x9c: {  	[tilespmem:s18], [sflag:$0x3] =	stream.indirect.gather [hbm4b:s4+s12], $0x80, s6, s12, $0xb8;
	[tilespmem:$0x1D800] =	vst v63  }
0x9d: {  	_ =	swait.ge [sflag:s19], $0x2800  }
0x9e: {  	[sflag:s19] =	ssyncset.done $0x0  }
0x9f: {  	s7 =	rddreg [dreg:$0x17];
	[sflag:s19] =	ssyncadd.s32 $0xFFFFD800  }
0xa0: {  	[spmem:s2] =	stream.indirect.scatter.add.f32 [tilespmem:s13], [sflag:$0x4], $0x80, s7, s12, $0xb8;
	[tilespmem:$0x1D800] =	vst v63  }
0xa1: {  	_ =	swait.ge [sflag:s10], $0x2800  }
0xa2: {  	[sflag:s10] =	ssyncset.done $0x0  }
0xa3: {  	s8 =	rddreg [dreg:$0x18];
	[sflag:s10] =	ssyncadd.s32 $0xFFFFD800  }
0xa4: {  	[tilespmem:s13], [sflag:$0x1] =	stream.indirect.gather [hbm4b:s4+s12], $0x80, s8, s12, $0xb8;
	[tilespmem:$0x1D800] =	vst v63  }
0xa5: {  	_ =	swait.ge [sflag:s20], $0x2800  }
0xa6: {  	[sflag:s20] =	ssyncset.done $0x0  }
0xa7: {  	s9 =	rddreg [dreg:$0x19];
	[sflag:s20] =	ssyncadd.s32 $0xFFFFD800  }
0xa8: {  	[spmem:s2] =	stream.indirect.scatter.add.f32 [tilespmem:s15], [sflag:$0x4], $0x80, s9, s12, $0xb8;
	[tilespmem:$0x1D800] =	vst v63  }
0xa9: {  	_ =	swait.ge [sflag:s10], $0x2800  }
0xaa: {  	[sflag:s10] =	ssyncset.done $0x0  }
0xab: {  	s14 =	rddreg [dreg:$0x1a];
	[sflag:s10] =	ssyncadd.s32 $0xFFFFD800  }
0xac: {  	[tilespmem:s15], [sflag:$0x2] =	stream.indirect.gather [hbm4b:s4+s12], $0x80, s14, s12, $0xb8;
	[tilespmem:$0x1D800] =	vst v63  }
0xad: {  	_ =	swait.ge [sflag:s21], $0x2800  }
0xae: {  	[sflag:s21] =	ssyncset.done $0x0  }
0xaf: {  	s6 =	rddreg [dreg:$0x1b];
	[sflag:s21] =	ssyncadd.s32 $0xFFFFD800  }
0xb0: {  	[spmem:s2] =	stream.indirect.scatter.add.f32 [tilespmem:s18], [sflag:$0x4], $0x80, s6, s12, $0xb8;
	[tilespmem:$0x1D800] =	vst v63  }
0xb1: {  	_ =	swait.ge [sflag:s10], $0x2800  }
0xb2: {  	[sflag:s10] =	ssyncset.done $0x0  }
0xb3: {  	s7 =	rddreg [dreg:$0x1c];
	[sflag:s10] =	ssyncadd.s32 $0xFFFFD800  }
0xb4: {  	[tilespmem:s18], [sflag:$0x3] =	stream.indirect.gather [hbm4b:s4+s12], $0x80, s7, s12, $0xb8;
	[tilespmem:$0x1D800] =	vst v63  }
0xb5: {  	_ =	swait.ge [sflag:s19], $0x2800  }
0xb6: {  	[sflag:s19] =	ssyncset.done $0x0  }
0xb7: {  	s8 =	rddreg [dreg:$0x1d];
	[sflag:s19] =	ssyncadd.s32 $0xFFFFD800  }
0xb8: {  	[spmem:s2] =	stream.indirect.scatter.add.f32 [tilespmem:s13], [sflag:$0x4], $0x80, s8, s12, $0xb8;
	[tilespmem:$0x1D800] =	vst v63  }
0xb9: {  	_ =	swait.ge [sflag:s10], $0x2800  }
0xba: {  	[sflag:s10] =	ssyncset.done $0x0  }
0xbb: {  	s9 =	rddreg [dreg:$0x1e];
	[sflag:s10] =	ssyncadd.s32 $0xFFFFD800  }
0xbc: {  	[tilespmem:s13], [sflag:$0x1] =	stream.indirect.gather [hbm4b:s4+s12], $0x80, s9, s12, $0xb8;
	[tilespmem:$0x1D800] =	vst v63  }
0xbd: {  	_ =	swait.ge [sflag:s20], $0x2800  }
0xbe: {  	[sflag:s20] =	ssyncset.done $0x0  }
0xbf: {  	s14 =	rddreg [dreg:$0x1f];
	[sflag:s20] =	ssyncadd.s32 $0xFFFFD800  }
0xc0: {  	[spmem:s2] =	stream.indirect.scatter.add.f32 [tilespmem:s15], [sflag:$0x4], $0x80, s14, s12, $0xb8;
	[tilespmem:$0x1D800] =	vst v63  }
0xc1: {  	_ =	swait.ge [sflag:s10], $0x2800  }
0xc2: {  	s6 =	sld [smem:$0x7F4]  }
0xc3: {  	[sflag:s10] =	ssyncset.done $0x0  }
0xc4: {  	[sflag:s10] =	ssyncadd.s32 $0xFFFFD800  }
0xc5: {  	[tilespmem:s15], [sflag:$0x2] =	stream.indirect.gather [hbm4b:s4+s12], $0x80, s6, s12, $0xb8;
	[tilespmem:$0x1D800] =	vst v63  }
0xc6: {  	_ =	swait.ge [sflag:s21], $0x2800  }
0xc7: {  	s7 =	sld [smem:$0x7F5]  }
0xc8: {  	[sflag:s21] =	ssyncset.done $0x0  }
0xc9: {  	[sflag:s21] =	ssyncadd.s32 $0xFFFFD800  }
0xca: {  	[spmem:s2] =	stream.indirect.scatter.add.f32 [tilespmem:s18], [sflag:$0x4], $0x80, s7, s12, $0xb8;
	[tilespmem:$0x1D800] =	vst v63  }
0xcb: {  	_ =	swait.ge [sflag:s10], $0x2800  }
0xcc: {  	s8 =	sld [smem:$0x7F6]  }
0xcd: {  	[sflag:s10] =	ssyncset.done $0x0  }
0xce: {  	[sflag:s10] =	ssyncadd.s32 $0xFFFFD800  }
0xcf: {  	[tilespmem:s18], [sflag:$0x3] =	stream.indirect.gather [hbm4b:s4+s12], $0x80, s8, s12, $0xb8;
	[tilespmem:$0x1D800] =	vst v63  }
0xd0: {  	_ =	swait.ge [sflag:s19], $0x2800  }
0xd1: {  	s9 =	sld [smem:$0x7F7]  }
0xd2: {  	[sflag:s19] =	ssyncset.done $0x0  }
0xd3: {  	[sflag:s19] =	ssyncadd.s32 $0xFFFFD800  }
0xd4: {  	[spmem:s2] =	stream.indirect.scatter.add.f32 [tilespmem:s13], [sflag:$0x4], $0x80, s9, s12, $0xb8;
	[tilespmem:$0x1D800] =	vst v63  }
0xd5: {  	_ =	swait.ge [sflag:s10], $0x2800  }
0xd6: {  	s14 =	sld [smem:$0x7F8]  }
0xd7: {  	[sflag:s10] =	ssyncset.done $0x0  }
0xd8: {  	[sflag:s10] =	ssyncadd.s32 $0xFFFFD800  }
0xd9: {  	[tilespmem:s13], [sflag:$0x1] =	stream.indirect.gather [hbm4b:s4+s12], $0x80, s14, s12, $0xb8;
	[tilespmem:$0x1D800] =	vst v63  }
0xda: {  	_ =	swait.ge [sflag:s20], $0x2800  }
0xdb: {  	s6 =	sld [smem:$0x7F9]  }
0xdc: {  	[sflag:s20] =	ssyncset.done $0x0  }
0xdd: {  	[sflag:s20] =	ssyncadd.s32 $0xFFFFD800  }
0xde: {  	[spmem:s2] =	stream.indirect.scatter.add.f32 [tilespmem:s15], [sflag:$0x4], $0x80, s6, s12, $0xb8;
	[tilespmem:$0x1D800] =	vst v63  }
0xdf: {  	_ =	swait.ge [sflag:s10], $0x2800  }
0xe0: {  	s7 =	sld [smem:$0x7FA]  }
0xe1: {  	[sflag:s10] =	ssyncset.done $0x0  }
0xe2: {  	[sflag:s10] =	ssyncadd.s32 $0xFFFFD800  }
0xe3: {  	[tilespmem:s15], [sflag:$0x2] =	stream.indirect.gather [hbm4b:s4+s12], $0x80, s7, s12, $0xb8;
	[tilespmem:$0x1D800] =	vst v63  }
0xe4: {  	_ =	swait.ge [sflag:s21], $0x2800  }
0xe5: {  	s8 =	sld [smem:$0x7FB]  }
0xe6: {  	[sflag:s21] =	ssyncset.done $0x0  }
0xe7: {  	[sflag:s21] =	ssyncadd.s32 $0xFFFFD800  }
0xe8: {  	[spmem:s2] =	stream.indirect.scatter.add.f32 [tilespmem:s18], [sflag:$0x4], $0x80, s8, s12, $0xb8;
	[tilespmem:$0x1D800] =	vst v63  }
0xe9: {  	_ =	swait.ge [sflag:s10], $0x2800  }
0xea: {  	s9 =	sld [smem:$0x7FC]  }
0xeb: {  	[sflag:s10] =	ssyncset.done $0x0  }
0xec: {  	[sflag:s10] =	ssyncadd.s32 $0xFFFFD800  }
0xed: {  	[tilespmem:s18], [sflag:$0x3] =	stream.indirect.gather [hbm4b:s4+s12], $0x80, s9, s12, $0xb8;
	[tilespmem:$0x1D800] =	vst v63  }
0xee: {  	_ =	swait.ge [sflag:s19], $0x2800  }
0xef: {  	s14 =	sld [smem:$0x7FD]  }
0xf0: {  	[sflag:s19] =	ssyncset.done $0x0  }
0xf1: {  	[sflag:s19] =	ssyncadd.s32 $0xFFFFD800  }
0xf2: {  	[spmem:s2] =	stream.indirect.scatter.add.f32 [tilespmem:s13], [sflag:$0x4], $0x80, s14, s12, $0xb8;
	[tilespmem:$0x1D800] =	vst v63  }
0xf3: {  	_ =	swait.ge [sflag:s10], $0x2800  }
0xf4: {  	[sflag:s10] =	ssyncset.done $0x0  }
0xf5: {  	[sflag:s10] =	ssyncadd.s32 $0xFFFFD800  }
0xf6: {  	[tilespmem:s13], [sflag:$0x1] =	stream.indirect.gather [hbm4b:s4+s12], $0x80, s22, s12, $0xb8;
	[tilespmem:$0x1D800] =	vst v63  }
0xf7: {  	_ =	swait.ge [sflag:s20], $0x2800  }
0xf8: {  	[sflag:s20] =	ssyncset.done $0x0  }
0xf9: {  	[sflag:s20] =	ssyncadd.s32 $0xFFFFD800  }
0xfa: {  	[spmem:s2] =	stream.indirect.scatter.add.f32 [tilespmem:s15], [sflag:$0x4], $0x80, s23, s12, $0xb8;
	[tilespmem:$0x1D800] =	vst v63  }
0xfb: {  	_ =	swait.ge [sflag:s10], $0x2800  }
0xfc: {  	[sflag:s10] =	ssyncset.done $0x0  }
0xfd: {  	[sflag:s10] =	ssyncadd.s32 $0xFFFFD800  }
0xfe: {  	[tilespmem:s15], [sflag:$0x2] =	stream.indirect.gather [hbm4b:s4+s12], $0x80, s24, s12, $0xb8;
	[tilespmem:$0x1D800] =	vst v63  }
0xff: {  	_ =	swait.ge [sflag:s21], $0x2800  }
0x100: {  	[sflag:s21] =	ssyncset.done $0x0  }
0x101: {  	[sflag:s21] =	ssyncadd.s32 $0xFFFFD800  }
0x102: {  	[spmem:s2] =	stream.indirect.scatter.add.f32 [tilespmem:s18], [sflag:$0x4], $0x80, s25, s12, $0xb8;
	[tilespmem:$0x1D800] =	vst v63  }
0x103: {  	_ =	swait.ge [sflag:s10], $0x2800  }
0x104: {  	[sflag:s10] =	ssyncset.done $0x0  }
0x105: {  	[sflag:s10] =	ssyncadd.s32 $0xFFFFD800  }
0x106: {  	[tilespmem:s18], [sflag:$0x3] =	stream.indirect.gather [hbm4b:s4+s12], $0x80, s26, s12, $0xb8;
	[tilespmem:$0x1D800] =	vst v63  }
0x107: {  	_ =	swait.ge [sflag:s19], $0x2800  }
0x108: {  	[sflag:s19] =	ssyncset.done $0x0  }
0x109: {  	[sflag:s19] =	ssyncadd.s32 $0xFFFFD800  }
0x10a: {  	[spmem:s2] =	stream.indirect.scatter.add.f32 [tilespmem:s13], [sflag:$0x4], $0x80, s28, s12, $0xb8;
	[tilespmem:$0x1D800] =	vst v63  }
0x10b: {  	_ =	swait.ge [sflag:s10], $0x2800  }
0x10c: {  	[sflag:s10] =	ssyncset.done $0x0  }
0x10d: {  	[sflag:s10] =	ssyncadd.s32 $0xFFFFD800  }
0x10e: {  	[tilespmem:s13], [sflag:$0x1] =	stream.indirect.gather [hbm4b:s4+s12], $0x80, s29, s12, $0xb8;
	[tilespmem:$0x1D800] =	vst v63  }
0x10f: {  	_ =	swait.ge [sflag:s20], $0x2800  }
0x110: {  	[sflag:s20] =	ssyncset.done $0x0  }
0x111: {  	[sflag:s20] =	ssyncadd.s32 $0xFFFFD800  }
0x112: {  	[spmem:s2] =	stream.indirect.scatter.add.f32 [tilespmem:s15], [sflag:$0x4], $0x80, s30, s12, $0xb8;
	[tilespmem:$0x1D800] =	vst v63  }
0x113: {  	_ =	swait.ge [sflag:s10], $0x2800  }
0x114: {  	[sflag:s10] =	ssyncset.done $0x0  }
0x115: {  	[sflag:s10] =	ssyncadd.s32 $0xFFFFD800  }
0x116: {  	_ =	swait.ge [sflag:s21], $0x2800  }
0x117: {  	[sflag:s21] =	ssyncset.done $0x0  }
0x118: {  	[sflag:s21] =	ssyncadd.s32 $0xFFFFD800  }
0x119: {  	[spmem:s2] =	stream.indirect.scatter.add.f32 [tilespmem:s18], [sflag:$0x4], $0x80, s31, s12, $0xb8;
	[tilespmem:$0x1D800] =	vst v63  }
0x11a: {  	_ =	swait.ge [sflag:s10], $0x2800  }
0x11b: {  	[sflag:s10] =	ssyncset.done $0x0  }
0x11c: {  	[sflag:s10] =	ssyncadd.s32 $0xFFFFD800  }
0x11d: {  	_ =	swait.ge [sflag:s19], $0x2800  }
0x11e: {  	[sflag:s19] =	ssyncset.done $0x0  }
0x11f: {  	[sflag:s19] =	ssyncadd.s32 $0xFFFFD800  }
0x120: {  	[spmem:s2] =	stream.indirect.scatter.add.f32 [tilespmem:s13], [sflag:$0x4], $0x80, s1, s12, $0xb8;
	[tilespmem:$0x1D800] =	vst v63  }
0x121: {  	s5 =	simm.s32 $0x400;
	_ =	swait.ge [sflag:s10], $0x2800  }
0x122: {  	s14 =	simm.s32 $0x200;
	s6 =	rddreg [dreg:$0x4];
	[sflag:s10] =	ssyncset.done $0x0  }
.LBB2_2:
0x123: {  	[sflag:s10] =	ssyncadd.s32 $0xFFFFD800;
	p1 =	seq.s32 s14, $0x0  }
0x124: {  	s6 =	sadd.s32 @!p1 s14, s6;
	s8 =	simm.s32 @!p1 $0x0;
	s9 =	simm.s32 @!p1 $0x4  }
0x125: {  	[tilespmem:s8], [sflag:$0x4] =	stream.linear.gather @!p1 [hbm4b:s6+s8], $0xC80, $0x38;
	[tilespmem:$0x1D800] =	vst v63  }
0x126: {  	_ =	swait.ge @!p1 [sflag:s9], $0xC80  }
0x127: {  	s6 =	rddreg [dreg:$0x3];
	[sflag:s9] =	ssyncset.done @!p1 $0x0  }
0x128: {  	[sflag:s9] =	ssyncadd.s32 @!p1 $0xFFFFF380;
	s6 =	sadd.s32 @!p1 s14, s6;
	s14 =	simm.s32 @!p1 $0x1000  }
0x129: {  	[tilespmem:s14], [sflag:$0x4] =	stream.linear.gather @!p1 [hbm4b:s6+s8], $0xC80, $0x38;
	[tilespmem:$0x1D800] =	vst v63  }
0x12a: {  	s7 =	smov.u32 s5;
	_ =	swait.ge @!p1 [sflag:s9], $0xC80  }
0x12b: {  	s14 =	smov.u32 s7;
	[sflag:s9] =	ssyncset.done @!p1 $0x0  }
0x12c: {  	s6 =	simm.s32 @!p1 $0x50;
	s7 =	simm.s32 @!p1 $0x2000;
	[sflag:s9] =	ssyncadd.s32 @!p1 $0xFFFFF380  }
0x12d: {  	[tilespmem:s7], [sflag:$0x1] =	stream.indirect.gather @!p1 [hbm4b:s4+s6], $0x80, s8, s6, $0xb8;
	[tilespmem:$0x1D800] =	vst v63  }
0x12e: {  	s7 =	simm.s32 @!p1 $0x80;
	s8 =	simm.s32 @!p1 $0x4800  }
0x12f: {  	[tilespmem:s8], [sflag:$0x2] =	stream.indirect.gather @!p1 [hbm4b:s4+s6], $0x80, s7, s6, $0xb8;
	[tilespmem:$0x1D800] =	vst v63  }
0x130: {  	s9 =	rddreg [dreg:$0x5]  }
0x131: {  	[tilespmem:s18], [sflag:$0x3] =	stream.indirect.gather [hbm4b:s4+s12], $0x80, s9, s12, $0xb8;
	[tilespmem:$0x1D800] =	vst v63  }
0x132: {  	_ =	swait.ge [sflag:s19], $0x2800  }
0x133: {  	[sflag:s19] =	ssyncset.done $0x0  }
0x134: {  	[sflag:s19] =	ssyncadd.s32 $0xFFFFD800  }
0x135: {  	[spmem:s2] =	stream.indirect.scatter.add.f32 [tilespmem:s13], [sflag:$0x4], $0x80, s11, s12, $0xb8;
	[tilespmem:$0x1D800] =	vst v63  }
0x136: {  	_ =	swait.ge [sflag:s10], $0x2800  }
0x137: {  	[sflag:s10] =	ssyncset.done $0x0  }
0x138: {  	s7 =	rddreg [dreg:$0x6];
	[sflag:s10] =	ssyncadd.s32 $0xFFFFD800  }
0x139: {  	[tilespmem:s13], [sflag:$0x1] =	stream.indirect.gather [hbm4b:s4+s12], $0x80, s7, s12, $0xb8;
	[tilespmem:$0x1D800] =	vst v63  }
0x13a: {  	_ =	swait.ge [sflag:s20], $0x2800  }
0x13b: {  	[sflag:s20] =	ssyncset.done $0x0  }
0x13c: {  	s8 =	rddreg [dreg:$0x7];
	[sflag:s20] =	ssyncadd.s32 $0xFFFFD800  }
0x13d: {  	[spmem:s2] =	stream.indirect.scatter.add.f32 [tilespmem:s15], [sflag:$0x4], $0x80, s8, s12, $0xb8;
	[tilespmem:$0x1D800] =	vst v63  }
0x13e: {  	_ =	swait.ge [sflag:s10], $0x2800  }
0x13f: {  	[sflag:s10] =	ssyncset.done $0x0  }
0x140: {  	s9 =	rddreg [dreg:$0x8];
	[sflag:s10] =	ssyncadd.s32 $0xFFFFD800  }
0x141: {  	[tilespmem:s15], [sflag:$0x2] =	stream.indirect.gather [hbm4b:s4+s12], $0x80, s9, s12, $0xb8;
	[tilespmem:$0x1D800] =	vst v63  }
0x142: {  	_ =	swait.ge [sflag:s21], $0x2800  }
0x143: {  	[sflag:s21] =	ssyncset.done $0x0  }
0x144: {  	s7 =	rddreg [dreg:$0x9];
	[sflag:s21] =	ssyncadd.s32 $0xFFFFD800  }
0x145: {  	[spmem:s2] =	stream.indirect.scatter.add.f32 [tilespmem:s18], [sflag:$0x4], $0x80, s7, s12, $0xb8;
	[tilespmem:$0x1D800] =	vst v63  }
0x146: {  	_ =	swait.ge [sflag:s10], $0x2800  }
0x147: {  	[sflag:s10] =	ssyncset.done $0x0  }
0x148: {  	s8 =	rddreg [dreg:$0xa];
	[sflag:s10] =	ssyncadd.s32 $0xFFFFD800  }
0x149: {  	[tilespmem:s18], [sflag:$0x3] =	stream.indirect.gather [hbm4b:s4+s12], $0x80, s8, s12, $0xb8;
	[tilespmem:$0x1D800] =	vst v63  }
0x14a: {  	_ =	swait.ge [sflag:s19], $0x2800  }
0x14b: {  	[sflag:s19] =	ssyncset.done $0x0  }
0x14c: {  	s9 =	rddreg [dreg:$0xb];
	[sflag:s19] =	ssyncadd.s32 $0xFFFFD800  }
0x14d: {  	[spmem:s2] =	stream.indirect.scatter.add.f32 [tilespmem:s13], [sflag:$0x4], $0x80, s9, s12, $0xb8;
	[tilespmem:$0x1D800] =	vst v63  }
0x14e: {  	_ =	swait.ge [sflag:s10], $0x2800  }
0x14f: {  	[sflag:s10] =	ssyncset.done $0x0  }
0x150: {  	s7 =	rddreg [dreg:$0xc];
	[sflag:s10] =	ssyncadd.s32 $0xFFFFD800  }
0x151: {  	[tilespmem:s13], [sflag:$0x1] =	stream.indirect.gather [hbm4b:s4+s12], $0x80, s7, s12, $0xb8;
	[tilespmem:$0x1D800] =	vst v63  }
0x152: {  	_ =	swait.ge [sflag:s20], $0x2800  }
0x153: {  	[sflag:s20] =	ssyncset.done $0x0  }
0x154: {  	s8 =	rddreg [dreg:$0xd];
	[sflag:s20] =	ssyncadd.s32 $0xFFFFD800  }
0x155: {  	[spmem:s2] =	stream.indirect.scatter.add.f32 [tilespmem:s15], [sflag:$0x4], $0x80, s8, s12, $0xb8;
	[tilespmem:$0x1D800] =	vst v63  }
0x156: {  	_ =	swait.ge [sflag:s10], $0x2800  }
0x157: {  	[sflag:s10] =	ssyncset.done $0x0  }
0x158: {  	s9 =	rddreg [dreg:$0xe];
	[sflag:s10] =	ssyncadd.s32 $0xFFFFD800  }
0x159: {  	[tilespmem:s15], [sflag:$0x2] =	stream.indirect.gather [hbm4b:s4+s12], $0x80, s9, s12, $0xb8;
	[tilespmem:$0x1D800] =	vst v63  }
0x15a: {  	_ =	swait.ge [sflag:s21], $0x2800  }
0x15b: {  	[sflag:s21] =	ssyncset.done $0x0  }
0x15c: {  	s7 =	rddreg [dreg:$0xf];
	[sflag:s21] =	ssyncadd.s32 $0xFFFFD800  }
0x15d: {  	[spmem:s2] =	stream.indirect.scatter.add.f32 [tilespmem:s18], [sflag:$0x4], $0x80, s7, s12, $0xb8;
	[tilespmem:$0x1D800] =	vst v63  }
0x15e: {  	_ =	swait.ge [sflag:s10], $0x2800  }
0x15f: {  	[sflag:s10] =	ssyncset.done $0x0  }
0x160: {  	s8 =	rddreg [dreg:$0x10];
	[sflag:s10] =	ssyncadd.s32 $0xFFFFD800  }
0x161: {  	[tilespmem:s18], [sflag:$0x3] =	stream.indirect.gather [hbm4b:s4+s12], $0x80, s8, s12, $0xb8;
	[tilespmem:$0x1D800] =	vst v63  }
0x162: {  	_ =	swait.ge [sflag:s19], $0x2800  }
0x163: {  	[sflag:s19] =	ssyncset.done $0x0  }
0x164: {  	s9 =	rddreg [dreg:$0x11];
	[sflag:s19] =	ssyncadd.s32 $0xFFFFD800  }
0x165: {  	[spmem:s2] =	stream.indirect.scatter.add.f32 [tilespmem:s13], [sflag:$0x4], $0x80, s9, s12, $0xb8;
	[tilespmem:$0x1D800] =	vst v63  }
0x166: {  	_ =	swait.ge [sflag:s10], $0x2800  }
0x167: {  	[sflag:s10] =	ssyncset.done $0x0  }
0x168: {  	s7 =	rddreg [dreg:$0x12];
	[sflag:s10] =	ssyncadd.s32 $0xFFFFD800  }
0x169: {  	[tilespmem:s13], [sflag:$0x1] =	stream.indirect.gather [hbm4b:s4+s12], $0x80, s7, s12, $0xb8;
	[tilespmem:$0x1D800] =	vst v63  }
0x16a: {  	_ =	swait.ge [sflag:s20], $0x2800  }
0x16b: {  	[sflag:s20] =	ssyncset.done $0x0  }
0x16c: {  	s8 =	rddreg [dreg:$0x13];
	[sflag:s20] =	ssyncadd.s32 $0xFFFFD800  }
0x16d: {  	[spmem:s2] =	stream.indirect.scatter.add.f32 [tilespmem:s15], [sflag:$0x4], $0x80, s8, s12, $0xb8;
	[tilespmem:$0x1D800] =	vst v63  }
0x16e: {  	_ =	swait.ge [sflag:s10], $0x2800  }
0x16f: {  	[sflag:s10] =	ssyncset.done $0x0  }
0x170: {  	s9 =	rddreg [dreg:$0x14];
	[sflag:s10] =	ssyncadd.s32 $0xFFFFD800  }
0x171: {  	[tilespmem:s15], [sflag:$0x2] =	stream.indirect.gather [hbm4b:s4+s12], $0x80, s9, s12, $0xb8;
	[tilespmem:$0x1D800] =	vst v63  }
0x172: {  	_ =	swait.ge [sflag:s21], $0x2800  }
0x173: {  	[sflag:s21] =	ssyncset.done $0x0  }
0x174: {  	s7 =	rddreg [dreg:$0x15];
	[sflag:s21] =	ssyncadd.s32 $0xFFFFD800  }
0x175: {  	[spmem:s2] =	stream.indirect.scatter.add.f32 [tilespmem:s18], [sflag:$0x4], $0x80, s7, s12, $0xb8;
	[tilespmem:$0x1D800] =	vst v63  }
0x176: {  	_ =	swait.ge [sflag:s10], $0x2800  }
0x177: {  	[sflag:s10] =	ssyncset.done $0x0  }
0x178: {  	s8 =	rddreg [dreg:$0x16];
	[sflag:s10] =	ssyncadd.s32 $0xFFFFD800  }
0x179: {  	[tilespmem:s18], [sflag:$0x3] =	stream.indirect.gather [hbm4b:s4+s12], $0x80, s8, s12, $0xb8;
	[tilespmem:$0x1D800] =	vst v63  }
0x17a: {  	_ =	swait.ge [sflag:s19], $0x2800  }
0x17b: {  	[sflag:s19] =	ssyncset.done $0x0  }
0x17c: {  	s9 =	rddreg [dreg:$0x17];
	[sflag:s19] =	ssyncadd.s32 $0xFFFFD800  }
0x17d: {  	[spmem:s2] =	stream.indirect.scatter.add.f32 [tilespmem:s13], [sflag:$0x4], $0x80, s9, s12, $0xb8;
	[tilespmem:$0x1D800] =	vst v63  }
0x17e: {  	_ =	swait.ge [sflag:s10], $0x2800  }
0x17f: {  	[sflag:s10] =	ssyncset.done $0x0  }
0x180: {  	s7 =	rddreg [dreg:$0x18];
	[sflag:s10] =	ssyncadd.s32 $0xFFFFD800  }
0x181: {  	[tilespmem:s13], [sflag:$0x1] =	stream.indirect.gather [hbm4b:s4+s12], $0x80, s7, s12, $0xb8;
	[tilespmem:$0x1D800] =	vst v63  }
0x182: {  	_ =	swait.ge [sflag:s20], $0x2800  }
0x183: {  	[sflag:s20] =	ssyncset.done $0x0  }
0x184: {  	s8 =	rddreg [dreg:$0x19];
	[sflag:s20] =	ssyncadd.s32 $0xFFFFD800  }
0x185: {  	[spmem:s2] =	stream.indirect.scatter.add.f32 [tilespmem:s15], [sflag:$0x4], $0x80, s8, s12, $0xb8;
	[tilespmem:$0x1D800] =	vst v63  }
0x186: {  	_ =	swait.ge [sflag:s10], $0x2800  }
0x187: {  	[sflag:s10] =	ssyncset.done $0x0  }
0x188: {  	s9 =	rddreg [dreg:$0x1a];
	[sflag:s10] =	ssyncadd.s32 $0xFFFFD800  }
0x189: {  	[tilespmem:s15], [sflag:$0x2] =	stream.indirect.gather [hbm4b:s4+s12], $0x80, s9, s12, $0xb8;
	[tilespmem:$0x1D800] =	vst v63  }
0x18a: {  	_ =	swait.ge [sflag:s21], $0x2800  }
0x18b: {  	[sflag:s21] =	ssyncset.done $0x0  }
0x18c: {  	s7 =	rddreg [dreg:$0x1b];
	[sflag:s21] =	ssyncadd.s32 $0xFFFFD800  }
0x18d: {  	[spmem:s2] =	stream.indirect.scatter.add.f32 [tilespmem:s18], [sflag:$0x4], $0x80, s7, s12, $0xb8;
	[tilespmem:$0x1D800] =	vst v63  }
0x18e: {  	_ =	swait.ge [sflag:s10], $0x2800  }
0x18f: {  	[sflag:s10] =	ssyncset.done $0x0  }
0x190: {  	s8 =	rddreg [dreg:$0x1c];
	[sflag:s10] =	ssyncadd.s32 $0xFFFFD800  }
0x191: {  	[tilespmem:s18], [sflag:$0x3] =	stream.indirect.gather [hbm4b:s4+s12], $0x80, s8, s12, $0xb8;
	[tilespmem:$0x1D800] =	vst v63  }
0x192: {  	_ =	swait.ge [sflag:s19], $0x2800  }
0x193: {  	[sflag:s19] =	ssyncset.done $0x0  }
0x194: {  	s9 =	rddreg [dreg:$0x1d];
	[sflag:s19] =	ssyncadd.s32 $0xFFFFD800  }
0x195: {  	[spmem:s2] =	stream.indirect.scatter.add.f32 [tilespmem:s13], [sflag:$0x4], $0x80, s9, s12, $0xb8;
	[tilespmem:$0x1D800] =	vst v63  }
0x196: {  	_ =	swait.ge [sflag:s10], $0x2800  }
0x197: {  	[sflag:s10] =	ssyncset.done $0x0  }
0x198: {  	s7 =	rddreg [dreg:$0x1e];
	[sflag:s10] =	ssyncadd.s32 $0xFFFFD800  }
0x199: {  	[tilespmem:s13], [sflag:$0x1] =	stream.indirect.gather [hbm4b:s4+s12], $0x80, s7, s12, $0xb8;
	[tilespmem:$0x1D800] =	vst v63  }
0x19a: {  	_ =	swait.ge [sflag:s20], $0x2800  }
0x19b: {  	[sflag:s20] =	ssyncset.done $0x0  }
0x19c: {  	s8 =	rddreg [dreg:$0x1f];
	[sflag:s20] =	ssyncadd.s32 $0xFFFFD800  }
0x19d: {  	[spmem:s2] =	stream.indirect.scatter.add.f32 [tilespmem:s15], [sflag:$0x4], $0x80, s8, s12, $0xb8;
	[tilespmem:$0x1D800] =	vst v63  }
0x19e: {  	_ =	swait.ge [sflag:s10], $0x2800  }
0x19f: {  	s9 =	sld [smem:$0x7F4]  }
0x1a0: {  	[sflag:s10] =	ssyncset.done $0x0  }
0x1a1: {  	[sflag:s10] =	ssyncadd.s32 $0xFFFFD800  }
0x1a2: {  	[tilespmem:s15], [sflag:$0x2] =	stream.indirect.gather [hbm4b:s4+s12], $0x80, s9, s12, $0xb8;
	[tilespmem:$0x1D800] =	vst v63  }
0x1a3: {  	_ =	swait.ge [sflag:s21], $0x2800  }
0x1a4: {  	s7 =	sld [smem:$0x7F5]  }
0x1a5: {  	[sflag:s21] =	ssyncset.done $0x0  }
0x1a6: {  	[sflag:s21] =	ssyncadd.s32 $0xFFFFD800  }
0x1a7: {  	[spmem:s2] =	stream.indirect.scatter.add.f32 [tilespmem:s18], [sflag:$0x4], $0x80, s7, s12, $0xb8;
	[tilespmem:$0x1D800] =	vst v63  }
0x1a8: {  	_ =	swait.ge [sflag:s10], $0x2800  }
0x1a9: {  	s8 =	sld [smem:$0x7F6]  }
0x1aa: {  	[sflag:s10] =	ssyncset.done $0x0  }
0x1ab: {  	[sflag:s10] =	ssyncadd.s32 $0xFFFFD800  }
0x1ac: {  	[tilespmem:s18], [sflag:$0x3] =	stream.indirect.gather [hbm4b:s4+s12], $0x80, s8, s12, $0xb8;
	[tilespmem:$0x1D800] =	vst v63  }
0x1ad: {  	_ =	swait.ge [sflag:s19], $0x2800  }
0x1ae: {  	s9 =	sld [smem:$0x7F7]  }
0x1af: {  	[sflag:s19] =	ssyncset.done $0x0  }
0x1b0: {  	[sflag:s19] =	ssyncadd.s32 $0xFFFFD800  }
0x1b1: {  	[spmem:s2] =	stream.indirect.scatter.add.f32 [tilespmem:s13], [sflag:$0x4], $0x80, s9, s12, $0xb8;
	[tilespmem:$0x1D800] =	vst v63  }
0x1b2: {  	_ =	swait.ge [sflag:s10], $0x2800  }
0x1b3: {  	s7 =	sld [smem:$0x7F8]  }
0x1b4: {  	[sflag:s10] =	ssyncset.done $0x0  }
0x1b5: {  	[sflag:s10] =	ssyncadd.s32 $0xFFFFD800  }
0x1b6: {  	[tilespmem:s13], [sflag:$0x1] =	stream.indirect.gather [hbm4b:s4+s12], $0x80, s7, s12, $0xb8;
	[tilespmem:$0x1D800] =	vst v63  }
0x1b7: {  	_ =	swait.ge [sflag:s20], $0x2800  }
0x1b8: {  	s8 =	sld [smem:$0x7F9]  }
0x1b9: {  	[sflag:s20] =	ssyncset.done $0x0  }
0x1ba: {  	[sflag:s20] =	ssyncadd.s32 $0xFFFFD800  }
0x1bb: {  	[spmem:s2] =	stream.indirect.scatter.add.f32 [tilespmem:s15], [sflag:$0x4], $0x80, s8, s12, $0xb8;
	[tilespmem:$0x1D800] =	vst v63  }
0x1bc: {  	_ =	swait.ge [sflag:s10], $0x2800  }
0x1bd: {  	s9 =	sld [smem:$0x7FA]  }
0x1be: {  	[sflag:s10] =	ssyncset.done $0x0  }
0x1bf: {  	[sflag:s10] =	ssyncadd.s32 $0xFFFFD800  }
0x1c0: {  	[tilespmem:s15], [sflag:$0x2] =	stream.indirect.gather [hbm4b:s4+s12], $0x80, s9, s12, $0xb8;
	[tilespmem:$0x1D800] =	vst v63  }
0x1c1: {  	_ =	swait.ge [sflag:s21], $0x2800  }
0x1c2: {  	s7 =	sld [smem:$0x7FB]  }
0x1c3: {  	[sflag:s21] =	ssyncset.done $0x0  }
0x1c4: {  	[sflag:s21] =	ssyncadd.s32 $0xFFFFD800  }
0x1c5: {  	[spmem:s2] =	stream.indirect.scatter.add.f32 [tilespmem:s18], [sflag:$0x4], $0x80, s7, s12, $0xb8;
	[tilespmem:$0x1D800] =	vst v63  }
0x1c6: {  	_ =	swait.ge [sflag:s10], $0x2800  }
0x1c7: {  	s8 =	sld [smem:$0x7FC]  }
0x1c8: {  	[sflag:s10] =	ssyncset.done $0x0  }
0x1c9: {  	[sflag:s10] =	ssyncadd.s32 $0xFFFFD800  }
0x1ca: {  	[tilespmem:s18], [sflag:$0x3] =	stream.indirect.gather [hbm4b:s4+s12], $0x80, s8, s12, $0xb8;
	[tilespmem:$0x1D800] =	vst v63  }
0x1cb: {  	_ =	swait.ge [sflag:s19], $0x2800  }
0x1cc: {  	s9 =	sld [smem:$0x7FD]  }
0x1cd: {  	[sflag:s19] =	ssyncset.done $0x0  }
0x1ce: {  	[sflag:s19] =	ssyncadd.s32 $0xFFFFD800  }
0x1cf: {  	[spmem:s2] =	stream.indirect.scatter.add.f32 [tilespmem:s13], [sflag:$0x4], $0x80, s9, s12, $0xb8;
	[tilespmem:$0x1D800] =	vst v63  }
0x1d0: {  	_ =	swait.ge [sflag:s10], $0x2800  }
0x1d1: {  	[sflag:s10] =	ssyncset.done $0x0  }
0x1d2: {  	[sflag:s10] =	ssyncadd.s32 $0xFFFFD800  }
0x1d3: {  	[tilespmem:s13], [sflag:$0x1] =	stream.indirect.gather [hbm4b:s4+s12], $0x80, s22, s12, $0xb8;
	[tilespmem:$0x1D800] =	vst v63  }
0x1d4: {  	_ =	swait.ge [sflag:s20], $0x2800  }
0x1d5: {  	[sflag:s20] =	ssyncset.done $0x0  }
0x1d6: {  	[sflag:s20] =	ssyncadd.s32 $0xFFFFD800  }
0x1d7: {  	[spmem:s2] =	stream.indirect.scatter.add.f32 [tilespmem:s15], [sflag:$0x4], $0x80, s23, s12, $0xb8;
	[tilespmem:$0x1D800] =	vst v63  }
0x1d8: {  	_ =	swait.ge [sflag:s10], $0x2800  }
0x1d9: {  	[sflag:s10] =	ssyncset.done $0x0  }
0x1da: {  	[sflag:s10] =	ssyncadd.s32 $0xFFFFD800  }
0x1db: {  	[tilespmem:s15], [sflag:$0x2] =	stream.indirect.gather [hbm4b:s4+s12], $0x80, s24, s12, $0xb8;
	[tilespmem:$0x1D800] =	vst v63  }
0x1dc: {  	_ =	swait.ge [sflag:s21], $0x2800  }
0x1dd: {  	[sflag:s21] =	ssyncset.done $0x0  }
0x1de: {  	[sflag:s21] =	ssyncadd.s32 $0xFFFFD800  }
0x1df: {  	[spmem:s2] =	stream.indirect.scatter.add.f32 [tilespmem:s18], [sflag:$0x4], $0x80, s25, s12, $0xb8;
	[tilespmem:$0x1D800] =	vst v63  }
0x1e0: {  	_ =	swait.ge [sflag:s10], $0x2800  }
0x1e1: {  	[sflag:s10] =	ssyncset.done $0x0  }
0x1e2: {  	[sflag:s10] =	ssyncadd.s32 $0xFFFFD800  }
0x1e3: {  	[tilespmem:s18], [sflag:$0x3] =	stream.indirect.gather [hbm4b:s4+s12], $0x80, s26, s12, $0xb8;
	[tilespmem:$0x1D800] =	vst v63  }
0x1e4: {  	_ =	swait.ge [sflag:s19], $0x2800  }
0x1e5: {  	[sflag:s19] =	ssyncset.done $0x0  }
0x1e6: {  	[sflag:s19] =	ssyncadd.s32 $0xFFFFD800  }
0x1e7: {  	[spmem:s2] =	stream.indirect.scatter.add.f32 [tilespmem:s13], [sflag:$0x4], $0x80, s28, s12, $0xb8;
	[tilespmem:$0x1D800] =	vst v63  }
0x1e8: {  	_ =	swait.ge [sflag:s10], $0x2800  }
0x1e9: {  	[sflag:s10] =	ssyncset.done $0x0  }
0x1ea: {  	[sflag:s10] =	ssyncadd.s32 $0xFFFFD800  }
0x1eb: {  	[tilespmem:s13], [sflag:$0x1] =	stream.indirect.gather [hbm4b:s4+s12], $0x80, s29, s12, $0xb8;
	[tilespmem:$0x1D800] =	vst v63  }
0x1ec: {  	_ =	swait.ge [sflag:s20], $0x2800  }
0x1ed: {  	[sflag:s20] =	ssyncset.done $0x0  }
0x1ee: {  	[sflag:s20] =	ssyncadd.s32 $0xFFFFD800  }
0x1ef: {  	[spmem:s2] =	stream.indirect.scatter.add.f32 [tilespmem:s15], [sflag:$0x4], $0x80, s30, s12, $0xb8;
	[tilespmem:$0x1D800] =	vst v63  }
0x1f0: {  	_ =	swait.ge [sflag:s10], $0x2800  }
0x1f1: {  	[sflag:s10] =	ssyncset.done $0x0  }
0x1f2: {  	[sflag:s10] =	ssyncadd.s32 $0xFFFFD800  }
0x1f3: {  	_ =	swait.ge [sflag:s21], $0x2800  }
0x1f4: {  	[sflag:s21] =	ssyncset.done $0x0  }
0x1f5: {  	[sflag:s21] =	ssyncadd.s32 $0xFFFFD800  }
0x1f6: {  	[spmem:s2] =	stream.indirect.scatter.add.f32 [tilespmem:s18], [sflag:$0x4], $0x80, s31, s12, $0xb8;
	[tilespmem:$0x1D800] =	vst v63  }
0x1f7: {  	_ =	swait.ge [sflag:s10], $0x2800  }
0x1f8: {  	[sflag:s10] =	ssyncset.done $0x0  }
0x1f9: {  	s5 =	sadd.s32 $0x200, s5;
	[sflag:s10] =	ssyncadd.s32 $0xFFFFD800  }
0x1fa: {  	p0 =	sne.s32 s5, $0xA00;
	_ =	swait.ge [sflag:s19], $0x2800  }
.Ltmp0:
0x1fb: {  	[sflag:s19] =	ssyncset.done $0x0;
	(pc) =	sbr.rel @p0 .LBB2_2-.Ltmp0, $4  }
0x1fc: {  	[sflag:s19] =	ssyncadd.s32 $0xFFFFD800  }
0x1fd: {  	[spmem:s2] =	stream.indirect.scatter.add.f32 [tilespmem:s13], [sflag:$0x4], $0x80, s1, s12, $0xb8;
	[tilespmem:$0x1D800] =	vst v63  }
0x1fe: {  	_ =	swait.ge [sflag:s10], $0x2800  }
0x1ff: {  	s6 =	rddreg [dreg:$0x4];
	[sflag:s10] =	ssyncset.done $0x0  }
0x200: {  	[sflag:s10] =	ssyncadd.s32 $0xFFFFD800;
	p0 =	seq.s32 s14, $0x0  }
0x201: {  	s5 =	sadd.s32 @!p0 s14, s6;
	s6 =	simm.s32 @!p0 $0x0;
	s7 =	simm.s32 @!p0 $0x4  }
0x202: {  	[tilespmem:s6], [sflag:$0x4] =	stream.linear.gather @!p0 [hbm4b:s5+s6], $0xC80, $0x38;
	[tilespmem:$0x1D800] =	vst v63  }
0x203: {  	_ =	swait.ge @!p0 [sflag:s7], $0xC80  }
0x204: {  	s5 =	rddreg [dreg:$0x3];
	[sflag:s7] =	ssyncset.done @!p0 $0x0  }
0x205: {  	s8 =	simm.s32 @!p0 $0x1000;
	[sflag:s7] =	ssyncadd.s32 @!p0 $0xFFFFF380;
	s5 =	sadd.s32 @!p0 s14, s5  }
0x206: {  	[tilespmem:s8], [sflag:$0x4] =	stream.linear.gather @!p0 [hbm4b:s5+s6], $0xC80, $0x38;
	[tilespmem:$0x1D800] =	vst v63  }
0x207: {  	_ =	swait.ge @!p0 [sflag:s7], $0xC80  }
0x208: {  	[sflag:s7] =	ssyncset.done @!p0 $0x0  }
0x209: {  	s5 =	simm.s32 @!p0 $0x50;
	[sflag:s7] =	ssyncadd.s32 @!p0 $0xFFFFF380;
	s7 =	simm.s32 @!p0 $0x2000  }
0x20a: {  	[tilespmem:s7], [sflag:$0x1] =	stream.indirect.gather @!p0 [hbm4b:s4+s5], $0x80, s6, s5, $0xb8;
	[tilespmem:$0x1D800] =	vst v63  }
0x20b: {  	s6 =	simm.s32 @!p0 $0x80;
	s7 =	simm.s32 @!p0 $0x4800  }
0x20c: {  	[tilespmem:s7], [sflag:$0x2] =	stream.indirect.gather @!p0 [hbm4b:s4+s5], $0x80, s6, s5, $0xb8;
	[tilespmem:$0x1D800] =	vst v63  }
0x20d: {  	s14 =	rddreg [dreg:$0x5]  }
0x20e: {  	[tilespmem:s18], [sflag:$0x3] =	stream.indirect.gather [hbm4b:s4+s12], $0x80, s14, s12, $0xb8;
	[tilespmem:$0x1D800] =	vst v63  }
0x20f: {  	_ =	swait.ge [sflag:s19], $0x2800  }
0x210: {  	[sflag:s19] =	ssyncset.done $0x0  }
0x211: {  	[sflag:s19] =	ssyncadd.s32 $0xFFFFD800  }
0x212: {  	[spmem:s2] =	stream.indirect.scatter.add.f32 [tilespmem:s13], [sflag:$0x4], $0x80, s11, s12, $0xb8;
	[tilespmem:$0x1D800] =	vst v63  }
0x213: {  	_ =	swait.ge [sflag:s10], $0x2800  }
0x214: {  	[sflag:s10] =	ssyncset.done $0x0  }
0x215: {  	s8 =	rddreg [dreg:$0x6];
	[sflag:s10] =	ssyncadd.s32 $0xFFFFD800  }
0x216: {  	[tilespmem:s13], [sflag:$0x1] =	stream.indirect.gather [hbm4b:s4+s12], $0x80, s8, s12, $0xb8;
	[tilespmem:$0x1D800] =	vst v63  }
0x217: {  	_ =	swait.ge [sflag:s20], $0x2800  }
0x218: {  	[sflag:s20] =	ssyncset.done $0x0  }
0x219: {  	s9 =	rddreg [dreg:$0x7];
	[sflag:s20] =	ssyncadd.s32 $0xFFFFD800  }
0x21a: {  	[spmem:s2] =	stream.indirect.scatter.add.f32 [tilespmem:s15], [sflag:$0x4], $0x80, s9, s12, $0xb8;
	[tilespmem:$0x1D800] =	vst v63  }
0x21b: {  	_ =	swait.ge [sflag:s10], $0x2800  }
0x21c: {  	[sflag:s10] =	ssyncset.done $0x0  }
0x21d: {  	s14 =	rddreg [dreg:$0x8];
	[sflag:s10] =	ssyncadd.s32 $0xFFFFD800  }
0x21e: {  	[tilespmem:s15], [sflag:$0x2] =	stream.indirect.gather [hbm4b:s4+s12], $0x80, s14, s12, $0xb8;
	[tilespmem:$0x1D800] =	vst v63  }
0x21f: {  	_ =	swait.ge [sflag:s21], $0x2800  }
0x220: {  	[sflag:s21] =	ssyncset.done $0x0  }
0x221: {  	s6 =	rddreg [dreg:$0x9];
	[sflag:s21] =	ssyncadd.s32 $0xFFFFD800  }
0x222: {  	[spmem:s2] =	stream.indirect.scatter.add.f32 [tilespmem:s18], [sflag:$0x4], $0x80, s6, s12, $0xb8;
	[tilespmem:$0x1D800] =	vst v63  }
0x223: {  	_ =	swait.ge [sflag:s10], $0x2800  }
0x224: {  	[sflag:s10] =	ssyncset.done $0x0  }
0x225: {  	s7 =	rddreg [dreg:$0xa];
	[sflag:s10] =	ssyncadd.s32 $0xFFFFD800  }
0x226: {  	[tilespmem:s18], [sflag:$0x3] =	stream.indirect.gather [hbm4b:s4+s12], $0x80, s7, s12, $0xb8;
	[tilespmem:$0x1D800] =	vst v63  }
0x227: {  	_ =	swait.ge [sflag:s19], $0x2800  }
0x228: {  	[sflag:s19] =	ssyncset.done $0x0  }
0x229: {  	s8 =	rddreg [dreg:$0xb];
	[sflag:s19] =	ssyncadd.s32 $0xFFFFD800  }
0x22a: {  	[spmem:s2] =	stream.indirect.scatter.add.f32 [tilespmem:s13], [sflag:$0x4], $0x80, s8, s12, $0xb8;
	[tilespmem:$0x1D800] =	vst v63  }
0x22b: {  	_ =	swait.ge [sflag:s10], $0x2800  }
0x22c: {  	[sflag:s10] =	ssyncset.done $0x0  }
0x22d: {  	s9 =	rddreg [dreg:$0xc];
	[sflag:s10] =	ssyncadd.s32 $0xFFFFD800  }
0x22e: {  	[tilespmem:s13], [sflag:$0x1] =	stream.indirect.gather [hbm4b:s4+s12], $0x80, s9, s12, $0xb8;
	[tilespmem:$0x1D800] =	vst v63  }
0x22f: {  	_ =	swait.ge [sflag:s20], $0x2800  }
0x230: {  	[sflag:s20] =	ssyncset.done $0x0  }
0x231: {  	s14 =	rddreg [dreg:$0xd];
	[sflag:s20] =	ssyncadd.s32 $0xFFFFD800  }
0x232: {  	[spmem:s2] =	stream.indirect.scatter.add.f32 [tilespmem:s15], [sflag:$0x4], $0x80, s14, s12, $0xb8;
	[tilespmem:$0x1D800] =	vst v63  }
0x233: {  	_ =	swait.ge [sflag:s10], $0x2800  }
0x234: {  	[sflag:s10] =	ssyncset.done $0x0  }
0x235: {  	s6 =	rddreg [dreg:$0xe];
	[sflag:s10] =	ssyncadd.s32 $0xFFFFD800  }
0x236: {  	[tilespmem:s15], [sflag:$0x2] =	stream.indirect.gather [hbm4b:s4+s12], $0x80, s6, s12, $0xb8;
	[tilespmem:$0x1D800] =	vst v63  }
0x237: {  	_ =	swait.ge [sflag:s21], $0x2800  }
0x238: {  	[sflag:s21] =	ssyncset.done $0x0  }
0x239: {  	s7 =	rddreg [dreg:$0xf];
	[sflag:s21] =	ssyncadd.s32 $0xFFFFD800  }
0x23a: {  	[spmem:s2] =	stream.indirect.scatter.add.f32 [tilespmem:s18], [sflag:$0x4], $0x80, s7, s12, $0xb8;
	[tilespmem:$0x1D800] =	vst v63  }
0x23b: {  	_ =	swait.ge [sflag:s10], $0x2800  }
0x23c: {  	[sflag:s10] =	ssyncset.done $0x0  }
0x23d: {  	s8 =	rddreg [dreg:$0x10];
	[sflag:s10] =	ssyncadd.s32 $0xFFFFD800  }
0x23e: {  	[tilespmem:s18], [sflag:$0x3] =	stream.indirect.gather [hbm4b:s4+s12], $0x80, s8, s12, $0xb8;
	[tilespmem:$0x1D800] =	vst v63  }
0x23f: {  	_ =	swait.ge [sflag:s19], $0x2800  }
0x240: {  	[sflag:s19] =	ssyncset.done $0x0  }
0x241: {  	s9 =	rddreg [dreg:$0x11];
	[sflag:s19] =	ssyncadd.s32 $0xFFFFD800  }
0x242: {  	[spmem:s2] =	stream.indirect.scatter.add.f32 [tilespmem:s13], [sflag:$0x4], $0x80, s9, s12, $0xb8;
	[tilespmem:$0x1D800] =	vst v63  }
0x243: {  	_ =	swait.ge [sflag:s10], $0x2800  }
0x244: {  	[sflag:s10] =	ssyncset.done $0x0  }
0x245: {  	s14 =	rddreg [dreg:$0x12];
	[sflag:s10] =	ssyncadd.s32 $0xFFFFD800  }
0x246: {  	[tilespmem:s13], [sflag:$0x1] =	stream.indirect.gather [hbm4b:s4+s12], $0x80, s14, s12, $0xb8;
	[tilespmem:$0x1D800] =	vst v63  }
0x247: {  	_ =	swait.ge [sflag:s20], $0x2800  }
0x248: {  	[sflag:s20] =	ssyncset.done $0x0  }
0x249: {  	s6 =	rddreg [dreg:$0x13];
	[sflag:s20] =	ssyncadd.s32 $0xFFFFD800  }
0x24a: {  	[spmem:s2] =	stream.indirect.scatter.add.f32 [tilespmem:s15], [sflag:$0x4], $0x80, s6, s12, $0xb8;
	[tilespmem:$0x1D800] =	vst v63  }
0x24b: {  	_ =	swait.ge [sflag:s10], $0x2800  }
0x24c: {  	[sflag:s10] =	ssyncset.done $0x0  }
0x24d: {  	s7 =	rddreg [dreg:$0x14];
	[sflag:s10] =	ssyncadd.s32 $0xFFFFD800  }
0x24e: {  	[tilespmem:s15], [sflag:$0x2] =	stream.indirect.gather [hbm4b:s4+s12], $0x80, s7, s12, $0xb8;
	[tilespmem:$0x1D800] =	vst v63  }
0x24f: {  	_ =	swait.ge [sflag:s21], $0x2800  }
0x250: {  	[sflag:s21] =	ssyncset.done $0x0  }
0x251: {  	s8 =	rddreg [dreg:$0x15];
	[sflag:s21] =	ssyncadd.s32 $0xFFFFD800  }
0x252: {  	[spmem:s2] =	stream.indirect.scatter.add.f32 [tilespmem:s18], [sflag:$0x4], $0x80, s8, s12, $0xb8;
	[tilespmem:$0x1D800] =	vst v63  }
0x253: {  	_ =	swait.ge [sflag:s10], $0x2800  }
0x254: {  	[sflag:s10] =	ssyncset.done $0x0  }
0x255: {  	s9 =	rddreg [dreg:$0x16];
	[sflag:s10] =	ssyncadd.s32 $0xFFFFD800  }
0x256: {  	[tilespmem:s18], [sflag:$0x3] =	stream.indirect.gather [hbm4b:s4+s12], $0x80, s9, s12, $0xb8;
	[tilespmem:$0x1D800] =	vst v63  }
0x257: {  	_ =	swait.ge [sflag:s19], $0x2800  }
0x258: {  	[sflag:s19] =	ssyncset.done $0x0  }
0x259: {  	s14 =	rddreg [dreg:$0x17];
	[sflag:s19] =	ssyncadd.s32 $0xFFFFD800  }
0x25a: {  	[spmem:s2] =	stream.indirect.scatter.add.f32 [tilespmem:s13], [sflag:$0x4], $0x80, s14, s12, $0xb8;
	[tilespmem:$0x1D800] =	vst v63  }
0x25b: {  	_ =	swait.ge [sflag:s10], $0x2800  }
0x25c: {  	[sflag:s10] =	ssyncset.done $0x0  }
0x25d: {  	s6 =	rddreg [dreg:$0x18];
	[sflag:s10] =	ssyncadd.s32 $0xFFFFD800  }
0x25e: {  	[tilespmem:s13], [sflag:$0x1] =	stream.indirect.gather [hbm4b:s4+s12], $0x80, s6, s12, $0xb8;
	[tilespmem:$0x1D800] =	vst v63  }
0x25f: {  	_ =	swait.ge [sflag:s20], $0x2800  }
0x260: {  	[sflag:s20] =	ssyncset.done $0x0  }
0x261: {  	s7 =	rddreg [dreg:$0x19];
	[sflag:s20] =	ssyncadd.s32 $0xFFFFD800  }
0x262: {  	[spmem:s2] =	stream.indirect.scatter.add.f32 [tilespmem:s15], [sflag:$0x4], $0x80, s7, s12, $0xb8;
	[tilespmem:$0x1D800] =	vst v63  }
0x263: {  	_ =	swait.ge [sflag:s10], $0x2800  }
0x264: {  	[sflag:s10] =	ssyncset.done $0x0  }
0x265: {  	s8 =	rddreg [dreg:$0x1a];
	[sflag:s10] =	ssyncadd.s32 $0xFFFFD800  }
0x266: {  	[tilespmem:s15], [sflag:$0x2] =	stream.indirect.gather [hbm4b:s4+s12], $0x80, s8, s12, $0xb8;
	[tilespmem:$0x1D800] =	vst v63  }
0x267: {  	_ =	swait.ge [sflag:s21], $0x2800  }
0x268: {  	[sflag:s21] =	ssyncset.done $0x0  }
0x269: {  	s9 =	rddreg [dreg:$0x1b];
	[sflag:s21] =	ssyncadd.s32 $0xFFFFD800  }
0x26a: {  	[spmem:s2] =	stream.indirect.scatter.add.f32 [tilespmem:s18], [sflag:$0x4], $0x80, s9, s12, $0xb8;
	[tilespmem:$0x1D800] =	vst v63  }
0x26b: {  	_ =	swait.ge [sflag:s10], $0x2800  }
0x26c: {  	[sflag:s10] =	ssyncset.done $0x0  }
0x26d: {  	s14 =	rddreg [dreg:$0x1c];
	[sflag:s10] =	ssyncadd.s32 $0xFFFFD800  }
0x26e: {  	[tilespmem:s18], [sflag:$0x3] =	stream.indirect.gather [hbm4b:s4+s12], $0x80, s14, s12, $0xb8;
	[tilespmem:$0x1D800] =	vst v63  }
0x26f: {  	_ =	swait.ge [sflag:s19], $0x2800  }
0x270: {  	[sflag:s19] =	ssyncset.done $0x0  }
0x271: {  	s6 =	rddreg [dreg:$0x1d];
	[sflag:s19] =	ssyncadd.s32 $0xFFFFD800  }
0x272: {  	[spmem:s2] =	stream.indirect.scatter.add.f32 [tilespmem:s13], [sflag:$0x4], $0x80, s6, s12, $0xb8;
	[tilespmem:$0x1D800] =	vst v63  }
0x273: {  	_ =	swait.ge [sflag:s10], $0x2800  }
0x274: {  	[sflag:s10] =	ssyncset.done $0x0  }
0x275: {  	s7 =	rddreg [dreg:$0x1e];
	[sflag:s10] =	ssyncadd.s32 $0xFFFFD800  }
0x276: {  	[tilespmem:s13], [sflag:$0x1] =	stream.indirect.gather [hbm4b:s4+s12], $0x80, s7, s12, $0xb8;
	[tilespmem:$0x1D800] =	vst v63  }
0x277: {  	_ =	swait.ge [sflag:s20], $0x2800  }
0x278: {  	[sflag:s20] =	ssyncset.done $0x0  }
0x279: {  	s8 =	rddreg [dreg:$0x1f];
	[sflag:s20] =	ssyncadd.s32 $0xFFFFD800  }
0x27a: {  	[spmem:s2] =	stream.indirect.scatter.add.f32 [tilespmem:s15], [sflag:$0x4], $0x80, s8, s12, $0xb8;
	[tilespmem:$0x1D800] =	vst v63  }
0x27b: {  	_ =	swait.ge [sflag:s10], $0x2800  }
0x27c: {  	s9 =	sld [smem:$0x7F4]  }
0x27d: {  	[sflag:s10] =	ssyncset.done $0x0  }
0x27e: {  	[sflag:s10] =	ssyncadd.s32 $0xFFFFD800  }
0x27f: {  	[tilespmem:s15], [sflag:$0x2] =	stream.indirect.gather [hbm4b:s4+s12], $0x80, s9, s12, $0xb8;
	[tilespmem:$0x1D800] =	vst v63  }
0x280: {  	_ =	swait.ge [sflag:s21], $0x2800  }
0x281: {  	s14 =	sld [smem:$0x7F5]  }
0x282: {  	[sflag:s21] =	ssyncset.done $0x0  }
0x283: {  	[sflag:s21] =	ssyncadd.s32 $0xFFFFD800  }
0x284: {  	[spmem:s2] =	stream.indirect.scatter.add.f32 [tilespmem:s18], [sflag:$0x4], $0x80, s14, s12, $0xb8;
	[tilespmem:$0x1D800] =	vst v63  }
0x285: {  	_ =	swait.ge [sflag:s10], $0x2800  }
0x286: {  	s6 =	sld [smem:$0x7F6]  }
0x287: {  	[sflag:s10] =	ssyncset.done $0x0  }
0x288: {  	[sflag:s10] =	ssyncadd.s32 $0xFFFFD800  }
0x289: {  	[tilespmem:s18], [sflag:$0x3] =	stream.indirect.gather [hbm4b:s4+s12], $0x80, s6, s12, $0xb8;
	[tilespmem:$0x1D800] =	vst v63  }
0x28a: {  	_ =	swait.ge [sflag:s19], $0x2800  }
0x28b: {  	s7 =	sld [smem:$0x7F7]  }
0x28c: {  	[sflag:s19] =	ssyncset.done $0x0  }
0x28d: {  	[sflag:s19] =	ssyncadd.s32 $0xFFFFD800  }
0x28e: {  	[spmem:s2] =	stream.indirect.scatter.add.f32 [tilespmem:s13], [sflag:$0x4], $0x80, s7, s12, $0xb8;
	[tilespmem:$0x1D800] =	vst v63  }
0x28f: {  	_ =	swait.ge [sflag:s10], $0x2800  }
0x290: {  	s8 =	sld [smem:$0x7F8]  }
0x291: {  	[sflag:s10] =	ssyncset.done $0x0  }
0x292: {  	[sflag:s10] =	ssyncadd.s32 $0xFFFFD800  }
0x293: {  	[tilespmem:s13], [sflag:$0x1] =	stream.indirect.gather [hbm4b:s4+s12], $0x80, s8, s12, $0xb8;
	[tilespmem:$0x1D800] =	vst v63  }
0x294: {  	_ =	swait.ge [sflag:s20], $0x2800  }
0x295: {  	s9 =	sld [smem:$0x7F9]  }
0x296: {  	[sflag:s20] =	ssyncset.done $0x0  }
0x297: {  	[sflag:s20] =	ssyncadd.s32 $0xFFFFD800  }
0x298: {  	[spmem:s2] =	stream.indirect.scatter.add.f32 [tilespmem:s15], [sflag:$0x4], $0x80, s9, s12, $0xb8;
	[tilespmem:$0x1D800] =	vst v63  }
0x299: {  	_ =	swait.ge [sflag:s10], $0x2800  }
0x29a: {  	s14 =	sld [smem:$0x7FA]  }
0x29b: {  	[sflag:s10] =	ssyncset.done $0x0  }
0x29c: {  	[sflag:s10] =	ssyncadd.s32 $0xFFFFD800  }
0x29d: {  	[tilespmem:s15], [sflag:$0x2] =	stream.indirect.gather [hbm4b:s4+s12], $0x80, s14, s12, $0xb8;
	[tilespmem:$0x1D800] =	vst v63  }
0x29e: {  	_ =	swait.ge [sflag:s21], $0x2800  }
0x29f: {  	s6 =	sld [smem:$0x7FB]  }
0x2a0: {  	[sflag:s21] =	ssyncset.done $0x0  }
0x2a1: {  	[sflag:s21] =	ssyncadd.s32 $0xFFFFD800  }
0x2a2: {  	[spmem:s2] =	stream.indirect.scatter.add.f32 [tilespmem:s18], [sflag:$0x4], $0x80, s6, s12, $0xb8;
	[tilespmem:$0x1D800] =	vst v63  }
0x2a3: {  	_ =	swait.ge [sflag:s10], $0x2800  }
0x2a4: {  	s7 =	sld [smem:$0x7FC]  }
0x2a5: {  	[sflag:s10] =	ssyncset.done $0x0  }
0x2a6: {  	[sflag:s10] =	ssyncadd.s32 $0xFFFFD800  }
0x2a7: {  	[tilespmem:s18], [sflag:$0x3] =	stream.indirect.gather [hbm4b:s4+s12], $0x80, s7, s12, $0xb8;
	[tilespmem:$0x1D800] =	vst v63  }
0x2a8: {  	_ =	swait.ge [sflag:s19], $0x2800  }
0x2a9: {  	s8 =	sld [smem:$0x7FD]  }
0x2aa: {  	[sflag:s19] =	ssyncset.done $0x0  }
0x2ab: {  	[sflag:s19] =	ssyncadd.s32 $0xFFFFD800  }
0x2ac: {  	[spmem:s2] =	stream.indirect.scatter.add.f32 [tilespmem:s13], [sflag:$0x4], $0x80, s8, s12, $0xb8;
	[tilespmem:$0x1D800] =	vst v63  }
0x2ad: {  	_ =	swait.ge [sflag:s10], $0x2800  }
0x2ae: {  	[sflag:s10] =	ssyncset.done $0x0  }
0x2af: {  	[sflag:s10] =	ssyncadd.s32 $0xFFFFD800  }
0x2b0: {  	[tilespmem:s13], [sflag:$0x1] =	stream.indirect.gather [hbm4b:s4+s12], $0x80, s22, s12, $0xb8;
	[tilespmem:$0x1D800] =	vst v63  }
0x2b1: {  	_ =	swait.ge [sflag:s20], $0x2800  }
0x2b2: {  	[sflag:s20] =	ssyncset.done $0x0  }
0x2b3: {  	[sflag:s20] =	ssyncadd.s32 $0xFFFFD800  }
0x2b4: {  	[spmem:s2] =	stream.indirect.scatter.add.f32 [tilespmem:s15], [sflag:$0x4], $0x80, s23, s12, $0xb8;
	[tilespmem:$0x1D800] =	vst v63  }
0x2b5: {  	_ =	swait.ge [sflag:s10], $0x2800  }
0x2b6: {  	[sflag:s10] =	ssyncset.done $0x0  }
0x2b7: {  	[sflag:s10] =	ssyncadd.s32 $0xFFFFD800  }
0x2b8: {  	[tilespmem:s15], [sflag:$0x2] =	stream.indirect.gather [hbm4b:s4+s12], $0x80, s24, s12, $0xb8;
	[tilespmem:$0x1D800] =	vst v63  }
0x2b9: {  	_ =	swait.ge [sflag:s21], $0x2800  }
0x2ba: {  	[sflag:s21] =	ssyncset.done $0x0  }
0x2bb: {  	[sflag:s21] =	ssyncadd.s32 $0xFFFFD800  }
0x2bc: {  	[spmem:s2] =	stream.indirect.scatter.add.f32 [tilespmem:s18], [sflag:$0x4], $0x80, s25, s12, $0xb8;
	[tilespmem:$0x1D800] =	vst v63  }
0x2bd: {  	_ =	swait.ge [sflag:s10], $0x2800  }
0x2be: {  	[sflag:s10] =	ssyncset.done $0x0  }
0x2bf: {  	[sflag:s10] =	ssyncadd.s32 $0xFFFFD800  }
0x2c0: {  	[tilespmem:s18], [sflag:$0x3] =	stream.indirect.gather [hbm4b:s4+s12], $0x80, s26, s12, $0xb8;
	[tilespmem:$0x1D800] =	vst v63  }
0x2c1: {  	_ =	swait.ge [sflag:s19], $0x2800  }
0x2c2: {  	[sflag:s19] =	ssyncset.done $0x0  }
0x2c3: {  	[sflag:s19] =	ssyncadd.s32 $0xFFFFD800  }
0x2c4: {  	[spmem:s2] =	stream.indirect.scatter.add.f32 [tilespmem:s13], [sflag:$0x4], $0x80, s28, s12, $0xb8;
	[tilespmem:$0x1D800] =	vst v63  }
0x2c5: {  	_ =	swait.ge [sflag:s10], $0x2800  }
0x2c6: {  	[sflag:s10] =	ssyncset.done $0x0  }
0x2c7: {  	[sflag:s10] =	ssyncadd.s32 $0xFFFFD800  }
0x2c8: {  	[tilespmem:s13], [sflag:$0x1] =	stream.indirect.gather [hbm4b:s4+s12], $0x80, s29, s12, $0xb8;
	[tilespmem:$0x1D800] =	vst v63  }
0x2c9: {  	_ =	swait.ge [sflag:s20], $0x2800  }
0x2ca: {  	[sflag:s20] =	ssyncset.done $0x0  }
0x2cb: {  	[sflag:s20] =	ssyncadd.s32 $0xFFFFD800  }
0x2cc: {  	[spmem:s2] =	stream.indirect.scatter.add.f32 [tilespmem:s15], [sflag:$0x4], $0x80, s30, s12, $0xb8;
	[tilespmem:$0x1D800] =	vst v63  }
0x2cd: {  	_ =	swait.ge [sflag:s10], $0x2800  }
0x2ce: {  	[sflag:s10] =	ssyncset.done $0x0  }
0x2cf: {  	[sflag:s10] =	ssyncadd.s32 $0xFFFFD800  }
0x2d0: {  	_ =	swait.ge [sflag:s21], $0x2800  }
0x2d1: {  	[sflag:s21] =	ssyncset.done $0x0  }
0x2d2: {  	[sflag:s21] =	ssyncadd.s32 $0xFFFFD800  }
0x2d3: {  	[spmem:s2] =	stream.indirect.scatter.add.f32 [tilespmem:s18], [sflag:$0x4], $0x80, s31, s12, $0xb8;
	[tilespmem:$0x1D800] =	vst v63  }
0x2d4: {  	_ =	swait.ge [sflag:s10], $0x2800  }
0x2d5: {  	[sflag:s10] =	ssyncset.done $0x0  }
0x2d6: {  	[sflag:s10] =	ssyncadd.s32 $0xFFFFD800  }
0x2d7: {  	_ =	swait.ge [sflag:s19], $0x2800  }
0x2d8: {  	[sflag:s19] =	ssyncset.done $0x0  }
0x2d9: {  	[sflag:s19] =	ssyncadd.s32 $0xFFFFD800  }
0x2da: {  	[spmem:s2] =	stream.indirect.scatter.add.f32 [tilespmem:s13], [sflag:$0x4], $0x80, s1, s12, $0xb8;
	[tilespmem:$0x1D800] =	vst v63  }
0x2db: {  	_ =	swait.ge [sflag:s10], $0x2800  }
0x2dc: {  	[sflag:s10] =	ssyncset.done $0x0  }
0x2dd: {  	[sflag:s10] =	ssyncadd.s32 $0xFFFFD800  }
0x2de: {  	[bflag:$0x0] =	sbarrier.arrive $0xFFFF  }
0x2df: {  	s9 =	sld [smem:$0x7F2];
	_ =	sdelay $0x2  }
0x2e0: {  	[hbm:s9], [sflag:s16] =	dma.local [spmem:s17], $0x2800  }
0x2e1: {  	_ =	swait.ge [sflag:s10], $0x2800  }
0x2e2: {  	s14 =	sld [smem:$0x7F3];
	_ =	sdelay $0x1  }
0x2e3: {  	s0 =	sadd.s32 $0x1, s0  }
0x2e4: {  	p0 =	sne.s32 s0, s14  }
.Ltmp1:
0x2e5: {  	_ = 	snop;
	(pc) =	sbr.rel @p0 .LBB2_1-.Ltmp1, $3  }
0x2e6: {  	_ =	sdelay $0x1  }
0x2e7: {  	[sflag:s10] =	ssyncset.done $0x0  }
0x2e8: {  	[sflag:s10] =	ssyncadd.s32 $0xFFFFD800  }
0x2e9: {  	_ =	sfence.sel $0x180000  }
0x2ea: {  	[bflag:$0x0] =	sbarrier.arrive $0xFFFF  }
0x2eb: {  	_ =	strace $0x9000004A  }
0x2ec: {  	s0 =	stileid.u32;
	[bflag:$0x2] =	sbarrier.arrive $0xFFFF  }
0x2ed: {  	p0 =	sne.s32 s0, $0x0;
	s0 =	rddreg [dreg:$0x2]  }
0x2ee: {  	s0 =	sadd.s32 @!p0 $0x100000, s0  }
0x2ef: {  	[sflag:s0] =	ssyncadd.tile.s32 @!p0 $0x1;
	_ =	shalt  }
.Lfunc_end2:
_tile_overlayer_lowered:
.L_overlay_start_2:
0x2f0: {  	(tag) =	ssettag $0x2  }
0x2f1: {  	s0 =	rddreg [dreg:$0x0];
	s2 =	stileid.u32  }
0x2f2: {  	s1 =	rddreg [dreg:$0x1];
	p0 =	sne.s32 s2, $0x0  }
0x2f3: {  	s3 =	rddreg [dreg:$0x2];
	[bflag:$0x3] =	sbarrier.arrive $0xFFFF;
	s2 =	simm.s32 @!p0 $0x1C04  }
0x2f4: {  	[timem:s3], [sflag:s2] =	dma.local @!p0 [hbm:s0], s1  }
0x2f5: {  	s0 =	simm.s32 @!p0 $0x4  }
0x2f6: {  	_ =	swait.ge @!p0 [sflag:s0], s1  }
0x2f7: {  	s1 =	ssub.s32 @!p0 $0x0, s1;
	[sflag:s0] =	ssyncset.done @!p0 $0x0  }
0x2f8: {  	[sflag:s0] =	ssyncadd.s32 @!p0 s1  }
0x2f9: {  	[bflag:$0x3] =	sbarrier.arrive $0xFFFF  }
0x2fa: {  	_ =	shalt  }

</sc_bundles>
